<compile_context>
chip_gen: v7x
topology: tpu7x:2x2x1
jax: 0.10.2.dev20260603
libtpu: 0.0.44.dev20260713+nightly
codegen_flags: <defaults>
</compile_context>

<pallas_src>
import functools

import jax
import jax.numpy as jnp
from jax import lax
from jax.experimental import pallas as pl
from jax.experimental.pallas import tpu as pltpu
from jax.experimental.pallas import tpu_sc as plsc

_LANES = 16


@functools.cache
def _make_sc_add(batch, seq_len, d_model, n_workers, n_cores, chunk_rows):
    n_rows = batch * seq_len
    s_w = seq_len // n_workers
    n_sc = s_w // chunk_rows
    n_steps = n_sc * batch
    groups = chunk_rows * d_model // _LANES
    gpr = d_model // _LANES

    mesh = plsc.VectorSubcoreMesh(core_axis_name="c", subcore_axis_name="s")

    @functools.partial(
        pl.kernel,
        out_type=jax.ShapeDtypeStruct((n_rows, d_model), jnp.float32),
        mesh=mesh,
        scratch_types=(
            [pltpu.VMEM((chunk_rows, d_model), jnp.float32) for _ in range(6)]
            + [pltpu.SemaphoreType.DMA for _ in range(10)]
        ),
        compiler_params=pltpu.CompilerParams(use_tc_tiling_on_sc=True),
    )
    def sc_add(x_hbm, pe_hbm, o_hbm,
               ob0, ob1, ob2, ob3, pb0, pb1,
               sx0, sx1, sx2, sx3, so0, so1, so2, so3, sp0, sp1):
        w = lax.axis_index("s") * n_cores + lax.axis_index("c")
        sbase = w * s_w
        obufs = (ob0, ob1, ob2, ob3)
        pbufs = (pb0, pb1)
        sin_x = (sx0, sx1, sx2, sx3)
        souts = (so0, so1, so2, so3)
        sin_p = (sp0, sp1)

        def xrow(t):
            return (t % batch) * seq_len + sbase + (t // batch) * chunk_rows

        def x_copy(t, b):
            return pltpu.make_async_copy(
                x_hbm.at[pl.ds(xrow(t), chunk_rows)], obufs[b], sin_x[b])

        def pe_copy(sc, b):
            return pltpu.make_async_copy(
                pe_hbm.at[pl.ds(sbase + sc * chunk_rows, chunk_rows)],
                pbufs[b], sin_p[b])

        def out_copy(t, b):
            return pltpu.make_async_copy(
                obufs[b], o_hbm.at[pl.ds(xrow(t), chunk_rows)], souts[b])

        for b in range(2):
            x_copy(b, b).start()
            pe_copy(b, b).start()

        @pl.loop(0, n_steps, step=2 * batch)
        def _step_loop(tt):
            for q in range(2 * batch):
                t = tt + q
                b = q % 4
                pset = (q // batch) % 2
                sc = t // batch

                if q % batch == 0:
                    pe_copy(sc, pset).wait()

                x_copy(t, b).wait()

                @pl.when(t + 2 < n_steps)
                def _():
                    @pl.when(t >= 2)
                    def _():
                        out_copy(t - 2, (q + 2) % 4).wait()
                    x_copy(t + 2, (q + 2) % 4).start()

                pb, ob = pbufs[pset], obufs[b]

                @plsc.parallel_loop(0, groups, step=1, unroll=8)
                def _(g):
                    r = g // gpr
                    j = (g % gpr) * _LANES
                    plsc.addupdate(ob.at[r, pl.ds(j, _LANES)],
                                   pb[r, pl.ds(j, _LANES)])

                out_copy(t, b).start()

                if q % batch == batch - 1:
                    @pl.when(sc + 2 < n_sc)
                    def _():
                        pe_copy(sc + 2, pset).start()

        for d in range(4):
            t = n_steps - 4 + d
            out_copy(t, t % 4).wait()

    return sc_add


def kernel(x, pe):
    batch, seq_len, d_model = x.shape
    n_workers = 32
    n_cores = 2
    chunk_rows = 16

    x2 = x.reshape(batch * seq_len, d_model)
    pe2 = pe[:seq_len]
    fn = _make_sc_add(batch, seq_len, d_model, n_workers, n_cores,
                      chunk_rows)
    out = fn(x2, pe2)
    return out.reshape(x.shape)

# --- scband reference (transcript-rebuilt; emitter-appended) ---
"""Pipeline reference for scband-learned-positional-encoding-52905407152180 (READ-ONLY COPY).

The authoritative reference and input builder live on the scoring server;
editing this copy changes nothing except your own understanding.
"""

import jax, jax.numpy as jnp
import numpy as np

D_MODEL = 1024
MAX_LEN = 8192
BATCH = 4
SEQ_LEN = 8192


def setup_inputs(seed: int = 0) -> dict:
    key = jax.random.key(seed)
    k_x, k_pe = jax.random.split(key)
    x = jax.random.normal(k_x, (BATCH, SEQ_LEN, D_MODEL), dtype=jnp.float32)
    # nn.Embedding default init: N(0, 1)
    pe = jax.random.normal(k_pe, (MAX_LEN, D_MODEL), dtype=jnp.float32)
    return {"x": x, "pe": pe}


def reference(x, pe):
    batch_size, seq_len, d_model = x.shape
    # positions: [batch, seq_len]
    positions = jnp.broadcast_to(jnp.arange(seq_len)[None, :], (batch_size, seq_len))
    # embedding lookup (gather rows of pe)
    pos_embeddings = jnp.take(pe, positions, axis=0)  # [batch, seq_len, d_model]
    out = x + pos_embeddings
    # dropout is identity in eval mode
    return out

if __name__ == "__main__":
    import jax
    _d = setup_inputs()
    print(jax.jit(kernel)(*tuple(_d.values())))

</pallas_src>

<mosaic_0001>
#map = affine_map<(d0, d1) -> (0, 0)>
module attributes {stable_mosaic.version = 14 : i64} {
  func.func @sc_add(%arg0: i32, %arg1: i32, %arg2: memref<32768x1024xf32, #tpu.memory_space<hbm>>, %arg3: memref<8192x1024xf32, #tpu.memory_space<hbm>>, %arg4: memref<32768x1024xf32, #tpu.memory_space<hbm>>, %arg5: memref<16x1024xf32, #tpu.memory_space<vmem>>, %arg6: memref<16x1024xf32, #tpu.memory_space<vmem>>, %arg7: memref<16x1024xf32, #tpu.memory_space<vmem>>, %arg8: memref<16x1024xf32, #tpu.memory_space<vmem>>, %arg9: memref<16x1024xf32, #tpu.memory_space<vmem>>, %arg10: memref<16x1024xf32, #tpu.memory_space<vmem>>, %arg11: memref<!tpu.dma_semaphore, #tpu.memory_space<semaphore_mem>>, %arg12: memref<!tpu.dma_semaphore, #tpu.memory_space<semaphore_mem>>, %arg13: memref<!tpu.dma_semaphore, #tpu.memory_space<semaphore_mem>>, %arg14: memref<!tpu.dma_semaphore, #tpu.memory_space<semaphore_mem>>, %arg15: memref<!tpu.dma_semaphore, #tpu.memory_space<semaphore_mem>>, %arg16: memref<!tpu.dma_semaphore, #tpu.memory_space<semaphore_mem>>, %arg17: memref<!tpu.dma_semaphore, #tpu.memory_space<semaphore_mem>>, %arg18: memref<!tpu.dma_semaphore, #tpu.memory_space<semaphore_mem>>, %arg19: memref<!tpu.dma_semaphore, #tpu.memory_space<semaphore_mem>>, %arg20: memref<!tpu.dma_semaphore, #tpu.memory_space<semaphore_mem>>) attributes {dimension_semantics = [#tpu.dimension_semantics<core_parallel>, #tpu.dimension_semantics<subcore_parallel>], iteration_bounds = array<i64: 2, 16>, scalar_prefetch = 0 : i64, scratch_operands = 16 : i64, tpu.core_type = #tpu.core_type<sc_vector_subcore>, window_params = [{transform_indices = #map}, {transform_indices = #map}, {transform_indices = #map}]} {
    %mul3A = arith.constant 2 : i32
    %mul3A_0 = arith.muli %arg1, %mul3A : i32
    %add3A = arith.addi %mul3A_0, %arg0 : i32
    %mul3A_1 = arith.constant 256 : i32
    %mul3A_2 = arith.muli %add3A, %mul3A_1 : i32
    %add3A_3 = arith.constant 0 : i32
    %add3A_4 = arith.addi %add3A_3, %mul3A_2 : i32
    %add3A_5 = arith.constant 0 : i32
    %add3A_6 = arith.addi %add3A_4, %add3A_5 : i32
    %dma_start3A = arith.constant 0 : i32
    %dma_start3A_7 = tpu.memref_slice %arg2[%add3A_6, %dma_start3A] : memref<32768x1024xf32, #tpu.memory_space<hbm>> -> memref<16x1024xf32, #tpu.memory_space<hbm>>
    %dma_start3A_8 = arith.constant 0 : i32
    %dma_start3A_9 = tpu.memref_slice %arg2[%add3A_6, %dma_start3A_8] : memref<32768x1024xf32, #tpu.memory_space<hbm>> -> memref<16x1024xf32, #tpu.memory_space<hbm>>
    tpu.enqueue_dma source(%dma_start3A_9 : memref<16x1024xf32, #tpu.memory_space<hbm>>) target(%arg5 : memref<16x1024xf32, #tpu.memory_space<vmem>>) target_semaphore(%arg11 : memref<!tpu.dma_semaphore, #tpu.memory_space<semaphore_mem>>)
    %add3A_10 = arith.constant 0 : i32
    %add3A_11 = arith.addi %mul3A_2, %add3A_10 : i32
    %dma_start3A_12 = arith.constant 0 : i32
    %dma_start3A_13 = tpu.memref_slice %arg3[%add3A_11, %dma_start3A_12] : memref<8192x1024xf32, #tpu.memory_space<hbm>> -> memref<16x1024xf32, #tpu.memory_space<hbm>>
    %dma_start3A_14 = arith.constant 0 : i32
    %dma_start3A_15 = tpu.memref_slice %arg3[%add3A_11, %dma_start3A_14] : memref<8192x1024xf32, #tpu.memory_space<hbm>> -> memref<16x1024xf32, #tpu.memory_space<hbm>>
    tpu.enqueue_dma source(%dma_start3A_15 : memref<16x1024xf32, #tpu.memory_space<hbm>>) target(%arg9 : memref<16x1024xf32, #tpu.memory_space<vmem>>) target_semaphore(%arg19 : memref<!tpu.dma_semaphore, #tpu.memory_space<semaphore_mem>>)
    %add3A_16 = arith.constant 8192 : i32
    %add3A_17 = arith.addi %add3A_16, %mul3A_2 : i32
    %add3A_18 = arith.constant 0 : i32
    %add3A_19 = arith.addi %add3A_17, %add3A_18 : i32
    %dma_start3A_20 = arith.constant 0 : i32
    %dma_start3A_21 = tpu.memref_slice %arg2[%add3A_19, %dma_start3A_20] : memref<32768x1024xf32, #tpu.memory_space<hbm>> -> memref<16x1024xf32, #tpu.memory_space<hbm>>
    %dma_start3A_22 = arith.constant 0 : i32
    %dma_start3A_23 = tpu.memref_slice %arg2[%add3A_19, %dma_start3A_22] : memref<32768x1024xf32, #tpu.memory_space<hbm>> -> memref<16x1024xf32, #tpu.memory_space<hbm>>
    tpu.enqueue_dma source(%dma_start3A_23 : memref<16x1024xf32, #tpu.memory_space<hbm>>) target(%arg6 : memref<16x1024xf32, #tpu.memory_space<vmem>>) target_semaphore(%arg12 : memref<!tpu.dma_semaphore, #tpu.memory_space<semaphore_mem>>)
    %add3A_24 = arith.constant 16 : i32
    %add3A_25 = arith.addi %mul3A_2, %add3A_24 : i32
    %dma_start3A_26 = arith.constant 0 : i32
    %dma_start3A_27 = tpu.memref_slice %arg3[%add3A_25, %dma_start3A_26] : memref<8192x1024xf32, #tpu.memory_space<hbm>> -> memref<16x1024xf32, #tpu.memory_space<hbm>>
    %dma_start3A_28 = arith.constant 0 : i32
    %dma_start3A_29 = tpu.memref_slice %arg3[%add3A_25, %dma_start3A_28] : memref<8192x1024xf32, #tpu.memory_space<hbm>> -> memref<16x1024xf32, #tpu.memory_space<hbm>>
    tpu.enqueue_dma source(%dma_start3A_29 : memref<16x1024xf32, #tpu.memory_space<hbm>>) target(%arg10 : memref<16x1024xf32, #tpu.memory_space<vmem>>) target_semaphore(%arg20 : memref<!tpu.dma_semaphore, #tpu.memory_space<semaphore_mem>>)
    %scan3A = arith.constant 0 : i32
    %scan3A_30 = arith.constant 8 : i32
    %scan3A_31 = arith.addi %scan3A, %scan3A_30 : i32
    %scan3A_32 = arith.constant 1 : i32
    scf.for %scan3A_65 = %scan3A to %scan3A_31 step %scan3A_32  : i32 {
      %mul3A_66 = arith.constant 8 : i32
      %mul3A_67 = arith.muli %scan3A_65, %mul3A_66 : i32
      %add3A_68 = arith.constant 0 : i32
      %add3A_69 = arith.addi %add3A_68, %mul3A_67 : i32
      %add3A_70 = arith.constant 0 : i32
      %add3A_71 = arith.addi %add3A_69, %add3A_70 : i32
      %jit3A = arith.constant 4 : i32
      %div3A = arith.divsi %add3A_71, %jit3A : i32
      %sign3A = arith.constant 0 : i32
      %sign3A_72 = arith.cmpi sgt, %add3A_71, %sign3A : i32
      %sign3A_73 = arith.extui %sign3A_72 : i1 to i32
      %sign3A_74 = arith.constant 0 : i32
      %sign3A_75 = arith.cmpi slt, %add3A_71, %sign3A_74 : i32
      %sign3A_76 = arith.extui %sign3A_75 : i1 to i32
      %sign3A_77 = arith.subi %sign3A_73, %sign3A_76 : i32
      %sign3A_78 = arith.constant 0 : i32
      %sign3A_79 = arith.cmpi sgt, %jit3A, %sign3A_78 : i32
      %sign3A_80 = arith.extui %sign3A_79 : i1 to i32
      %sign3A_81 = arith.constant 0 : i32
      %sign3A_82 = arith.cmpi slt, %jit3A, %sign3A_81 : i32
      %sign3A_83 = arith.extui %sign3A_82 : i1 to i32
      %sign3A_84 = arith.subi %sign3A_80, %sign3A_83 : i32
      %ne3A = arith.cmpi ne, %sign3A_77, %sign3A_84 : i32
      %rem3A = arith.remsi %add3A_71, %jit3A : i32
      %ne3A_85 = arith.constant 0 : i32
      %ne3A_86 = arith.cmpi ne, %rem3A, %ne3A_85 : i32
      %and3A = arith.andi %ne3A, %ne3A_86 : i1
      %sub3A = arith.constant 1 : i32
      %sub3A_87 = arith.subi %div3A, %sub3A : i32
      %select_n3A = arith.select %and3A, %sub3A_87, %div3A : i32
      %mul3A_88 = arith.constant 16 : i32
      %mul3A_89 = arith.muli %select_n3A, %mul3A_88 : i32
      %add3A_90 = arith.addi %mul3A_2, %mul3A_89 : i32
      %dma_wait3A_91 = arith.constant 0 : i32
      %dma_wait3A_92 = tpu.memref_slice %arg3[%add3A_90, %dma_wait3A_91] : memref<8192x1024xf32, #tpu.memory_space<hbm>> -> memref<16x1024xf32, #tpu.memory_space<hbm>>
      %dma_wait3A_93 = arith.constant 0 : i32
      %dma_wait3A_94 = tpu.memref_slice %arg3[%add3A_90, %dma_wait3A_93] : memref<8192x1024xf32, #tpu.memory_space<hbm>> -> memref<16x1024xf32, #tpu.memory_space<hbm>>
      tpu.wait_dma2 semaphore(%arg19 : memref<!tpu.dma_semaphore, #tpu.memory_space<semaphore_mem>>) src(%dma_wait3A_94 : memref<16x1024xf32, #tpu.memory_space<hbm>>) dst(%arg9 : memref<16x1024xf32, #tpu.memory_space<vmem>>)
      %jit3A_95 = arith.constant 4 : i32
      %eq3A = arith.constant 0 : i32
      %eq3A_96 = arith.cmpi eq, %jit3A_95, %eq3A : i32
      %jit3A_97 = arith.constant 1 : i32
      %select_n3A_98 = arith.select %eq3A_96, %jit3A_97, %jit3A_95 : i32
      %rem3A_99 = arith.remsi %add3A_71, %select_n3A_98 : i32
      %ne3A_100 = arith.constant 0 : i32
      %ne3A_101 = arith.cmpi ne, %rem3A_99, %ne3A_100 : i32
      %lt3A = arith.constant 0 : i32
      %lt3A_102 = arith.cmpi slt, %rem3A_99, %lt3A : i32
      %lt3A_103 = arith.constant 0 : i32
      %lt3A_104 = arith.cmpi slt, %select_n3A_98, %lt3A_103 : i32
      %ne3A_105 = arith.xori %lt3A_102, %lt3A_104 : i1
      %and3A_106 = arith.andi %ne3A_105, %ne3A_101 : i1
      %add3A_107 = arith.addi %rem3A_99, %select_n3A_98 : i32
      %select_n3A_108 = arith.select %and3A_106, %add3A_107, %rem3A_99 : i32
      %mul3A_109 = arith.constant 8192 : i32
      %mul3A_110 = arith.muli %select_n3A_108, %mul3A_109 : i32
      %add3A_111 = arith.addi %mul3A_110, %mul3A_2 : i32
      %jit3A_112 = arith.constant 4 : i32
      %div3A_113 = arith.divsi %add3A_71, %jit3A_112 : i32
      %sign3A_114 = arith.constant 0 : i32
      %sign3A_115 = arith.cmpi sgt, %add3A_71, %sign3A_114 : i32
      %sign3A_116 = arith.extui %sign3A_115 : i1 to i32
      %sign3A_117 = arith.constant 0 : i32
      %sign3A_118 = arith.cmpi slt, %add3A_71, %sign3A_117 : i32
      %sign3A_119 = arith.extui %sign3A_118 : i1 to i32
      %sign3A_120 = arith.subi %sign3A_116, %sign3A_119 : i32
      %sign3A_121 = arith.constant 0 : i32
      %sign3A_122 = arith.cmpi sgt, %jit3A_112, %sign3A_121 : i32
      %sign3A_123 = arith.extui %sign3A_122 : i1 to i32
      %sign3A_124 = arith.constant 0 : i32
      %sign3A_125 = arith.cmpi slt, %jit3A_112, %sign3A_124 : i32
      %sign3A_126 = arith.extui %sign3A_125 : i1 to i32
      %sign3A_127 = arith.subi %sign3A_123, %sign3A_126 : i32
      %ne3A_128 = arith.cmpi ne, %sign3A_120, %sign3A_127 : i32
      %rem3A_129 = arith.remsi %add3A_71, %jit3A_112 : i32
      %ne3A_130 = arith.constant 0 : i32
      %ne3A_131 = arith.cmpi ne, %rem3A_129, %ne3A_130 : i32
      %and3A_132 = arith.andi %ne3A_128, %ne3A_131 : i1
      %sub3A_133 = arith.constant 1 : i32
      %sub3A_134 = arith.subi %div3A_113, %sub3A_133 : i32
      %select_n3A_135 = arith.select %and3A_132, %sub3A_134, %div3A_113 : i32
      %mul3A_136 = arith.constant 16 : i32
      %mul3A_137 = arith.muli %select_n3A_135, %mul3A_136 : i32
      %add3A_138 = arith.addi %add3A_111, %mul3A_137 : i32
      %dma_wait3A_139 = arith.constant 0 : i32
      %dma_wait3A_140 = tpu.memref_slice %arg2[%add3A_138, %dma_wait3A_139] : memref<32768x1024xf32, #tpu.memory_space<hbm>> -> memref<16x1024xf32, #tpu.memory_space<hbm>>
      %dma_wait3A_141 = arith.constant 0 : i32
      %dma_wait3A_142 = tpu.memref_slice %arg2[%add3A_138, %dma_wait3A_141] : memref<32768x1024xf32, #tpu.memory_space<hbm>> -> memref<16x1024xf32, #tpu.memory_space<hbm>>
      tpu.wait_dma2 semaphore(%arg11 : memref<!tpu.dma_semaphore, #tpu.memory_space<semaphore_mem>>) src(%dma_wait3A_142 : memref<16x1024xf32, #tpu.memory_space<hbm>>) dst(%arg5 : memref<16x1024xf32, #tpu.memory_space<vmem>>)
      %add3A_143 = arith.constant 2 : i32
      %add3A_144 = arith.addi %add3A_71, %add3A_143 : i32
      %lt3A_145 = arith.constant 64 : i32
      %lt3A_146 = arith.cmpi slt, %add3A_144, %lt3A_145 : i32
      %convert_element_type3A = arith.extui %lt3A_146 : i1 to i32
      %cond3A = arith.constant 0 : i32
      %cond3A_147 = arith.cmpi ne, %convert_element_type3A, %cond3A : i32
      scf.if %cond3A_147 {
        %ge3A = arith.constant 2 : i32
        %ge3A_1173 = arith.cmpi sge, %add3A_71, %ge3A : i32
        %convert_element_type3A_1174 = arith.extui %ge3A_1173 : i1 to i32
        %cond3A_1175 = arith.constant 0 : i32
        %cond3A_1176 = arith.cmpi ne, %convert_element_type3A_1174, %cond3A_1175 : i32
        scf.if %cond3A_1176 {
          %sub3A_1229 = arith.constant 2 : i32
          %sub3A_1230 = arith.subi %add3A_71, %sub3A_1229 : i32
          %jit3A_1231 = arith.constant 4 : i32
          %eq3A_1232 = arith.constant 0 : i32
          %eq3A_1233 = arith.cmpi eq, %jit3A_1231, %eq3A_1232 : i32
          %jit3A_1234 = arith.constant 1 : i32
          %select_n3A_1235 = arith.select %eq3A_1233, %jit3A_1234, %jit3A_1231 : i32
          %rem3A_1236 = arith.remsi %sub3A_1230, %select_n3A_1235 : i32
          %ne3A_1237 = arith.constant 0 : i32
          %ne3A_1238 = arith.cmpi ne, %rem3A_1236, %ne3A_1237 : i32
          %lt3A_1239 = arith.constant 0 : i32
          %lt3A_1240 = arith.cmpi slt, %rem3A_1236, %lt3A_1239 : i32
          %lt3A_1241 = arith.constant 0 : i32
          %lt3A_1242 = arith.cmpi slt, %select_n3A_1235, %lt3A_1241 : i32
          %ne3A_1243 = arith.xori %lt3A_1240, %lt3A_1242 : i1
          %and3A_1244 = arith.andi %ne3A_1243, %ne3A_1238 : i1
          %add3A_1245 = arith.addi %rem3A_1236, %select_n3A_1235 : i32
          %select_n3A_1246 = arith.select %and3A_1244, %add3A_1245, %rem3A_1236 : i32
          %mul3A_1247 = arith.constant 8192 : i32
          %mul3A_1248 = arith.muli %select_n3A_1246, %mul3A_1247 : i32
          %add3A_1249 = arith.addi %mul3A_1248, %mul3A_2 : i32
          %jit3A_1250 = arith.constant 4 : i32
          %div3A_1251 = arith.divsi %sub3A_1230, %jit3A_1250 : i32
          %sign3A_1252 = arith.constant 0 : i32
          %sign3A_1253 = arith.cmpi sgt, %sub3A_1230, %sign3A_1252 : i32
          %sign3A_1254 = arith.extui %sign3A_1253 : i1 to i32
          %sign3A_1255 = arith.constant 0 : i32
          %sign3A_1256 = arith.cmpi slt, %sub3A_1230, %sign3A_1255 : i32
          %sign3A_1257 = arith.extui %sign3A_1256 : i1 to i32
          %sign3A_1258 = arith.subi %sign3A_1254, %sign3A_1257 : i32
          %sign3A_1259 = arith.constant 0 : i32
          %sign3A_1260 = arith.cmpi sgt, %jit3A_1250, %sign3A_1259 : i32
          %sign3A_1261 = arith.extui %sign3A_1260 : i1 to i32
          %sign3A_1262 = arith.constant 0 : i32
          %sign3A_1263 = arith.cmpi slt, %jit3A_1250, %sign3A_1262 : i32
          %sign3A_1264 = arith.extui %sign3A_1263 : i1 to i32
          %sign3A_1265 = arith.subi %sign3A_1261, %sign3A_1264 : i32
          %ne3A_1266 = arith.cmpi ne, %sign3A_1258, %sign3A_1265 : i32
          %rem3A_1267 = arith.remsi %sub3A_1230, %jit3A_1250 : i32
          %ne3A_1268 = arith.constant 0 : i32
          %ne3A_1269 = arith.cmpi ne, %rem3A_1267, %ne3A_1268 : i32
          %and3A_1270 = arith.andi %ne3A_1266, %ne3A_1269 : i1
          %sub3A_1271 = arith.constant 1 : i32
          %sub3A_1272 = arith.subi %div3A_1251, %sub3A_1271 : i32
          %select_n3A_1273 = arith.select %and3A_1270, %sub3A_1272, %div3A_1251 : i32
          %mul3A_1274 = arith.constant 16 : i32
          %mul3A_1275 = arith.muli %select_n3A_1273, %mul3A_1274 : i32
          %add3A_1276 = arith.addi %add3A_1249, %mul3A_1275 : i32
          %dma_wait3A_1277 = arith.constant 0 : i32
          %dma_wait3A_1278 = tpu.memref_slice %arg4[%add3A_1276, %dma_wait3A_1277] : memref<32768x1024xf32, #tpu.memory_space<hbm>> -> memref<16x1024xf32, #tpu.memory_space<hbm>>
          %dma_wait3A_1279 = arith.constant 0 : i32
          %dma_wait3A_1280 = tpu.memref_slice %arg4[%add3A_1276, %dma_wait3A_1279] : memref<32768x1024xf32, #tpu.memory_space<hbm>> -> memref<16x1024xf32, #tpu.memory_space<hbm>>
          tpu.wait_dma2 semaphore(%arg17 : memref<!tpu.dma_semaphore, #tpu.memory_space<semaphore_mem>>) src(%arg7 : memref<16x1024xf32, #tpu.memory_space<vmem>>) dst(%dma_wait3A_1280 : memref<16x1024xf32, #tpu.memory_space<hbm>>)
        } else {
        }
        %add3A_1177 = arith.constant 2 : i32
        %add3A_1178 = arith.addi %add3A_71, %add3A_1177 : i32
        %jit3A_1179 = arith.constant 4 : i32
        %eq3A_1180 = arith.constant 0 : i32
        %eq3A_1181 = arith.cmpi eq, %jit3A_1179, %eq3A_1180 : i32
        %jit3A_1182 = arith.constant 1 : i32
        %select_n3A_1183 = arith.select %eq3A_1181, %jit3A_1182, %jit3A_1179 : i32
        %rem3A_1184 = arith.remsi %add3A_1178, %select_n3A_1183 : i32
        %ne3A_1185 = arith.constant 0 : i32
        %ne3A_1186 = arith.cmpi ne, %rem3A_1184, %ne3A_1185 : i32
        %lt3A_1187 = arith.constant 0 : i32
        %lt3A_1188 = arith.cmpi slt, %rem3A_1184, %lt3A_1187 : i32
        %lt3A_1189 = arith.constant 0 : i32
        %lt3A_1190 = arith.cmpi slt, %select_n3A_1183, %lt3A_1189 : i32
        %ne3A_1191 = arith.xori %lt3A_1188, %lt3A_1190 : i1
        %and3A_1192 = arith.andi %ne3A_1191, %ne3A_1186 : i1
        %add3A_1193 = arith.addi %rem3A_1184, %select_n3A_1183 : i32
        %select_n3A_1194 = arith.select %and3A_1192, %add3A_1193, %rem3A_1184 : i32
        %mul3A_1195 = arith.constant 8192 : i32
        %mul3A_1196 = arith.muli %select_n3A_1194, %mul3A_1195 : i32
        %add3A_1197 = arith.addi %mul3A_1196, %mul3A_2 : i32
        %jit3A_1198 = arith.constant 4 : i32
        %div3A_1199 = arith.divsi %add3A_1178, %jit3A_1198 : i32
        %sign3A_1200 = arith.constant 0 : i32
        %sign3A_1201 = arith.cmpi sgt, %add3A_1178, %sign3A_1200 : i32
        %sign3A_1202 = arith.extui %sign3A_1201 : i1 to i32
        %sign3A_1203 = arith.constant 0 : i32
        %sign3A_1204 = arith.cmpi slt, %add3A_1178, %sign3A_1203 : i32
        %sign3A_1205 = arith.extui %sign3A_1204 : i1 to i32
        %sign3A_1206 = arith.subi %sign3A_1202, %sign3A_1205 : i32
        %sign3A_1207 = arith.constant 0 : i32
        %sign3A_1208 = arith.cmpi sgt, %jit3A_1198, %sign3A_1207 : i32
        %sign3A_1209 = arith.extui %sign3A_1208 : i1 to i32
        %sign3A_1210 = arith.constant 0 : i32
        %sign3A_1211 = arith.cmpi slt, %jit3A_1198, %sign3A_1210 : i32
        %sign3A_1212 = arith.extui %sign3A_1211 : i1 to i32
        %sign3A_1213 = arith.subi %sign3A_1209, %sign3A_1212 : i32
        %ne3A_1214 = arith.cmpi ne, %sign3A_1206, %sign3A_1213 : i32
        %rem3A_1215 = arith.remsi %add3A_1178, %jit3A_1198 : i32
        %ne3A_1216 = arith.constant 0 : i32
        %ne3A_1217 = arith.cmpi ne, %rem3A_1215, %ne3A_1216 : i32
        %and3A_1218 = arith.andi %ne3A_1214, %ne3A_1217 : i1
        %sub3A_1219 = arith.constant 1 : i32
        %sub3A_1220 = arith.subi %div3A_1199, %sub3A_1219 : i32
        %select_n3A_1221 = arith.select %and3A_1218, %sub3A_1220, %div3A_1199 : i32
        %mul3A_1222 = arith.constant 16 : i32
        %mul3A_1223 = arith.muli %select_n3A_1221, %mul3A_1222 : i32
        %add3A_1224 = arith.addi %add3A_1197, %mul3A_1223 : i32
        %dma_start3A_1225 = arith.constant 0 : i32
        %dma_start3A_1226 = tpu.memref_slice %arg2[%add3A_1224, %dma_start3A_1225] : memref<32768x1024xf32, #tpu.memory_space<hbm>> -> memref<16x1024xf32, #tpu.memory_space<hbm>>
        %dma_start3A_1227 = arith.constant 0 : i32
        %dma_start3A_1228 = tpu.memref_slice %arg2[%add3A_1224, %dma_start3A_1227] : memref<32768x1024xf32, #tpu.memory_space<hbm>> -> memref<16x1024xf32, #tpu.memory_space<hbm>>
        tpu.enqueue_dma source(%dma_start3A_1228 : memref<16x1024xf32, #tpu.memory_space<hbm>>) target(%arg7 : memref<16x1024xf32, #tpu.memory_space<vmem>>) target_semaphore(%arg13 : memref<!tpu.dma_semaphore, #tpu.memory_space<semaphore_mem>>)
      } else {
      }
      %parallel_loop3A = arith.constant 0 : i32
      %parallel_loop3A_148 = arith.constant 1024 : i32
      %parallel_loop3A_149 = arith.constant 1 : i32
      scf.for %parallel_loop3A_1173 = %parallel_loop3A to %parallel_loop3A_148 step %parallel_loop3A_149  : i32 {
        %parallel_loop3A_1174 = arith.constant 64 : i32
        %parallel_loop3A_1175 = arith.divsi %parallel_loop3A_1173, %parallel_loop3A_1174 : i32
        %parallel_loop3A_1176 = arith.constant 0 : i32
        %parallel_loop3A_1177 = arith.cmpi sgt, %parallel_loop3A_1173, %parallel_loop3A_1176 : i32
        %parallel_loop3A_1178 = arith.extui %parallel_loop3A_1177 : i1 to i32
        %parallel_loop3A_1179 = arith.constant 0 : i32
        %parallel_loop3A_1180 = arith.cmpi slt, %parallel_loop3A_1173, %parallel_loop3A_1179 : i32
        %parallel_loop3A_1181 = arith.extui %parallel_loop3A_1180 : i1 to i32
        %parallel_loop3A_1182 = arith.subi %parallel_loop3A_1178, %parallel_loop3A_1181 : i32
        %parallel_loop3A_1183 = arith.constant 0 : i32
        %parallel_loop3A_1184 = arith.cmpi sgt, %parallel_loop3A_1174, %parallel_loop3A_1183 : i32
        %parallel_loop3A_1185 = arith.extui %parallel_loop3A_1184 : i1 to i32
        %parallel_loop3A_1186 = arith.constant 0 : i32
        %parallel_loop3A_1187 = arith.cmpi slt, %parallel_loop3A_1174, %parallel_loop3A_1186 : i32
        %parallel_loop3A_1188 = arith.extui %parallel_loop3A_1187 : i1 to i32
        %parallel_loop3A_1189 = arith.subi %parallel_loop3A_1185, %parallel_loop3A_1188 : i32
        %parallel_loop3A_1190 = arith.cmpi ne, %parallel_loop3A_1182, %parallel_loop3A_1189 : i32
        %parallel_loop3A_1191 = arith.remsi %parallel_loop3A_1173, %parallel_loop3A_1174 : i32
        %parallel_loop3A_1192 = arith.constant 0 : i32
        %parallel_loop3A_1193 = arith.cmpi ne, %parallel_loop3A_1191, %parallel_loop3A_1192 : i32
        %parallel_loop3A_1194 = arith.andi %parallel_loop3A_1190, %parallel_loop3A_1193 : i1
        %parallel_loop3A_1195 = arith.constant 1 : i32
        %parallel_loop3A_1196 = arith.subi %parallel_loop3A_1175, %parallel_loop3A_1195 : i32
        %parallel_loop3A_1197 = arith.select %parallel_loop3A_1194, %parallel_loop3A_1196, %parallel_loop3A_1175 : i32
        %parallel_loop3A_1198 = arith.constant 64 : i32
        %parallel_loop3A_1199 = arith.constant 0 : i32
        %parallel_loop3A_1200 = arith.cmpi eq, %parallel_loop3A_1198, %parallel_loop3A_1199 : i32
        %parallel_loop3A_1201 = arith.constant 1 : i32
        %parallel_loop3A_1202 = arith.select %parallel_loop3A_1200, %parallel_loop3A_1201, %parallel_loop3A_1198 : i32
        %parallel_loop3A_1203 = arith.remsi %parallel_loop3A_1173, %parallel_loop3A_1202 : i32
        %parallel_loop3A_1204 = arith.constant 0 : i32
        %parallel_loop3A_1205 = arith.cmpi ne, %parallel_loop3A_1203, %parallel_loop3A_1204 : i32
        %parallel_loop3A_1206 = arith.constant 0 : i32
        %parallel_loop3A_1207 = arith.cmpi slt, %parallel_loop3A_1203, %parallel_loop3A_1206 : i32
        %parallel_loop3A_1208 = arith.constant 0 : i32
        %parallel_loop3A_1209 = arith.cmpi slt, %parallel_loop3A_1202, %parallel_loop3A_1208 : i32
        %parallel_loop3A_1210 = arith.xori %parallel_loop3A_1207, %parallel_loop3A_1209 : i1
        %parallel_loop3A_1211 = arith.andi %parallel_loop3A_1210, %parallel_loop3A_1205 : i1
        %parallel_loop3A_1212 = arith.addi %parallel_loop3A_1203, %parallel_loop3A_1202 : i32
        %parallel_loop3A_1213 = arith.select %parallel_loop3A_1211, %parallel_loop3A_1212, %parallel_loop3A_1203 : i32
        %parallel_loop3A_1214 = arith.constant 16 : i32
        %parallel_loop3A_1215 = arith.muli %parallel_loop3A_1213, %parallel_loop3A_1214 : i32
        %parallel_loop3A_1216 = arith.index_cast %parallel_loop3A_1197 : i32 to index
        %parallel_loop3A_1217 = arith.index_cast %parallel_loop3A_1215 : i32 to index
        %parallel_loop3A_1218 = tpu.vector_load %arg9[%parallel_loop3A_1216, %parallel_loop3A_1217] {strides = array<i32>} : memref<16x1024xf32, #tpu.memory_space<vmem>>, vector<1x16xf32>,
        %parallel_loop3A_1219 = vector.shape_cast %parallel_loop3A_1218 : vector<1x16xf32> to vector<16xf32>
        %parallel_loop3A_1220 = arith.index_cast %parallel_loop3A_1197 : i32 to index
        %parallel_loop3A_1221 = arith.index_cast %parallel_loop3A_1215 : i32 to index
        %parallel_loop3A_1222 = tpu.vector_load %arg5[%parallel_loop3A_1220, %parallel_loop3A_1221] {strides = array<i32>} : memref<16x1024xf32, #tpu.memory_space<vmem>>, vector<1x16xf32>,
        %parallel_loop3A_1223 = vector.shape_cast %parallel_loop3A_1222 : vector<1x16xf32> to vector<16xf32>
        %parallel_loop3A_1224 = vector.shape_cast %parallel_loop3A_1219 : vector<16xf32> to vector<1x16xf32>
        tpu.vector_store %arg5[%parallel_loop3A_1220, %parallel_loop3A_1221], %parallel_loop3A_1224 {add = true, strides = array<i32>} : memref<16x1024xf32, #tpu.memory_space<vmem>>, vector<1x16xf32>,
      } {sc.loop_unroll_factor = 8 : i64, sc.parallel_access}
      %jit3A_150 = arith.constant 4 : i32
      %eq3A_151 = arith.constant 0 : i32
      %eq3A_152 = arith.cmpi eq, %jit3A_150, %eq3A_151 : i32
      %jit3A_153 = arith.constant 1 : i32
      %select_n3A_154 = arith.select %eq3A_152, %jit3A_153, %jit3A_150 : i32
      %rem3A_155 = arith.remsi %add3A_71, %select_n3A_154 : i32
      %ne3A_156 = arith.constant 0 : i32
      %ne3A_157 = arith.cmpi ne, %rem3A_155, %ne3A_156 : i32
      %lt3A_158 = arith.constant 0 : i32
      %lt3A_159 = arith.cmpi slt, %rem3A_155, %lt3A_158 : i32
      %lt3A_160 = arith.constant 0 : i32
      %lt3A_161 = arith.cmpi slt, %select_n3A_154, %lt3A_160 : i32
      %ne3A_162 = arith.xori %lt3A_159, %lt3A_161 : i1
      %and3A_163 = arith.andi %ne3A_162, %ne3A_157 : i1
      %add3A_164 = arith.addi %rem3A_155, %select_n3A_154 : i32
      %select_n3A_165 = arith.select %and3A_163, %add3A_164, %rem3A_155 : i32
      %mul3A_166 = arith.constant 8192 : i32
      %mul3A_167 = arith.muli %select_n3A_165, %mul3A_166 : i32
      %add3A_168 = arith.addi %mul3A_167, %mul3A_2 : i32
      %jit3A_169 = arith.constant 4 : i32
      %div3A_170 = arith.divsi %add3A_71, %jit3A_169 : i32
      %sign3A_171 = arith.constant 0 : i32
      %sign3A_172 = arith.cmpi sgt, %add3A_71, %sign3A_171 : i32
      %sign3A_173 = arith.extui %sign3A_172 : i1 to i32
      %sign3A_174 = arith.constant 0 : i32
      %sign3A_175 = arith.cmpi slt, %add3A_71, %sign3A_174 : i32
      %sign3A_176 = arith.extui %sign3A_175 : i1 to i32
      %sign3A_177 = arith.subi %sign3A_173, %sign3A_176 : i32
      %sign3A_178 = arith.constant 0 : i32
      %sign3A_179 = arith.cmpi sgt, %jit3A_169, %sign3A_178 : i32
      %sign3A_180 = arith.extui %sign3A_179 : i1 to i32
      %sign3A_181 = arith.constant 0 : i32
      %sign3A_182 = arith.cmpi slt, %jit3A_169, %sign3A_181 : i32
      %sign3A_183 = arith.extui %sign3A_182 : i1 to i32
      %sign3A_184 = arith.subi %sign3A_180, %sign3A_183 : i32
      %ne3A_185 = arith.cmpi ne, %sign3A_177, %sign3A_184 : i32
      %rem3A_186 = arith.remsi %add3A_71, %jit3A_169 : i32
      %ne3A_187 = arith.constant 0 : i32
      %ne3A_188 = arith.cmpi ne, %rem3A_186, %ne3A_187 : i32
      %and3A_189 = arith.andi %ne3A_185, %ne3A_188 : i1
      %sub3A_190 = arith.constant 1 : i32
      %sub3A_191 = arith.subi %div3A_170, %sub3A_190 : i32
      %select_n3A_192 = arith.select %and3A_189, %sub3A_191, %div3A_170 : i32
      %mul3A_193 = arith.constant 16 : i32
      %mul3A_194 = arith.muli %select_n3A_192, %mul3A_193 : i32
      %add3A_195 = arith.addi %add3A_168, %mul3A_194 : i32
      %dma_start3A_196 = arith.constant 0 : i32
      %dma_start3A_197 = tpu.memref_slice %arg4[%add3A_195, %dma_start3A_196] : memref<32768x1024xf32, #tpu.memory_space<hbm>> -> memref<16x1024xf32, #tpu.memory_space<hbm>>
      %dma_start3A_198 = arith.constant 0 : i32
      %dma_start3A_199 = tpu.memref_slice %arg4[%add3A_195, %dma_start3A_198] : memref<32768x1024xf32, #tpu.memory_space<hbm>> -> memref<16x1024xf32, #tpu.memory_space<hbm>>
      tpu.enqueue_dma source(%arg5 : memref<16x1024xf32, #tpu.memory_space<vmem>>) target(%dma_start3A_199 : memref<16x1024xf32, #tpu.memory_space<hbm>>) target_semaphore(%arg15 : memref<!tpu.dma_semaphore, #tpu.memory_space<semaphore_mem>>)
      %add3A_200 = arith.constant 1 : i32
      %add3A_201 = arith.addi %add3A_69, %add3A_200 : i32
      %jit3A_202 = arith.constant 4 : i32
      %div3A_203 = arith.divsi %add3A_201, %jit3A_202 : i32
      %sign3A_204 = arith.constant 0 : i32
      %sign3A_205 = arith.cmpi sgt, %add3A_201, %sign3A_204 : i32
      %sign3A_206 = arith.extui %sign3A_205 : i1 to i32
      %sign3A_207 = arith.constant 0 : i32
      %sign3A_208 = arith.cmpi slt, %add3A_201, %sign3A_207 : i32
      %sign3A_209 = arith.extui %sign3A_208 : i1 to i32
      %sign3A_210 = arith.subi %sign3A_206, %sign3A_209 : i32
      %sign3A_211 = arith.constant 0 : i32
      %sign3A_212 = arith.cmpi sgt, %jit3A_202, %sign3A_211 : i32
      %sign3A_213 = arith.extui %sign3A_212 : i1 to i32
      %sign3A_214 = arith.constant 0 : i32
      %sign3A_215 = arith.cmpi slt, %jit3A_202, %sign3A_214 : i32
      %sign3A_216 = arith.extui %sign3A_215 : i1 to i32
      %sign3A_217 = arith.subi %sign3A_213, %sign3A_216 : i32
      %ne3A_218 = arith.cmpi ne, %sign3A_210, %sign3A_217 : i32
      %rem3A_219 = arith.remsi %add3A_201, %jit3A_202 : i32
      %ne3A_220 = arith.constant 0 : i32
      %ne3A_221 = arith.cmpi ne, %rem3A_219, %ne3A_220 : i32
      %and3A_222 = arith.andi %ne3A_218, %ne3A_221 : i1
      %sub3A_223 = arith.constant 1 : i32
      %sub3A_224 = arith.subi %div3A_203, %sub3A_223 : i32
      %select_n3A_225 = arith.select %and3A_222, %sub3A_224, %div3A_203 : i32
      %jit3A_226 = arith.constant 4 : i32
      %eq3A_227 = arith.constant 0 : i32
      %eq3A_228 = arith.cmpi eq, %jit3A_226, %eq3A_227 : i32
      %jit3A_229 = arith.constant 1 : i32
      %select_n3A_230 = arith.select %eq3A_228, %jit3A_229, %jit3A_226 : i32
      %rem3A_231 = arith.remsi %add3A_201, %select_n3A_230 : i32
      %ne3A_232 = arith.constant 0 : i32
      %ne3A_233 = arith.cmpi ne, %rem3A_231, %ne3A_232 : i32
      %lt3A_234 = arith.constant 0 : i32
      %lt3A_235 = arith.cmpi slt, %rem3A_231, %lt3A_234 : i32
      %lt3A_236 = arith.constant 0 : i32
      %lt3A_237 = arith.cmpi slt, %select_n3A_230, %lt3A_236 : i32
      %ne3A_238 = arith.xori %lt3A_235, %lt3A_237 : i1
      %and3A_239 = arith.andi %ne3A_238, %ne3A_233 : i1
      %add3A_240 = arith.addi %rem3A_231, %select_n3A_230 : i32
      %select_n3A_241 = arith.select %and3A_239, %add3A_240, %rem3A_231 : i32
      %mul3A_242 = arith.constant 8192 : i32
      %mul3A_243 = arith.muli %select_n3A_241, %mul3A_242 : i32
      %add3A_244 = arith.addi %mul3A_243, %mul3A_2 : i32
      %jit3A_245 = arith.constant 4 : i32
      %div3A_246 = arith.divsi %add3A_201, %jit3A_245 : i32
      %sign3A_247 = arith.constant 0 : i32
      %sign3A_248 = arith.cmpi sgt, %add3A_201, %sign3A_247 : i32
      %sign3A_249 = arith.extui %sign3A_248 : i1 to i32
      %sign3A_250 = arith.constant 0 : i32
      %sign3A_251 = arith.cmpi slt, %add3A_201, %sign3A_250 : i32
      %sign3A_252 = arith.extui %sign3A_251 : i1 to i32
      %sign3A_253 = arith.subi %sign3A_249, %sign3A_252 : i32
      %sign3A_254 = arith.constant 0 : i32
      %sign3A_255 = arith.cmpi sgt, %jit3A_245, %sign3A_254 : i32
      %sign3A_256 = arith.extui %sign3A_255 : i1 to i32
      %sign3A_257 = arith.constant 0 : i32
      %sign3A_258 = arith.cmpi slt, %jit3A_245, %sign3A_257 : i32
      %sign3A_259 = arith.extui %sign3A_258 : i1 to i32
      %sign3A_260 = arith.subi %sign3A_256, %sign3A_259 : i32
      %ne3A_261 = arith.cmpi ne, %sign3A_253, %sign3A_260 : i32
      %rem3A_262 = arith.remsi %add3A_201, %jit3A_245 : i32
      %ne3A_263 = arith.constant 0 : i32
      %ne3A_264 = arith.cmpi ne, %rem3A_262, %ne3A_263 : i32
      %and3A_265 = arith.andi %ne3A_261, %ne3A_264 : i1
      %sub3A_266 = arith.constant 1 : i32
      %sub3A_267 = arith.subi %div3A_246, %sub3A_266 : i32
      %select_n3A_268 = arith.select %and3A_265, %sub3A_267, %div3A_246 : i32
      %mul3A_269 = arith.constant 16 : i32
      %mul3A_270 = arith.muli %select_n3A_268, %mul3A_269 : i32
      %add3A_271 = arith.addi %add3A_244, %mul3A_270 : i32
      %dma_wait3A_272 = arith.constant 0 : i32
      %dma_wait3A_273 = tpu.memref_slice %arg2[%add3A_271, %dma_wait3A_272] : memref<32768x1024xf32, #tpu.memory_space<hbm>> -> memref<16x1024xf32, #tpu.memory_space<hbm>>
      %dma_wait3A_274 = arith.constant 0 : i32
      %dma_wait3A_275 = tpu.memref_slice %arg2[%add3A_271, %dma_wait3A_274] : memref<32768x1024xf32, #tpu.memory_space<hbm>> -> memref<16x1024xf32, #tpu.memory_space<hbm>>
      tpu.wait_dma2 semaphore(%arg12 : memref<!tpu.dma_semaphore, #tpu.memory_space<semaphore_mem>>) src(%dma_wait3A_275 : memref<16x1024xf32, #tpu.memory_space<hbm>>) dst(%arg6 : memref<16x1024xf32, #tpu.memory_space<vmem>>)
      %add3A_276 = arith.constant 2 : i32
      %add3A_277 = arith.addi %add3A_201, %add3A_276 : i32
      %lt3A_278 = arith.constant 64 : i32
      %lt3A_279 = arith.cmpi slt, %add3A_277, %lt3A_278 : i32
      %convert_element_type3A_280 = arith.extui %lt3A_279 : i1 to i32
      %cond3A_281 = arith.constant 0 : i32
      %cond3A_282 = arith.cmpi ne, %convert_element_type3A_280, %cond3A_281 : i32
      scf.if %cond3A_282 {
        %ge3A = arith.constant 2 : i32
        %ge3A_1173 = arith.cmpi sge, %add3A_201, %ge3A : i32
        %convert_element_type3A_1174 = arith.extui %ge3A_1173 : i1 to i32
        %cond3A_1175 = arith.constant 0 : i32
        %cond3A_1176 = arith.cmpi ne, %convert_element_type3A_1174, %cond3A_1175 : i32
        scf.if %cond3A_1176 {
          %sub3A_1229 = arith.constant 2 : i32
          %sub3A_1230 = arith.subi %add3A_201, %sub3A_1229 : i32
          %jit3A_1231 = arith.constant 4 : i32
          %eq3A_1232 = arith.constant 0 : i32
          %eq3A_1233 = arith.cmpi eq, %jit3A_1231, %eq3A_1232 : i32
          %jit3A_1234 = arith.constant 1 : i32
          %select_n3A_1235 = arith.select %eq3A_1233, %jit3A_1234, %jit3A_1231 : i32
          %rem3A_1236 = arith.remsi %sub3A_1230, %select_n3A_1235 : i32
          %ne3A_1237 = arith.constant 0 : i32
          %ne3A_1238 = arith.cmpi ne, %rem3A_1236, %ne3A_1237 : i32
          %lt3A_1239 = arith.constant 0 : i32
          %lt3A_1240 = arith.cmpi slt, %rem3A_1236, %lt3A_1239 : i32
          %lt3A_1241 = arith.constant 0 : i32
          %lt3A_1242 = arith.cmpi slt, %select_n3A_1235, %lt3A_1241 : i32
          %ne3A_1243 = arith.xori %lt3A_1240, %lt3A_1242 : i1
          %and3A_1244 = arith.andi %ne3A_1243, %ne3A_1238 : i1
          %add3A_1245 = arith.addi %rem3A_1236, %select_n3A_1235 : i32
          %select_n3A_1246 = arith.select %and3A_1244, %add3A_1245, %rem3A_1236 : i32
          %mul3A_1247 = arith.constant 8192 : i32
          %mul3A_1248 = arith.muli %select_n3A_1246, %mul3A_1247 : i32
          %add3A_1249 = arith.addi %mul3A_1248, %mul3A_2 : i32
          %jit3A_1250 = arith.constant 4 : i32
          %div3A_1251 = arith.divsi %sub3A_1230, %jit3A_1250 : i32
          %sign3A_1252 = arith.constant 0 : i32
          %sign3A_1253 = arith.cmpi sgt, %sub3A_1230, %sign3A_1252 : i32
          %sign3A_1254 = arith.extui %sign3A_1253 : i1 to i32
          %sign3A_1255 = arith.constant 0 : i32
          %sign3A_1256 = arith.cmpi slt, %sub3A_1230, %sign3A_1255 : i32
          %sign3A_1257 = arith.extui %sign3A_1256 : i1 to i32
          %sign3A_1258 = arith.subi %sign3A_1254, %sign3A_1257 : i32
          %sign3A_1259 = arith.constant 0 : i32
          %sign3A_1260 = arith.cmpi sgt, %jit3A_1250, %sign3A_1259 : i32
          %sign3A_1261 = arith.extui %sign3A_1260 : i1 to i32
          %sign3A_1262 = arith.constant 0 : i32
          %sign3A_1263 = arith.cmpi slt, %jit3A_1250, %sign3A_1262 : i32
          %sign3A_1264 = arith.extui %sign3A_1263 : i1 to i32
          %sign3A_1265 = arith.subi %sign3A_1261, %sign3A_1264 : i32
          %ne3A_1266 = arith.cmpi ne, %sign3A_1258, %sign3A_1265 : i32
          %rem3A_1267 = arith.remsi %sub3A_1230, %jit3A_1250 : i32
          %ne3A_1268 = arith.constant 0 : i32
          %ne3A_1269 = arith.cmpi ne, %rem3A_1267, %ne3A_1268 : i32
          %and3A_1270 = arith.andi %ne3A_1266, %ne3A_1269 : i1
          %sub3A_1271 = arith.constant 1 : i32
          %sub3A_1272 = arith.subi %div3A_1251, %sub3A_1271 : i32
          %select_n3A_1273 = arith.select %and3A_1270, %sub3A_1272, %div3A_1251 : i32
          %mul3A_1274 = arith.constant 16 : i32
          %mul3A_1275 = arith.muli %select_n3A_1273, %mul3A_1274 : i32
          %add3A_1276 = arith.addi %add3A_1249, %mul3A_1275 : i32
          %dma_wait3A_1277 = arith.constant 0 : i32
          %dma_wait3A_1278 = tpu.memref_slice %arg4[%add3A_1276, %dma_wait3A_1277] : memref<32768x1024xf32, #tpu.memory_space<hbm>> -> memref<16x1024xf32, #tpu.memory_space<hbm>>
          %dma_wait3A_1279 = arith.constant 0 : i32
          %dma_wait3A_1280 = tpu.memref_slice %arg4[%add3A_1276, %dma_wait3A_1279] : memref<32768x1024xf32, #tpu.memory_space<hbm>> -> memref<16x1024xf32, #tpu.memory_space<hbm>>
          tpu.wait_dma2 semaphore(%arg18 : memref<!tpu.dma_semaphore, #tpu.memory_space<semaphore_mem>>) src(%arg8 : memref<16x1024xf32, #tpu.memory_space<vmem>>) dst(%dma_wait3A_1280 : memref<16x1024xf32, #tpu.memory_space<hbm>>)
        } else {
        }
        %add3A_1177 = arith.constant 2 : i32
        %add3A_1178 = arith.addi %add3A_201, %add3A_1177 : i32
        %jit3A_1179 = arith.constant 4 : i32
        %eq3A_1180 = arith.constant 0 : i32
        %eq3A_1181 = arith.cmpi eq, %jit3A_1179, %eq3A_1180 : i32
        %jit3A_1182 = arith.constant 1 : i32
        %select_n3A_1183 = arith.select %eq3A_1181, %jit3A_1182, %jit3A_1179 : i32
        %rem3A_1184 = arith.remsi %add3A_1178, %select_n3A_1183 : i32
        %ne3A_1185 = arith.constant 0 : i32
        %ne3A_1186 = arith.cmpi ne, %rem3A_1184, %ne3A_1185 : i32
        %lt3A_1187 = arith.constant 0 : i32
        %lt3A_1188 = arith.cmpi slt, %rem3A_1184, %lt3A_1187 : i32
        %lt3A_1189 = arith.constant 0 : i32
        %lt3A_1190 = arith.cmpi slt, %select_n3A_1183, %lt3A_1189 : i32
        %ne3A_1191 = arith.xori %lt3A_1188, %lt3A_1190 : i1
        %and3A_1192 = arith.andi %ne3A_1191, %ne3A_1186 : i1
        %add3A_1193 = arith.addi %rem3A_1184, %select_n3A_1183 : i32
        %select_n3A_1194 = arith.select %and3A_1192, %add3A_1193, %rem3A_1184 : i32
        %mul3A_1195 = arith.constant 8192 : i32
        %mul3A_1196 = arith.muli %select_n3A_1194, %mul3A_1195 : i32
        %add3A_1197 = arith.addi %mul3A_1196, %mul3A_2 : i32
        %jit3A_1198 = arith.constant 4 : i32
        %div3A_1199 = arith.divsi %add3A_1178, %jit3A_1198 : i32
        %sign3A_1200 = arith.constant 0 : i32
        %sign3A_1201 = arith.cmpi sgt, %add3A_1178, %sign3A_1200 : i32
        %sign3A_1202 = arith.extui %sign3A_1201 : i1 to i32
        %sign3A_1203 = arith.constant 0 : i32
        %sign3A_1204 = arith.cmpi slt, %add3A_1178, %sign3A_1203 : i32
        %sign3A_1205 = arith.extui %sign3A_1204 : i1 to i32
        %sign3A_1206 = arith.subi %sign3A_1202, %sign3A_1205 : i32
        %sign3A_1207 = arith.constant 0 : i32
        %sign3A_1208 = arith.cmpi sgt, %jit3A_1198, %sign3A_1207 : i32
        %sign3A_1209 = arith.extui %sign3A_1208 : i1 to i32
        %sign3A_1210 = arith.constant 0 : i32
        %sign3A_1211 = arith.cmpi slt, %jit3A_1198, %sign3A_1210 : i32
        %sign3A_1212 = arith.extui %sign3A_1211 : i1 to i32
        %sign3A_1213 = arith.subi %sign3A_1209, %sign3A_1212 : i32
        %ne3A_1214 = arith.cmpi ne, %sign3A_1206, %sign3A_1213 : i32
        %rem3A_1215 = arith.remsi %add3A_1178, %jit3A_1198 : i32
        %ne3A_1216 = arith.constant 0 : i32
        %ne3A_1217 = arith.cmpi ne, %rem3A_1215, %ne3A_1216 : i32
        %and3A_1218 = arith.andi %ne3A_1214, %ne3A_1217 : i1
        %sub3A_1219 = arith.constant 1 : i32
        %sub3A_1220 = arith.subi %div3A_1199, %sub3A_1219 : i32
        %select_n3A_1221 = arith.select %and3A_1218, %sub3A_1220, %div3A_1199 : i32
        %mul3A_1222 = arith.constant 16 : i32
        %mul3A_1223 = arith.muli %select_n3A_1221, %mul3A_1222 : i32
        %add3A_1224 = arith.addi %add3A_1197, %mul3A_1223 : i32
        %dma_start3A_1225 = arith.constant 0 : i32
        %dma_start3A_1226 = tpu.memref_slice %arg2[%add3A_1224, %dma_start3A_1225] : memref<32768x1024xf32, #tpu.memory_space<hbm>> -> memref<16x1024xf32, #tpu.memory_space<hbm>>
        %dma_start3A_1227 = arith.constant 0 : i32
        %dma_start3A_1228 = tpu.memref_slice %arg2[%add3A_1224, %dma_start3A_1227] : memref<32768x1024xf32, #tpu.memory_space<hbm>> -> memref<16x1024xf32, #tpu.memory_space<hbm>>
        tpu.enqueue_dma source(%dma_start3A_1228 : memref<16x1024xf32, #tpu.memory_space<hbm>>) target(%arg8 : memref<16x1024xf32, #tpu.memory_space<vmem>>) target_semaphore(%arg14 : memref<!tpu.dma_semaphore, #tpu.memory_space<semaphore_mem>>)
      } else {
      }
      %parallel_loop3A_283 = arith.constant 0 : i32
      %parallel_loop3A_284 = arith.constant 1024 : i32
      %parallel_loop3A_285 = arith.constant 1 : i32
      scf.for %parallel_loop3A_1173 = %parallel_loop3A_283 to %parallel_loop3A_284 step %parallel_loop3A_285  : i32 {
        %parallel_loop3A_1174 = arith.constant 64 : i32
        %parallel_loop3A_1175 = arith.divsi %parallel_loop3A_1173, %parallel_loop3A_1174 : i32
        %parallel_loop3A_1176 = arith.constant 0 : i32
        %parallel_loop3A_1177 = arith.cmpi sgt, %parallel_loop3A_1173, %parallel_loop3A_1176 : i32
        %parallel_loop3A_1178 = arith.extui %parallel_loop3A_1177 : i1 to i32
        %parallel_loop3A_1179 = arith.constant 0 : i32
        %parallel_loop3A_1180 = arith.cmpi slt, %parallel_loop3A_1173, %parallel_loop3A_1179 : i32
        %parallel_loop3A_1181 = arith.extui %parallel_loop3A_1180 : i1 to i32
        %parallel_loop3A_1182 = arith.subi %parallel_loop3A_1178, %parallel_loop3A_1181 : i32
        %parallel_loop3A_1183 = arith.constant 0 : i32
        %parallel_loop3A_1184 = arith.cmpi sgt, %parallel_loop3A_1174, %parallel_loop3A_1183 : i32
        %parallel_loop3A_1185 = arith.extui %parallel_loop3A_1184 : i1 to i32
        %parallel_loop3A_1186 = arith.constant 0 : i32
        %parallel_loop3A_1187 = arith.cmpi slt, %parallel_loop3A_1174, %parallel_loop3A_1186 : i32
        %parallel_loop3A_1188 = arith.extui %parallel_loop3A_1187 : i1 to i32
        %parallel_loop3A_1189 = arith.subi %parallel_loop3A_1185, %parallel_loop3A_1188 : i32
        %parallel_loop3A_1190 = arith.cmpi ne, %parallel_loop3A_1182, %parallel_loop3A_1189 : i32
        %parallel_loop3A_1191 = arith.remsi %parallel_loop3A_1173, %parallel_loop3A_1174 : i32
        %parallel_loop3A_1192 = arith.constant 0 : i32
        %parallel_loop3A_1193 = arith.cmpi ne, %parallel_loop3A_1191, %parallel_loop3A_1192 : i32
        %parallel_loop3A_1194 = arith.andi %parallel_loop3A_1190, %parallel_loop3A_1193 : i1
        %parallel_loop3A_1195 = arith.constant 1 : i32
        %parallel_loop3A_1196 = arith.subi %parallel_loop3A_1175, %parallel_loop3A_1195 : i32
        %parallel_loop3A_1197 = arith.select %parallel_loop3A_1194, %parallel_loop3A_1196, %parallel_loop3A_1175 : i32
        %parallel_loop3A_1198 = arith.constant 64 : i32
        %parallel_loop3A_1199 = arith.constant 0 : i32
        %parallel_loop3A_1200 = arith.cmpi eq, %parallel_loop3A_1198, %parallel_loop3A_1199 : i32
        %parallel_loop3A_1201 = arith.constant 1 : i32
        %parallel_loop3A_1202 = arith.select %parallel_loop3A_1200, %parallel_loop3A_1201, %parallel_loop3A_1198 : i32
        %parallel_loop3A_1203 = arith.remsi %parallel_loop3A_1173, %parallel_loop3A_1202 : i32
        %parallel_loop3A_1204 = arith.constant 0 : i32
        %parallel_loop3A_1205 = arith.cmpi ne, %parallel_loop3A_1203, %parallel_loop3A_1204 : i32
        %parallel_loop3A_1206 = arith.constant 0 : i32
        %parallel_loop3A_1207 = arith.cmpi slt, %parallel_loop3A_1203, %parallel_loop3A_1206 : i32
        %parallel_loop3A_1208 = arith.constant 0 : i32
        %parallel_loop3A_1209 = arith.cmpi slt, %parallel_loop3A_1202, %parallel_loop3A_1208 : i32
        %parallel_loop3A_1210 = arith.xori %parallel_loop3A_1207, %parallel_loop3A_1209 : i1
        %parallel_loop3A_1211 = arith.andi %parallel_loop3A_1210, %parallel_loop3A_1205 : i1
        %parallel_loop3A_1212 = arith.addi %parallel_loop3A_1203, %parallel_loop3A_1202 : i32
        %parallel_loop3A_1213 = arith.select %parallel_loop3A_1211, %parallel_loop3A_1212, %parallel_loop3A_1203 : i32
        %parallel_loop3A_1214 = arith.constant 16 : i32
        %parallel_loop3A_1215 = arith.muli %parallel_loop3A_1213, %parallel_loop3A_1214 : i32
        %parallel_loop3A_1216 = arith.index_cast %parallel_loop3A_1197 : i32 to index
        %parallel_loop3A_1217 = arith.index_cast %parallel_loop3A_1215 : i32 to index
        %parallel_loop3A_1218 = tpu.vector_load %arg9[%parallel_loop3A_1216, %parallel_loop3A_1217] {strides = array<i32>} : memref<16x1024xf32, #tpu.memory_space<vmem>>, vector<1x16xf32>,
        %parallel_loop3A_1219 = vector.shape_cast %parallel_loop3A_1218 : vector<1x16xf32> to vector<16xf32>
        %parallel_loop3A_1220 = arith.index_cast %parallel_loop3A_1197 : i32 to index
        %parallel_loop3A_1221 = arith.index_cast %parallel_loop3A_1215 : i32 to index
        %parallel_loop3A_1222 = tpu.vector_load %arg6[%parallel_loop3A_1220, %parallel_loop3A_1221] {strides = array<i32>} : memref<16x1024xf32, #tpu.memory_space<vmem>>, vector<1x16xf32>,
        %parallel_loop3A_1223 = vector.shape_cast %parallel_loop3A_1222 : vector<1x16xf32> to vector<16xf32>
        %parallel_loop3A_1224 = vector.shape_cast %parallel_loop3A_1219 : vector<16xf32> to vector<1x16xf32>
        tpu.vector_store %arg6[%parallel_loop3A_1220, %parallel_loop3A_1221], %parallel_loop3A_1224 {add = true, strides = array<i32>} : memref<16x1024xf32, #tpu.memory_space<vmem>>, vector<1x16xf32>,
      } {sc.loop_unroll_factor = 8 : i64, sc.parallel_access}
      %jit3A_286 = arith.constant 4 : i32
      %eq3A_287 = arith.constant 0 : i32
      %eq3A_288 = arith.cmpi eq, %jit3A_286, %eq3A_287 : i32
      %jit3A_289 = arith.constant 1 : i32
      %select_n3A_290 = arith.select %eq3A_288, %jit3A_289, %jit3A_286 : i32
      %rem3A_291 = arith.remsi %add3A_201, %select_n3A_290 : i32
      %ne3A_292 = arith.constant 0 : i32
      %ne3A_293 = arith.cmpi ne, %rem3A_291, %ne3A_292 : i32
      %lt3A_294 = arith.constant 0 : i32
      %lt3A_295 = arith.cmpi slt, %rem3A_291, %lt3A_294 : i32
      %lt3A_296 = arith.constant 0 : i32
      %lt3A_297 = arith.cmpi slt, %select_n3A_290, %lt3A_296 : i32
      %ne3A_298 = arith.xori %lt3A_295, %lt3A_297 : i1
      %and3A_299 = arith.andi %ne3A_298, %ne3A_293 : i1
      %add3A_300 = arith.addi %rem3A_291, %select_n3A_290 : i32
      %select_n3A_301 = arith.select %and3A_299, %add3A_300, %rem3A_291 : i32
      %mul3A_302 = arith.constant 8192 : i32
      %mul3A_303 = arith.muli %select_n3A_301, %mul3A_302 : i32
      %add3A_304 = arith.addi %mul3A_303, %mul3A_2 : i32
      %jit3A_305 = arith.constant 4 : i32
      %div3A_306 = arith.divsi %add3A_201, %jit3A_305 : i32
      %sign3A_307 = arith.constant 0 : i32
      %sign3A_308 = arith.cmpi sgt, %add3A_201, %sign3A_307 : i32
      %sign3A_309 = arith.extui %sign3A_308 : i1 to i32
      %sign3A_310 = arith.constant 0 : i32
      %sign3A_311 = arith.cmpi slt, %add3A_201, %sign3A_310 : i32
      %sign3A_312 = arith.extui %sign3A_311 : i1 to i32
      %sign3A_313 = arith.subi %sign3A_309, %sign3A_312 : i32
      %sign3A_314 = arith.constant 0 : i32
      %sign3A_315 = arith.cmpi sgt, %jit3A_305, %sign3A_314 : i32
      %sign3A_316 = arith.extui %sign3A_315 : i1 to i32
      %sign3A_317 = arith.constant 0 : i32
      %sign3A_318 = arith.cmpi slt, %jit3A_305, %sign3A_317 : i32
      %sign3A_319 = arith.extui %sign3A_318 : i1 to i32
      %sign3A_320 = arith.subi %sign3A_316, %sign3A_319 : i32
      %ne3A_321 = arith.cmpi ne, %sign3A_313, %sign3A_320 : i32
      %rem3A_322 = arith.remsi %add3A_201, %jit3A_305 : i32
      %ne3A_323 = arith.constant 0 : i32
      %ne3A_324 = arith.cmpi ne, %rem3A_322, %ne3A_323 : i32
      %and3A_325 = arith.andi %ne3A_321, %ne3A_324 : i1
      %sub3A_326 = arith.constant 1 : i32
      %sub3A_327 = arith.subi %div3A_306, %sub3A_326 : i32
      %select_n3A_328 = arith.select %and3A_325, %sub3A_327, %div3A_306 : i32
      %mul3A_329 = arith.constant 16 : i32
      %mul3A_330 = arith.muli %select_n3A_328, %mul3A_329 : i32
      %add3A_331 = arith.addi %add3A_304, %mul3A_330 : i32
      %dma_start3A_332 = arith.constant 0 : i32
      %dma_start3A_333 = tpu.memref_slice %arg4[%add3A_331, %dma_start3A_332] : memref<32768x1024xf32, #tpu.memory_space<hbm>> -> memref<16x1024xf32, #tpu.memory_space<hbm>>
      %dma_start3A_334 = arith.constant 0 : i32
      %dma_start3A_335 = tpu.memref_slice %arg4[%add3A_331, %dma_start3A_334] : memref<32768x1024xf32, #tpu.memory_space<hbm>> -> memref<16x1024xf32, #tpu.memory_space<hbm>>
      tpu.enqueue_dma source(%arg6 : memref<16x1024xf32, #tpu.memory_space<vmem>>) target(%dma_start3A_335 : memref<16x1024xf32, #tpu.memory_space<hbm>>) target_semaphore(%arg16 : memref<!tpu.dma_semaphore, #tpu.memory_space<semaphore_mem>>)
      %add3A_336 = arith.constant 2 : i32
      %add3A_337 = arith.addi %add3A_69, %add3A_336 : i32
      %jit3A_338 = arith.constant 4 : i32
      %div3A_339 = arith.divsi %add3A_337, %jit3A_338 : i32
      %sign3A_340 = arith.constant 0 : i32
      %sign3A_341 = arith.cmpi sgt, %add3A_337, %sign3A_340 : i32
      %sign3A_342 = arith.extui %sign3A_341 : i1 to i32
      %sign3A_343 = arith.constant 0 : i32
      %sign3A_344 = arith.cmpi slt, %add3A_337, %sign3A_343 : i32
      %sign3A_345 = arith.extui %sign3A_344 : i1 to i32
      %sign3A_346 = arith.subi %sign3A_342, %sign3A_345 : i32
      %sign3A_347 = arith.constant 0 : i32
      %sign3A_348 = arith.cmpi sgt, %jit3A_338, %sign3A_347 : i32
      %sign3A_349 = arith.extui %sign3A_348 : i1 to i32
      %sign3A_350 = arith.constant 0 : i32
      %sign3A_351 = arith.cmpi slt, %jit3A_338, %sign3A_350 : i32
      %sign3A_352 = arith.extui %sign3A_351 : i1 to i32
      %sign3A_353 = arith.subi %sign3A_349, %sign3A_352 : i32
      %ne3A_354 = arith.cmpi ne, %sign3A_346, %sign3A_353 : i32
      %rem3A_355 = arith.remsi %add3A_337, %jit3A_338 : i32
      %ne3A_356 = arith.constant 0 : i32
      %ne3A_357 = arith.cmpi ne, %rem3A_355, %ne3A_356 : i32
      %and3A_358 = arith.andi %ne3A_354, %ne3A_357 : i1
      %sub3A_359 = arith.constant 1 : i32
      %sub3A_360 = arith.subi %div3A_339, %sub3A_359 : i32
      %select_n3A_361 = arith.select %and3A_358, %sub3A_360, %div3A_339 : i32
      %jit3A_362 = arith.constant 4 : i32
      %eq3A_363 = arith.constant 0 : i32
      %eq3A_364 = arith.cmpi eq, %jit3A_362, %eq3A_363 : i32
      %jit3A_365 = arith.constant 1 : i32
      %select_n3A_366 = arith.select %eq3A_364, %jit3A_365, %jit3A_362 : i32
      %rem3A_367 = arith.remsi %add3A_337, %select_n3A_366 : i32
      %ne3A_368 = arith.constant 0 : i32
      %ne3A_369 = arith.cmpi ne, %rem3A_367, %ne3A_368 : i32
      %lt3A_370 = arith.constant 0 : i32
      %lt3A_371 = arith.cmpi slt, %rem3A_367, %lt3A_370 : i32
      %lt3A_372 = arith.constant 0 : i32
      %lt3A_373 = arith.cmpi slt, %select_n3A_366, %lt3A_372 : i32
      %ne3A_374 = arith.xori %lt3A_371, %lt3A_373 : i1
      %and3A_375 = arith.andi %ne3A_374, %ne3A_369 : i1
      %add3A_376 = arith.addi %rem3A_367, %select_n3A_366 : i32
      %select_n3A_377 = arith.select %and3A_375, %add3A_376, %rem3A_367 : i32
      %mul3A_378 = arith.constant 8192 : i32
      %mul3A_379 = arith.muli %select_n3A_377, %mul3A_378 : i32
      %add3A_380 = arith.addi %mul3A_379, %mul3A_2 : i32
      %jit3A_381 = arith.constant 4 : i32
      %div3A_382 = arith.divsi %add3A_337, %jit3A_381 : i32
      %sign3A_383 = arith.constant 0 : i32
      %sign3A_384 = arith.cmpi sgt, %add3A_337, %sign3A_383 : i32
      %sign3A_385 = arith.extui %sign3A_384 : i1 to i32
      %sign3A_386 = arith.constant 0 : i32
      %sign3A_387 = arith.cmpi slt, %add3A_337, %sign3A_386 : i32
      %sign3A_388 = arith.extui %sign3A_387 : i1 to i32
      %sign3A_389 = arith.subi %sign3A_385, %sign3A_388 : i32
      %sign3A_390 = arith.constant 0 : i32
      %sign3A_391 = arith.cmpi sgt, %jit3A_381, %sign3A_390 : i32
      %sign3A_392 = arith.extui %sign3A_391 : i1 to i32
      %sign3A_393 = arith.constant 0 : i32
      %sign3A_394 = arith.cmpi slt, %jit3A_381, %sign3A_393 : i32
      %sign3A_395 = arith.extui %sign3A_394 : i1 to i32
      %sign3A_396 = arith.subi %sign3A_392, %sign3A_395 : i32
      %ne3A_397 = arith.cmpi ne, %sign3A_389, %sign3A_396 : i32
      %rem3A_398 = arith.remsi %add3A_337, %jit3A_381 : i32
      %ne3A_399 = arith.constant 0 : i32
      %ne3A_400 = arith.cmpi ne, %rem3A_398, %ne3A_399 : i32
      %and3A_401 = arith.andi %ne3A_397, %ne3A_400 : i1
      %sub3A_402 = arith.constant 1 : i32
      %sub3A_403 = arith.subi %div3A_382, %sub3A_402 : i32
      %select_n3A_404 = arith.select %and3A_401, %sub3A_403, %div3A_382 : i32
      %mul3A_405 = arith.constant 16 : i32
      %mul3A_406 = arith.muli %select_n3A_404, %mul3A_405 : i32
      %add3A_407 = arith.addi %add3A_380, %mul3A_406 : i32
      %dma_wait3A_408 = arith.constant 0 : i32
      %dma_wait3A_409 = tpu.memref_slice %arg2[%add3A_407, %dma_wait3A_408] : memref<32768x1024xf32, #tpu.memory_space<hbm>> -> memref<16x1024xf32, #tpu.memory_space<hbm>>
      %dma_wait3A_410 = arith.constant 0 : i32
      %dma_wait3A_411 = tpu.memref_slice %arg2[%add3A_407, %dma_wait3A_410] : memref<32768x1024xf32, #tpu.memory_space<hbm>> -> memref<16x1024xf32, #tpu.memory_space<hbm>>
      tpu.wait_dma2 semaphore(%arg13 : memref<!tpu.dma_semaphore, #tpu.memory_space<semaphore_mem>>) src(%dma_wait3A_411 : memref<16x1024xf32, #tpu.memory_space<hbm>>) dst(%arg7 : memref<16x1024xf32, #tpu.memory_space<vmem>>)
      %add3A_412 = arith.constant 2 : i32
      %add3A_413 = arith.addi %add3A_337, %add3A_412 : i32
      %lt3A_414 = arith.constant 64 : i32
      %lt3A_415 = arith.cmpi slt, %add3A_413, %lt3A_414 : i32
      %convert_element_type3A_416 = arith.extui %lt3A_415 : i1 to i32
      %cond3A_417 = arith.constant 0 : i32
      %cond3A_418 = arith.cmpi ne, %convert_element_type3A_416, %cond3A_417 : i32
      scf.if %cond3A_418 {
        %ge3A = arith.constant 2 : i32
        %ge3A_1173 = arith.cmpi sge, %add3A_337, %ge3A : i32
        %convert_element_type3A_1174 = arith.extui %ge3A_1173 : i1 to i32
        %cond3A_1175 = arith.constant 0 : i32
        %cond3A_1176 = arith.cmpi ne, %convert_element_type3A_1174, %cond3A_1175 : i32
        scf.if %cond3A_1176 {
          %sub3A_1229 = arith.constant 2 : i32
          %sub3A_1230 = arith.subi %add3A_337, %sub3A_1229 : i32
          %jit3A_1231 = arith.constant 4 : i32
          %eq3A_1232 = arith.constant 0 : i32
          %eq3A_1233 = arith.cmpi eq, %jit3A_1231, %eq3A_1232 : i32
          %jit3A_1234 = arith.constant 1 : i32
          %select_n3A_1235 = arith.select %eq3A_1233, %jit3A_1234, %jit3A_1231 : i32
          %rem3A_1236 = arith.remsi %sub3A_1230, %select_n3A_1235 : i32
          %ne3A_1237 = arith.constant 0 : i32
          %ne3A_1238 = arith.cmpi ne, %rem3A_1236, %ne3A_1237 : i32
          %lt3A_1239 = arith.constant 0 : i32
          %lt3A_1240 = arith.cmpi slt, %rem3A_1236, %lt3A_1239 : i32
          %lt3A_1241 = arith.constant 0 : i32
          %lt3A_1242 = arith.cmpi slt, %select_n3A_1235, %lt3A_1241 : i32
          %ne3A_1243 = arith.xori %lt3A_1240, %lt3A_1242 : i1
          %and3A_1244 = arith.andi %ne3A_1243, %ne3A_1238 : i1
          %add3A_1245 = arith.addi %rem3A_1236, %select_n3A_1235 : i32
          %select_n3A_1246 = arith.select %and3A_1244, %add3A_1245, %rem3A_1236 : i32
          %mul3A_1247 = arith.constant 8192 : i32
          %mul3A_1248 = arith.muli %select_n3A_1246, %mul3A_1247 : i32
          %add3A_1249 = arith.addi %mul3A_1248, %mul3A_2 : i32
          %jit3A_1250 = arith.constant 4 : i32
          %div3A_1251 = arith.divsi %sub3A_1230, %jit3A_1250 : i32
          %sign3A_1252 = arith.constant 0 : i32
          %sign3A_1253 = arith.cmpi sgt, %sub3A_1230, %sign3A_1252 : i32
          %sign3A_1254 = arith.extui %sign3A_1253 : i1 to i32
          %sign3A_1255 = arith.constant 0 : i32
          %sign3A_1256 = arith.cmpi slt, %sub3A_1230, %sign3A_1255 : i32
          %sign3A_1257 = arith.extui %sign3A_1256 : i1 to i32
          %sign3A_1258 = arith.subi %sign3A_1254, %sign3A_1257 : i32
          %sign3A_1259 = arith.constant 0 : i32
          %sign3A_1260 = arith.cmpi sgt, %jit3A_1250, %sign3A_1259 : i32
          %sign3A_1261 = arith.extui %sign3A_1260 : i1 to i32
          %sign3A_1262 = arith.constant 0 : i32
          %sign3A_1263 = arith.cmpi slt, %jit3A_1250, %sign3A_1262 : i32
          %sign3A_1264 = arith.extui %sign3A_1263 : i1 to i32
          %sign3A_1265 = arith.subi %sign3A_1261, %sign3A_1264 : i32
          %ne3A_1266 = arith.cmpi ne, %sign3A_1258, %sign3A_1265 : i32
          %rem3A_1267 = arith.remsi %sub3A_1230, %jit3A_1250 : i32
          %ne3A_1268 = arith.constant 0 : i32
          %ne3A_1269 = arith.cmpi ne, %rem3A_1267, %ne3A_1268 : i32
          %and3A_1270 = arith.andi %ne3A_1266, %ne3A_1269 : i1
          %sub3A_1271 = arith.constant 1 : i32
          %sub3A_1272 = arith.subi %div3A_1251, %sub3A_1271 : i32
          %select_n3A_1273 = arith.select %and3A_1270, %sub3A_1272, %div3A_1251 : i32
          %mul3A_1274 = arith.constant 16 : i32
          %mul3A_1275 = arith.muli %select_n3A_1273, %mul3A_1274 : i32
          %add3A_1276 = arith.addi %add3A_1249, %mul3A_1275 : i32
          %dma_wait3A_1277 = arith.constant 0 : i32
          %dma_wait3A_1278 = tpu.memref_slice %arg4[%add3A_1276, %dma_wait3A_1277] : memref<32768x1024xf32, #tpu.memory_space<hbm>> -> memref<16x1024xf32, #tpu.memory_space<hbm>>
          %dma_wait3A_1279 = arith.constant 0 : i32
          %dma_wait3A_1280 = tpu.memref_slice %arg4[%add3A_1276, %dma_wait3A_1279] : memref<32768x1024xf32, #tpu.memory_space<hbm>> -> memref<16x1024xf32, #tpu.memory_space<hbm>>
          tpu.wait_dma2 semaphore(%arg15 : memref<!tpu.dma_semaphore, #tpu.memory_space<semaphore_mem>>) src(%arg5 : memref<16x1024xf32, #tpu.memory_space<vmem>>) dst(%dma_wait3A_1280 : memref<16x1024xf32, #tpu.memory_space<hbm>>)
        } else {
        }
        %add3A_1177 = arith.constant 2 : i32
        %add3A_1178 = arith.addi %add3A_337, %add3A_1177 : i32
        %jit3A_1179 = arith.constant 4 : i32
        %eq3A_1180 = arith.constant 0 : i32
        %eq3A_1181 = arith.cmpi eq, %jit3A_1179, %eq3A_1180 : i32
        %jit3A_1182 = arith.constant 1 : i32
        %select_n3A_1183 = arith.select %eq3A_1181, %jit3A_1182, %jit3A_1179 : i32
        %rem3A_1184 = arith.remsi %add3A_1178, %select_n3A_1183 : i32
        %ne3A_1185 = arith.constant 0 : i32
        %ne3A_1186 = arith.cmpi ne, %rem3A_1184, %ne3A_1185 : i32
        %lt3A_1187 = arith.constant 0 : i32
        %lt3A_1188 = arith.cmpi slt, %rem3A_1184, %lt3A_1187 : i32
        %lt3A_1189 = arith.constant 0 : i32
        %lt3A_1190 = arith.cmpi slt, %select_n3A_1183, %lt3A_1189 : i32
        %ne3A_1191 = arith.xori %lt3A_1188, %lt3A_1190 : i1
        %and3A_1192 = arith.andi %ne3A_1191, %ne3A_1186 : i1
        %add3A_1193 = arith.addi %rem3A_1184, %select_n3A_1183 : i32
        %select_n3A_1194 = arith.select %and3A_1192, %add3A_1193, %rem3A_1184 : i32
        %mul3A_1195 = arith.constant 8192 : i32
        %mul3A_1196 = arith.muli %select_n3A_1194, %mul3A_1195 : i32
        %add3A_1197 = arith.addi %mul3A_1196, %mul3A_2 : i32
        %jit3A_1198 = arith.constant 4 : i32
        %div3A_1199 = arith.divsi %add3A_1178, %jit3A_1198 : i32
        %sign3A_1200 = arith.constant 0 : i32
        %sign3A_1201 = arith.cmpi sgt, %add3A_1178, %sign3A_1200 : i32
        %sign3A_1202 = arith.extui %sign3A_1201 : i1 to i32
        %sign3A_1203 = arith.constant 0 : i32
        %sign3A_1204 = arith.cmpi slt, %add3A_1178, %sign3A_1203 : i32
        %sign3A_1205 = arith.extui %sign3A_1204 : i1 to i32
        %sign3A_1206 = arith.subi %sign3A_1202, %sign3A_1205 : i32
        %sign3A_1207 = arith.constant 0 : i32
        %sign3A_1208 = arith.cmpi sgt, %jit3A_1198, %sign3A_1207 : i32
        %sign3A_1209 = arith.extui %sign3A_1208 : i1 to i32
        %sign3A_1210 = arith.constant 0 : i32
        %sign3A_1211 = arith.cmpi slt, %jit3A_1198, %sign3A_1210 : i32
        %sign3A_1212 = arith.extui %sign3A_1211 : i1 to i32
        %sign3A_1213 = arith.subi %sign3A_1209, %sign3A_1212 : i32
        %ne3A_1214 = arith.cmpi ne, %sign3A_1206, %sign3A_1213 : i32
        %rem3A_1215 = arith.remsi %add3A_1178, %jit3A_1198 : i32
        %ne3A_1216 = arith.constant 0 : i32
        %ne3A_1217 = arith.cmpi ne, %rem3A_1215, %ne3A_1216 : i32
        %and3A_1218 = arith.andi %ne3A_1214, %ne3A_1217 : i1
        %sub3A_1219 = arith.constant 1 : i32
        %sub3A_1220 = arith.subi %div3A_1199, %sub3A_1219 : i32
        %select_n3A_1221 = arith.select %and3A_1218, %sub3A_1220, %div3A_1199 : i32
        %mul3A_1222 = arith.constant 16 : i32
        %mul3A_1223 = arith.muli %select_n3A_1221, %mul3A_1222 : i32
        %add3A_1224 = arith.addi %add3A_1197, %mul3A_1223 : i32
        %dma_start3A_1225 = arith.constant 0 : i32
        %dma_start3A_1226 = tpu.memref_slice %arg2[%add3A_1224, %dma_start3A_1225] : memref<32768x1024xf32, #tpu.memory_space<hbm>> -> memref<16x1024xf32, #tpu.memory_space<hbm>>
        %dma_start3A_1227 = arith.constant 0 : i32
        %dma_start3A_1228 = tpu.memref_slice %arg2[%add3A_1224, %dma_start3A_1227] : memref<32768x1024xf32, #tpu.memory_space<hbm>> -> memref<16x1024xf32, #tpu.memory_space<hbm>>
        tpu.enqueue_dma source(%dma_start3A_1228 : memref<16x1024xf32, #tpu.memory_space<hbm>>) target(%arg5 : memref<16x1024xf32, #tpu.memory_space<vmem>>) target_semaphore(%arg11 : memref<!tpu.dma_semaphore, #tpu.memory_space<semaphore_mem>>)
      } else {
      }
      %parallel_loop3A_419 = arith.constant 0 : i32
      %parallel_loop3A_420 = arith.constant 1024 : i32
      %parallel_loop3A_421 = arith.constant 1 : i32
      scf.for %parallel_loop3A_1173 = %parallel_loop3A_419 to %parallel_loop3A_420 step %parallel_loop3A_421  : i32 {
        %parallel_loop3A_1174 = arith.constant 64 : i32
        %parallel_loop3A_1175 = arith.divsi %parallel_loop3A_1173, %parallel_loop3A_1174 : i32
        %parallel_loop3A_1176 = arith.constant 0 : i32
        %parallel_loop3A_1177 = arith.cmpi sgt, %parallel_loop3A_1173, %parallel_loop3A_1176 : i32
        %parallel_loop3A_1178 = arith.extui %parallel_loop3A_1177 : i1 to i32
        %parallel_loop3A_1179 = arith.constant 0 : i32
        %parallel_loop3A_1180 = arith.cmpi slt, %parallel_loop3A_1173, %parallel_loop3A_1179 : i32
        %parallel_loop3A_1181 = arith.extui %parallel_loop3A_1180 : i1 to i32
        %parallel_loop3A_1182 = arith.subi %parallel_loop3A_1178, %parallel_loop3A_1181 : i32
        %parallel_loop3A_1183 = arith.constant 0 : i32
        %parallel_loop3A_1184 = arith.cmpi sgt, %parallel_loop3A_1174, %parallel_loop3A_1183 : i32
        %parallel_loop3A_1185 = arith.extui %parallel_loop3A_1184 : i1 to i32
        %parallel_loop3A_1186 = arith.constant 0 : i32
        %parallel_loop3A_1187 = arith.cmpi slt, %parallel_loop3A_1174, %parallel_loop3A_1186 : i32
        %parallel_loop3A_1188 = arith.extui %parallel_loop3A_1187 : i1 to i32
        %parallel_loop3A_1189 = arith.subi %parallel_loop3A_1185, %parallel_loop3A_1188 : i32
        %parallel_loop3A_1190 = arith.cmpi ne, %parallel_loop3A_1182, %parallel_loop3A_1189 : i32
        %parallel_loop3A_1191 = arith.remsi %parallel_loop3A_1173, %parallel_loop3A_1174 : i32
        %parallel_loop3A_1192 = arith.constant 0 : i32
        %parallel_loop3A_1193 = arith.cmpi ne, %parallel_loop3A_1191, %parallel_loop3A_1192 : i32
        %parallel_loop3A_1194 = arith.andi %parallel_loop3A_1190, %parallel_loop3A_1193 : i1
        %parallel_loop3A_1195 = arith.constant 1 : i32
        %parallel_loop3A_1196 = arith.subi %parallel_loop3A_1175, %parallel_loop3A_1195 : i32
        %parallel_loop3A_1197 = arith.select %parallel_loop3A_1194, %parallel_loop3A_1196, %parallel_loop3A_1175 : i32
        %parallel_loop3A_1198 = arith.constant 64 : i32
        %parallel_loop3A_1199 = arith.constant 0 : i32
        %parallel_loop3A_1200 = arith.cmpi eq, %parallel_loop3A_1198, %parallel_loop3A_1199 : i32
        %parallel_loop3A_1201 = arith.constant 1 : i32
        %parallel_loop3A_1202 = arith.select %parallel_loop3A_1200, %parallel_loop3A_1201, %parallel_loop3A_1198 : i32
        %parallel_loop3A_1203 = arith.remsi %parallel_loop3A_1173, %parallel_loop3A_1202 : i32
        %parallel_loop3A_1204 = arith.constant 0 : i32
        %parallel_loop3A_1205 = arith.cmpi ne, %parallel_loop3A_1203, %parallel_loop3A_1204 : i32
        %parallel_loop3A_1206 = arith.constant 0 : i32
        %parallel_loop3A_1207 = arith.cmpi slt, %parallel_loop3A_1203, %parallel_loop3A_1206 : i32
        %parallel_loop3A_1208 = arith.constant 0 : i32
        %parallel_loop3A_1209 = arith.cmpi slt, %parallel_loop3A_1202, %parallel_loop3A_1208 : i32
        %parallel_loop3A_1210 = arith.xori %parallel_loop3A_1207, %parallel_loop3A_1209 : i1
        %parallel_loop3A_1211 = arith.andi %parallel_loop3A_1210, %parallel_loop3A_1205 : i1
        %parallel_loop3A_1212 = arith.addi %parallel_loop3A_1203, %parallel_loop3A_1202 : i32
        %parallel_loop3A_1213 = arith.select %parallel_loop3A_1211, %parallel_loop3A_1212, %parallel_loop3A_1203 : i32
        %parallel_loop3A_1214 = arith.constant 16 : i32
        %parallel_loop3A_1215 = arith.muli %parallel_loop3A_1213, %parallel_loop3A_1214 : i32
        %parallel_loop3A_1216 = arith.index_cast %parallel_loop3A_1197 : i32 to index
        %parallel_loop3A_1217 = arith.index_cast %parallel_loop3A_1215 : i32 to index
        %parallel_loop3A_1218 = tpu.vector_load %arg9[%parallel_loop3A_1216, %parallel_loop3A_1217] {strides = array<i32>} : memref<16x1024xf32, #tpu.memory_space<vmem>>, vector<1x16xf32>,
        %parallel_loop3A_1219 = vector.shape_cast %parallel_loop3A_1218 : vector<1x16xf32> to vector<16xf32>
        %parallel_loop3A_1220 = arith.index_cast %parallel_loop3A_1197 : i32 to index
        %parallel_loop3A_1221 = arith.index_cast %parallel_loop3A_1215 : i32 to index
        %parallel_loop3A_1222 = tpu.vector_load %arg7[%parallel_loop3A_1220, %parallel_loop3A_1221] {strides = array<i32>} : memref<16x1024xf32, #tpu.memory_space<vmem>>, vector<1x16xf32>,
        %parallel_loop3A_1223 = vector.shape_cast %parallel_loop3A_1222 : vector<1x16xf32> to vector<16xf32>
        %parallel_loop3A_1224 = vector.shape_cast %parallel_loop3A_1219 : vector<16xf32> to vector<1x16xf32>
        tpu.vector_store %arg7[%parallel_loop3A_1220, %parallel_loop3A_1221], %parallel_loop3A_1224 {add = true, strides = array<i32>} : memref<16x1024xf32, #tpu.memory_space<vmem>>, vector<1x16xf32>,
      } {sc.loop_unroll_factor = 8 : i64, sc.parallel_access}
      %jit3A_422 = arith.constant 4 : i32
      %eq3A_423 = arith.constant 0 : i32
      %eq3A_424 = arith.cmpi eq, %jit3A_422, %eq3A_423 : i32
      %jit3A_425 = arith.constant 1 : i32
      %select_n3A_426 = arith.select %eq3A_424, %jit3A_425, %jit3A_422 : i32
      %rem3A_427 = arith.remsi %add3A_337, %select_n3A_426 : i32
      %ne3A_428 = arith.constant 0 : i32
      %ne3A_429 = arith.cmpi ne, %rem3A_427, %ne3A_428 : i32
      %lt3A_430 = arith.constant 0 : i32
      %lt3A_431 = arith.cmpi slt, %rem3A_427, %lt3A_430 : i32
      %lt3A_432 = arith.constant 0 : i32
      %lt3A_433 = arith.cmpi slt, %select_n3A_426, %lt3A_432 : i32
      %ne3A_434 = arith.xori %lt3A_431, %lt3A_433 : i1
      %and3A_435 = arith.andi %ne3A_434, %ne3A_429 : i1
      %add3A_436 = arith.addi %rem3A_427, %select_n3A_426 : i32
      %select_n3A_437 = arith.select %and3A_435, %add3A_436, %rem3A_427 : i32
      %mul3A_438 = arith.constant 8192 : i32
      %mul3A_439 = arith.muli %select_n3A_437, %mul3A_438 : i32
      %add3A_440 = arith.addi %mul3A_439, %mul3A_2 : i32
      %jit3A_441 = arith.constant 4 : i32
      %div3A_442 = arith.divsi %add3A_337, %jit3A_441 : i32
      %sign3A_443 = arith.constant 0 : i32
      %sign3A_444 = arith.cmpi sgt, %add3A_337, %sign3A_443 : i32
      %sign3A_445 = arith.extui %sign3A_444 : i1 to i32
      %sign3A_446 = arith.constant 0 : i32
      %sign3A_447 = arith.cmpi slt, %add3A_337, %sign3A_446 : i32
      %sign3A_448 = arith.extui %sign3A_447 : i1 to i32
      %sign3A_449 = arith.subi %sign3A_445, %sign3A_448 : i32
      %sign3A_450 = arith.constant 0 : i32
      %sign3A_451 = arith.cmpi sgt, %jit3A_441, %sign3A_450 : i32
      %sign3A_452 = arith.extui %sign3A_451 : i1 to i32
      %sign3A_453 = arith.constant 0 : i32
      %sign3A_454 = arith.cmpi slt, %jit3A_441, %sign3A_453 : i32
      %sign3A_455 = arith.extui %sign3A_454 : i1 to i32
      %sign3A_456 = arith.subi %sign3A_452, %sign3A_455 : i32
      %ne3A_457 = arith.cmpi ne, %sign3A_449, %sign3A_456 : i32
      %rem3A_458 = arith.remsi %add3A_337, %jit3A_441 : i32
      %ne3A_459 = arith.constant 0 : i32
      %ne3A_460 = arith.cmpi ne, %rem3A_458, %ne3A_459 : i32
      %and3A_461 = arith.andi %ne3A_457, %ne3A_460 : i1
      %sub3A_462 = arith.constant 1 : i32
      %sub3A_463 = arith.subi %div3A_442, %sub3A_462 : i32
      %select_n3A_464 = arith.select %and3A_461, %sub3A_463, %div3A_442 : i32
      %mul3A_465 = arith.constant 16 : i32
      %mul3A_466 = arith.muli %select_n3A_464, %mul3A_465 : i32
      %add3A_467 = arith.addi %add3A_440, %mul3A_466 : i32
      %dma_start3A_468 = arith.constant 0 : i32
      %dma_start3A_469 = tpu.memref_slice %arg4[%add3A_467, %dma_start3A_468] : memref<32768x1024xf32, #tpu.memory_space<hbm>> -> memref<16x1024xf32, #tpu.memory_space<hbm>>
      %dma_start3A_470 = arith.constant 0 : i32
      %dma_start3A_471 = tpu.memref_slice %arg4[%add3A_467, %dma_start3A_470] : memref<32768x1024xf32, #tpu.memory_space<hbm>> -> memref<16x1024xf32, #tpu.memory_space<hbm>>
      tpu.enqueue_dma source(%arg7 : memref<16x1024xf32, #tpu.memory_space<vmem>>) target(%dma_start3A_471 : memref<16x1024xf32, #tpu.memory_space<hbm>>) target_semaphore(%arg17 : memref<!tpu.dma_semaphore, #tpu.memory_space<semaphore_mem>>)
      %add3A_472 = arith.constant 3 : i32
      %add3A_473 = arith.addi %add3A_69, %add3A_472 : i32
      %jit3A_474 = arith.constant 4 : i32
      %div3A_475 = arith.divsi %add3A_473, %jit3A_474 : i32
      %sign3A_476 = arith.constant 0 : i32
      %sign3A_477 = arith.cmpi sgt, %add3A_473, %sign3A_476 : i32
      %sign3A_478 = arith.extui %sign3A_477 : i1 to i32
      %sign3A_479 = arith.constant 0 : i32
      %sign3A_480 = arith.cmpi slt, %add3A_473, %sign3A_479 : i32
      %sign3A_481 = arith.extui %sign3A_480 : i1 to i32
      %sign3A_482 = arith.subi %sign3A_478, %sign3A_481 : i32
      %sign3A_483 = arith.constant 0 : i32
      %sign3A_484 = arith.cmpi sgt, %jit3A_474, %sign3A_483 : i32
      %sign3A_485 = arith.extui %sign3A_484 : i1 to i32
      %sign3A_486 = arith.constant 0 : i32
      %sign3A_487 = arith.cmpi slt, %jit3A_474, %sign3A_486 : i32
      %sign3A_488 = arith.extui %sign3A_487 : i1 to i32
      %sign3A_489 = arith.subi %sign3A_485, %sign3A_488 : i32
      %ne3A_490 = arith.cmpi ne, %sign3A_482, %sign3A_489 : i32
      %rem3A_491 = arith.remsi %add3A_473, %jit3A_474 : i32
      %ne3A_492 = arith.constant 0 : i32
      %ne3A_493 = arith.cmpi ne, %rem3A_491, %ne3A_492 : i32
      %and3A_494 = arith.andi %ne3A_490, %ne3A_493 : i1
      %sub3A_495 = arith.constant 1 : i32
      %sub3A_496 = arith.subi %div3A_475, %sub3A_495 : i32
      %select_n3A_497 = arith.select %and3A_494, %sub3A_496, %div3A_475 : i32
      %jit3A_498 = arith.constant 4 : i32
      %eq3A_499 = arith.constant 0 : i32
      %eq3A_500 = arith.cmpi eq, %jit3A_498, %eq3A_499 : i32
      %jit3A_501 = arith.constant 1 : i32
      %select_n3A_502 = arith.select %eq3A_500, %jit3A_501, %jit3A_498 : i32
      %rem3A_503 = arith.remsi %add3A_473, %select_n3A_502 : i32
      %ne3A_504 = arith.constant 0 : i32
      %ne3A_505 = arith.cmpi ne, %rem3A_503, %ne3A_504 : i32
      %lt3A_506 = arith.constant 0 : i32
      %lt3A_507 = arith.cmpi slt, %rem3A_503, %lt3A_506 : i32
      %lt3A_508 = arith.constant 0 : i32
      %lt3A_509 = arith.cmpi slt, %select_n3A_502, %lt3A_508 : i32
      %ne3A_510 = arith.xori %lt3A_507, %lt3A_509 : i1
      %and3A_511 = arith.andi %ne3A_510, %ne3A_505 : i1
      %add3A_512 = arith.addi %rem3A_503, %select_n3A_502 : i32
      %select_n3A_513 = arith.select %and3A_511, %add3A_512, %rem3A_503 : i32
      %mul3A_514 = arith.constant 8192 : i32
      %mul3A_515 = arith.muli %select_n3A_513, %mul3A_514 : i32
      %add3A_516 = arith.addi %mul3A_515, %mul3A_2 : i32
      %jit3A_517 = arith.constant 4 : i32
      %div3A_518 = arith.divsi %add3A_473, %jit3A_517 : i32
      %sign3A_519 = arith.constant 0 : i32
      %sign3A_520 = arith.cmpi sgt, %add3A_473, %sign3A_519 : i32
      %sign3A_521 = arith.extui %sign3A_520 : i1 to i32
      %sign3A_522 = arith.constant 0 : i32
      %sign3A_523 = arith.cmpi slt, %add3A_473, %sign3A_522 : i32
      %sign3A_524 = arith.extui %sign3A_523 : i1 to i32
      %sign3A_525 = arith.subi %sign3A_521, %sign3A_524 : i32
      %sign3A_526 = arith.constant 0 : i32
      %sign3A_527 = arith.cmpi sgt, %jit3A_517, %sign3A_526 : i32
      %sign3A_528 = arith.extui %sign3A_527 : i1 to i32
      %sign3A_529 = arith.constant 0 : i32
      %sign3A_530 = arith.cmpi slt, %jit3A_517, %sign3A_529 : i32
      %sign3A_531 = arith.extui %sign3A_530 : i1 to i32
      %sign3A_532 = arith.subi %sign3A_528, %sign3A_531 : i32
      %ne3A_533 = arith.cmpi ne, %sign3A_525, %sign3A_532 : i32
      %rem3A_534 = arith.remsi %add3A_473, %jit3A_517 : i32
      %ne3A_535 = arith.constant 0 : i32
      %ne3A_536 = arith.cmpi ne, %rem3A_534, %ne3A_535 : i32
      %and3A_537 = arith.andi %ne3A_533, %ne3A_536 : i1
      %sub3A_538 = arith.constant 1 : i32
      %sub3A_539 = arith.subi %div3A_518, %sub3A_538 : i32
      %select_n3A_540 = arith.select %and3A_537, %sub3A_539, %div3A_518 : i32
      %mul3A_541 = arith.constant 16 : i32
      %mul3A_542 = arith.muli %select_n3A_540, %mul3A_541 : i32
      %add3A_543 = arith.addi %add3A_516, %mul3A_542 : i32
      %dma_wait3A_544 = arith.constant 0 : i32
      %dma_wait3A_545 = tpu.memref_slice %arg2[%add3A_543, %dma_wait3A_544] : memref<32768x1024xf32, #tpu.memory_space<hbm>> -> memref<16x1024xf32, #tpu.memory_space<hbm>>
      %dma_wait3A_546 = arith.constant 0 : i32
      %dma_wait3A_547 = tpu.memref_slice %arg2[%add3A_543, %dma_wait3A_546] : memref<32768x1024xf32, #tpu.memory_space<hbm>> -> memref<16x1024xf32, #tpu.memory_space<hbm>>
      tpu.wait_dma2 semaphore(%arg14 : memref<!tpu.dma_semaphore, #tpu.memory_space<semaphore_mem>>) src(%dma_wait3A_547 : memref<16x1024xf32, #tpu.memory_space<hbm>>) dst(%arg8 : memref<16x1024xf32, #tpu.memory_space<vmem>>)
      %add3A_548 = arith.constant 2 : i32
      %add3A_549 = arith.addi %add3A_473, %add3A_548 : i32
      %lt3A_550 = arith.constant 64 : i32
      %lt3A_551 = arith.cmpi slt, %add3A_549, %lt3A_550 : i32
      %convert_element_type3A_552 = arith.extui %lt3A_551 : i1 to i32
      %cond3A_553 = arith.constant 0 : i32
      %cond3A_554 = arith.cmpi ne, %convert_element_type3A_552, %cond3A_553 : i32
      scf.if %cond3A_554 {
        %ge3A = arith.constant 2 : i32
        %ge3A_1173 = arith.cmpi sge, %add3A_473, %ge3A : i32
        %convert_element_type3A_1174 = arith.extui %ge3A_1173 : i1 to i32
        %cond3A_1175 = arith.constant 0 : i32
        %cond3A_1176 = arith.cmpi ne, %convert_element_type3A_1174, %cond3A_1175 : i32
        scf.if %cond3A_1176 {
          %sub3A_1229 = arith.constant 2 : i32
          %sub3A_1230 = arith.subi %add3A_473, %sub3A_1229 : i32
          %jit3A_1231 = arith.constant 4 : i32
          %eq3A_1232 = arith.constant 0 : i32
          %eq3A_1233 = arith.cmpi eq, %jit3A_1231, %eq3A_1232 : i32
          %jit3A_1234 = arith.constant 1 : i32
          %select_n3A_1235 = arith.select %eq3A_1233, %jit3A_1234, %jit3A_1231 : i32
          %rem3A_1236 = arith.remsi %sub3A_1230, %select_n3A_1235 : i32
          %ne3A_1237 = arith.constant 0 : i32
          %ne3A_1238 = arith.cmpi ne, %rem3A_1236, %ne3A_1237 : i32
          %lt3A_1239 = arith.constant 0 : i32
          %lt3A_1240 = arith.cmpi slt, %rem3A_1236, %lt3A_1239 : i32
          %lt3A_1241 = arith.constant 0 : i32
          %lt3A_1242 = arith.cmpi slt, %select_n3A_1235, %lt3A_1241 : i32
          %ne3A_1243 = arith.xori %lt3A_1240, %lt3A_1242 : i1
          %and3A_1244 = arith.andi %ne3A_1243, %ne3A_1238 : i1
          %add3A_1245 = arith.addi %rem3A_1236, %select_n3A_1235 : i32
          %select_n3A_1246 = arith.select %and3A_1244, %add3A_1245, %rem3A_1236 : i32
          %mul3A_1247 = arith.constant 8192 : i32
          %mul3A_1248 = arith.muli %select_n3A_1246, %mul3A_1247 : i32
          %add3A_1249 = arith.addi %mul3A_1248, %mul3A_2 : i32
          %jit3A_1250 = arith.constant 4 : i32
          %div3A_1251 = arith.divsi %sub3A_1230, %jit3A_1250 : i32
          %sign3A_1252 = arith.constant 0 : i32
          %sign3A_1253 = arith.cmpi sgt, %sub3A_1230, %sign3A_1252 : i32
          %sign3A_1254 = arith.extui %sign3A_1253 : i1 to i32
          %sign3A_1255 = arith.constant 0 : i32
          %sign3A_1256 = arith.cmpi slt, %sub3A_1230, %sign3A_1255 : i32
          %sign3A_1257 = arith.extui %sign3A_1256 : i1 to i32
          %sign3A_1258 = arith.subi %sign3A_1254, %sign3A_1257 : i32
          %sign3A_1259 = arith.constant 0 : i32
          %sign3A_1260 = arith.cmpi sgt, %jit3A_1250, %sign3A_1259 : i32
          %sign3A_1261 = arith.extui %sign3A_1260 : i1 to i32
          %sign3A_1262 = arith.constant 0 : i32
          %sign3A_1263 = arith.cmpi slt, %jit3A_1250, %sign3A_1262 : i32
          %sign3A_1264 = arith.extui %sign3A_1263 : i1 to i32
          %sign3A_1265 = arith.subi %sign3A_1261, %sign3A_1264 : i32
          %ne3A_1266 = arith.cmpi ne, %sign3A_1258, %sign3A_1265 : i32
          %rem3A_1267 = arith.remsi %sub3A_1230, %jit3A_1250 : i32
          %ne3A_1268 = arith.constant 0 : i32
          %ne3A_1269 = arith.cmpi ne, %rem3A_1267, %ne3A_1268 : i32
          %and3A_1270 = arith.andi %ne3A_1266, %ne3A_1269 : i1
          %sub3A_1271 = arith.constant 1 : i32
          %sub3A_1272 = arith.subi %div3A_1251, %sub3A_1271 : i32
          %select_n3A_1273 = arith.select %and3A_1270, %sub3A_1272, %div3A_1251 : i32
          %mul3A_1274 = arith.constant 16 : i32
          %mul3A_1275 = arith.muli %select_n3A_1273, %mul3A_1274 : i32
          %add3A_1276 = arith.addi %add3A_1249, %mul3A_1275 : i32
          %dma_wait3A_1277 = arith.constant 0 : i32
          %dma_wait3A_1278 = tpu.memref_slice %arg4[%add3A_1276, %dma_wait3A_1277] : memref<32768x1024xf32, #tpu.memory_space<hbm>> -> memref<16x1024xf32, #tpu.memory_space<hbm>>
          %dma_wait3A_1279 = arith.constant 0 : i32
          %dma_wait3A_1280 = tpu.memref_slice %arg4[%add3A_1276, %dma_wait3A_1279] : memref<32768x1024xf32, #tpu.memory_space<hbm>> -> memref<16x1024xf32, #tpu.memory_space<hbm>>
          tpu.wait_dma2 semaphore(%arg16 : memref<!tpu.dma_semaphore, #tpu.memory_space<semaphore_mem>>) src(%arg6 : memref<16x1024xf32, #tpu.memory_space<vmem>>) dst(%dma_wait3A_1280 : memref<16x1024xf32, #tpu.memory_space<hbm>>)
        } else {
        }
        %add3A_1177 = arith.constant 2 : i32
        %add3A_1178 = arith.addi %add3A_473, %add3A_1177 : i32
        %jit3A_1179 = arith.constant 4 : i32
        %eq3A_1180 = arith.constant 0 : i32
        %eq3A_1181 = arith.cmpi eq, %jit3A_1179, %eq3A_1180 : i32
        %jit3A_1182 = arith.constant 1 : i32
        %select_n3A_1183 = arith.select %eq3A_1181, %jit3A_1182, %jit3A_1179 : i32
        %rem3A_1184 = arith.remsi %add3A_1178, %select_n3A_1183 : i32
        %ne3A_1185 = arith.constant 0 : i32
        %ne3A_1186 = arith.cmpi ne, %rem3A_1184, %ne3A_1185 : i32
        %lt3A_1187 = arith.constant 0 : i32
        %lt3A_1188 = arith.cmpi slt, %rem3A_1184, %lt3A_1187 : i32
        %lt3A_1189 = arith.constant 0 : i32
        %lt3A_1190 = arith.cmpi slt, %select_n3A_1183, %lt3A_1189 : i32
        %ne3A_1191 = arith.xori %lt3A_1188, %lt3A_1190 : i1
        %and3A_1192 = arith.andi %ne3A_1191, %ne3A_1186 : i1
        %add3A_1193 = arith.addi %rem3A_1184, %select_n3A_1183 : i32
        %select_n3A_1194 = arith.select %and3A_1192, %add3A_1193, %rem3A_1184 : i32
        %mul3A_1195 = arith.constant 8192 : i32
        %mul3A_1196 = arith.muli %select_n3A_1194, %mul3A_1195 : i32
        %add3A_1197 = arith.addi %mul3A_1196, %mul3A_2 : i32
        %jit3A_1198 = arith.constant 4 : i32
        %div3A_1199 = arith.divsi %add3A_1178, %jit3A_1198 : i32
        %sign3A_1200 = arith.constant 0 : i32
        %sign3A_1201 = arith.cmpi sgt, %add3A_1178, %sign3A_1200 : i32
        %sign3A_1202 = arith.extui %sign3A_1201 : i1 to i32
        %sign3A_1203 = arith.constant 0 : i32
        %sign3A_1204 = arith.cmpi slt, %add3A_1178, %sign3A_1203 : i32
        %sign3A_1205 = arith.extui %sign3A_1204 : i1 to i32
        %sign3A_1206 = arith.subi %sign3A_1202, %sign3A_1205 : i32
        %sign3A_1207 = arith.constant 0 : i32
        %sign3A_1208 = arith.cmpi sgt, %jit3A_1198, %sign3A_1207 : i32
        %sign3A_1209 = arith.extui %sign3A_1208 : i1 to i32
        %sign3A_1210 = arith.constant 0 : i32
        %sign3A_1211 = arith.cmpi slt, %jit3A_1198, %sign3A_1210 : i32
        %sign3A_1212 = arith.extui %sign3A_1211 : i1 to i32
        %sign3A_1213 = arith.subi %sign3A_1209, %sign3A_1212 : i32
        %ne3A_1214 = arith.cmpi ne, %sign3A_1206, %sign3A_1213 : i32
        %rem3A_1215 = arith.remsi %add3A_1178, %jit3A_1198 : i32
        %ne3A_1216 = arith.constant 0 : i32
        %ne3A_1217 = arith.cmpi ne, %rem3A_1215, %ne3A_1216 : i32
        %and3A_1218 = arith.andi %ne3A_1214, %ne3A_1217 : i1
        %sub3A_1219 = arith.constant 1 : i32
        %sub3A_1220 = arith.subi %div3A_1199, %sub3A_1219 : i32
        %select_n3A_1221 = arith.select %and3A_1218, %sub3A_1220, %div3A_1199 : i32
        %mul3A_1222 = arith.constant 16 : i32
        %mul3A_1223 = arith.muli %select_n3A_1221, %mul3A_1222 : i32
        %add3A_1224 = arith.addi %add3A_1197, %mul3A_1223 : i32
        %dma_start3A_1225 = arith.constant 0 : i32
        %dma_start3A_1226 = tpu.memref_slice %arg2[%add3A_1224, %dma_start3A_1225] : memref<32768x1024xf32, #tpu.memory_space<hbm>> -> memref<16x1024xf32, #tpu.memory_space<hbm>>
        %dma_start3A_1227 = arith.constant 0 : i32
        %dma_start3A_1228 = tpu.memref_slice %arg2[%add3A_1224, %dma_start3A_1227] : memref<32768x1024xf32, #tpu.memory_space<hbm>> -> memref<16x1024xf32, #tpu.memory_space<hbm>>
        tpu.enqueue_dma source(%dma_start3A_1228 : memref<16x1024xf32, #tpu.memory_space<hbm>>) target(%arg6 : memref<16x1024xf32, #tpu.memory_space<vmem>>) target_semaphore(%arg12 : memref<!tpu.dma_semaphore, #tpu.memory_space<semaphore_mem>>)
      } else {
      }
      %parallel_loop3A_555 = arith.constant 0 : i32
      %parallel_loop3A_556 = arith.constant 1024 : i32
      %parallel_loop3A_557 = arith.constant 1 : i32
      scf.for %parallel_loop3A_1173 = %parallel_loop3A_555 to %parallel_loop3A_556 step %parallel_loop3A_557  : i32 {
        %parallel_loop3A_1174 = arith.constant 64 : i32
        %parallel_loop3A_1175 = arith.divsi %parallel_loop3A_1173, %parallel_loop3A_1174 : i32
        %parallel_loop3A_1176 = arith.constant 0 : i32
        %parallel_loop3A_1177 = arith.cmpi sgt, %parallel_loop3A_1173, %parallel_loop3A_1176 : i32
        %parallel_loop3A_1178 = arith.extui %parallel_loop3A_1177 : i1 to i32
        %parallel_loop3A_1179 = arith.constant 0 : i32
        %parallel_loop3A_1180 = arith.cmpi slt, %parallel_loop3A_1173, %parallel_loop3A_1179 : i32
        %parallel_loop3A_1181 = arith.extui %parallel_loop3A_1180 : i1 to i32
        %parallel_loop3A_1182 = arith.subi %parallel_loop3A_1178, %parallel_loop3A_1181 : i32
        %parallel_loop3A_1183 = arith.constant 0 : i32
        %parallel_loop3A_1184 = arith.cmpi sgt, %parallel_loop3A_1174, %parallel_loop3A_1183 : i32
        %parallel_loop3A_1185 = arith.extui %parallel_loop3A_1184 : i1 to i32
        %parallel_loop3A_1186 = arith.constant 0 : i32
        %parallel_loop3A_1187 = arith.cmpi slt, %parallel_loop3A_1174, %parallel_loop3A_1186 : i32
        %parallel_loop3A_1188 = arith.extui %parallel_loop3A_1187 : i1 to i32
        %parallel_loop3A_1189 = arith.subi %parallel_loop3A_1185, %parallel_loop3A_1188 : i32
        %parallel_loop3A_1190 = arith.cmpi ne, %parallel_loop3A_1182, %parallel_loop3A_1189 : i32
        %parallel_loop3A_1191 = arith.remsi %parallel_loop3A_1173, %parallel_loop3A_1174 : i32
        %parallel_loop3A_1192 = arith.constant 0 : i32
        %parallel_loop3A_1193 = arith.cmpi ne, %parallel_loop3A_1191, %parallel_loop3A_1192 : i32
        %parallel_loop3A_1194 = arith.andi %parallel_loop3A_1190, %parallel_loop3A_1193 : i1
        %parallel_loop3A_1195 = arith.constant 1 : i32
        %parallel_loop3A_1196 = arith.subi %parallel_loop3A_1175, %parallel_loop3A_1195 : i32
        %parallel_loop3A_1197 = arith.select %parallel_loop3A_1194, %parallel_loop3A_1196, %parallel_loop3A_1175 : i32
        %parallel_loop3A_1198 = arith.constant 64 : i32
        %parallel_loop3A_1199 = arith.constant 0 : i32
        %parallel_loop3A_1200 = arith.cmpi eq, %parallel_loop3A_1198, %parallel_loop3A_1199 : i32
        %parallel_loop3A_1201 = arith.constant 1 : i32
        %parallel_loop3A_1202 = arith.select %parallel_loop3A_1200, %parallel_loop3A_1201, %parallel_loop3A_1198 : i32
        %parallel_loop3A_1203 = arith.remsi %parallel_loop3A_1173, %parallel_loop3A_1202 : i32
        %parallel_loop3A_1204 = arith.constant 0 : i32
        %parallel_loop3A_1205 = arith.cmpi ne, %parallel_loop3A_1203, %parallel_loop3A_1204 : i32
        %parallel_loop3A_1206 = arith.constant 0 : i32
        %parallel_loop3A_1207 = arith.cmpi slt, %parallel_loop3A_1203, %parallel_loop3A_1206 : i32
        %parallel_loop3A_1208 = arith.constant 0 : i32
        %parallel_loop3A_1209 = arith.cmpi slt, %parallel_loop3A_1202, %parallel_loop3A_1208 : i32
        %parallel_loop3A_1210 = arith.xori %parallel_loop3A_1207, %parallel_loop3A_1209 : i1
        %parallel_loop3A_1211 = arith.andi %parallel_loop3A_1210, %parallel_loop3A_1205 : i1
        %parallel_loop3A_1212 = arith.addi %parallel_loop3A_1203, %parallel_loop3A_1202 : i32
        %parallel_loop3A_1213 = arith.select %parallel_loop3A_1211, %parallel_loop3A_1212, %parallel_loop3A_1203 : i32
        %parallel_loop3A_1214 = arith.constant 16 : i32
        %parallel_loop3A_1215 = arith.muli %parallel_loop3A_1213, %parallel_loop3A_1214 : i32
        %parallel_loop3A_1216 = arith.index_cast %parallel_loop3A_1197 : i32 to index
        %parallel_loop3A_1217 = arith.index_cast %parallel_loop3A_1215 : i32 to index
        %parallel_loop3A_1218 = tpu.vector_load %arg9[%parallel_loop3A_1216, %parallel_loop3A_1217] {strides = array<i32>} : memref<16x1024xf32, #tpu.memory_space<vmem>>, vector<1x16xf32>,
        %parallel_loop3A_1219 = vector.shape_cast %parallel_loop3A_1218 : vector<1x16xf32> to vector<16xf32>
        %parallel_loop3A_1220 = arith.index_cast %parallel_loop3A_1197 : i32 to index
        %parallel_loop3A_1221 = arith.index_cast %parallel_loop3A_1215 : i32 to index
        %parallel_loop3A_1222 = tpu.vector_load %arg8[%parallel_loop3A_1220, %parallel_loop3A_1221] {strides = array<i32>} : memref<16x1024xf32, #tpu.memory_space<vmem>>, vector<1x16xf32>,
        %parallel_loop3A_1223 = vector.shape_cast %parallel_loop3A_1222 : vector<1x16xf32> to vector<16xf32>
        %parallel_loop3A_1224 = vector.shape_cast %parallel_loop3A_1219 : vector<16xf32> to vector<1x16xf32>
        tpu.vector_store %arg8[%parallel_loop3A_1220, %parallel_loop3A_1221], %parallel_loop3A_1224 {add = true, strides = array<i32>} : memref<16x1024xf32, #tpu.memory_space<vmem>>, vector<1x16xf32>,
      } {sc.loop_unroll_factor = 8 : i64, sc.parallel_access}
      %jit3A_558 = arith.constant 4 : i32
      %eq3A_559 = arith.constant 0 : i32
      %eq3A_560 = arith.cmpi eq, %jit3A_558, %eq3A_559 : i32
      %jit3A_561 = arith.constant 1 : i32
      %select_n3A_562 = arith.select %eq3A_560, %jit3A_561, %jit3A_558 : i32
      %rem3A_563 = arith.remsi %add3A_473, %select_n3A_562 : i32
      %ne3A_564 = arith.constant 0 : i32
      %ne3A_565 = arith.cmpi ne, %rem3A_563, %ne3A_564 : i32
      %lt3A_566 = arith.constant 0 : i32
      %lt3A_567 = arith.cmpi slt, %rem3A_563, %lt3A_566 : i32
      %lt3A_568 = arith.constant 0 : i32
      %lt3A_569 = arith.cmpi slt, %select_n3A_562, %lt3A_568 : i32
      %ne3A_570 = arith.xori %lt3A_567, %lt3A_569 : i1
      %and3A_571 = arith.andi %ne3A_570, %ne3A_565 : i1
      %add3A_572 = arith.addi %rem3A_563, %select_n3A_562 : i32
      %select_n3A_573 = arith.select %and3A_571, %add3A_572, %rem3A_563 : i32
      %mul3A_574 = arith.constant 8192 : i32
      %mul3A_575 = arith.muli %select_n3A_573, %mul3A_574 : i32
      %add3A_576 = arith.addi %mul3A_575, %mul3A_2 : i32
      %jit3A_577 = arith.constant 4 : i32
      %div3A_578 = arith.divsi %add3A_473, %jit3A_577 : i32
      %sign3A_579 = arith.constant 0 : i32
      %sign3A_580 = arith.cmpi sgt, %add3A_473, %sign3A_579 : i32
      %sign3A_581 = arith.extui %sign3A_580 : i1 to i32
      %sign3A_582 = arith.constant 0 : i32
      %sign3A_583 = arith.cmpi slt, %add3A_473, %sign3A_582 : i32
      %sign3A_584 = arith.extui %sign3A_583 : i1 to i32
      %sign3A_585 = arith.subi %sign3A_581, %sign3A_584 : i32
      %sign3A_586 = arith.constant 0 : i32
      %sign3A_587 = arith.cmpi sgt, %jit3A_577, %sign3A_586 : i32
      %sign3A_588 = arith.extui %sign3A_587 : i1 to i32
      %sign3A_589 = arith.constant 0 : i32
      %sign3A_590 = arith.cmpi slt, %jit3A_577, %sign3A_589 : i32
      %sign3A_591 = arith.extui %sign3A_590 : i1 to i32
      %sign3A_592 = arith.subi %sign3A_588, %sign3A_591 : i32
      %ne3A_593 = arith.cmpi ne, %sign3A_585, %sign3A_592 : i32
      %rem3A_594 = arith.remsi %add3A_473, %jit3A_577 : i32
      %ne3A_595 = arith.constant 0 : i32
      %ne3A_596 = arith.cmpi ne, %rem3A_594, %ne3A_595 : i32
      %and3A_597 = arith.andi %ne3A_593, %ne3A_596 : i1
      %sub3A_598 = arith.constant 1 : i32
      %sub3A_599 = arith.subi %div3A_578, %sub3A_598 : i32
      %select_n3A_600 = arith.select %and3A_597, %sub3A_599, %div3A_578 : i32
      %mul3A_601 = arith.constant 16 : i32
      %mul3A_602 = arith.muli %select_n3A_600, %mul3A_601 : i32
      %add3A_603 = arith.addi %add3A_576, %mul3A_602 : i32
      %dma_start3A_604 = arith.constant 0 : i32
      %dma_start3A_605 = tpu.memref_slice %arg4[%add3A_603, %dma_start3A_604] : memref<32768x1024xf32, #tpu.memory_space<hbm>> -> memref<16x1024xf32, #tpu.memory_space<hbm>>
      %dma_start3A_606 = arith.constant 0 : i32
      %dma_start3A_607 = tpu.memref_slice %arg4[%add3A_603, %dma_start3A_606] : memref<32768x1024xf32, #tpu.memory_space<hbm>> -> memref<16x1024xf32, #tpu.memory_space<hbm>>
      tpu.enqueue_dma source(%arg8 : memref<16x1024xf32, #tpu.memory_space<vmem>>) target(%dma_start3A_607 : memref<16x1024xf32, #tpu.memory_space<hbm>>) target_semaphore(%arg18 : memref<!tpu.dma_semaphore, #tpu.memory_space<semaphore_mem>>)
      %add3A_608 = arith.constant 2 : i32
      %add3A_609 = arith.addi %select_n3A_497, %add3A_608 : i32
      %lt3A_610 = arith.constant 16 : i32
      %lt3A_611 = arith.cmpi slt, %add3A_609, %lt3A_610 : i32
      %convert_element_type3A_612 = arith.extui %lt3A_611 : i1 to i32
      %cond3A_613 = arith.constant 0 : i32
      %cond3A_614 = arith.cmpi ne, %convert_element_type3A_612, %cond3A_613 : i32
      scf.if %cond3A_614 {
        %add3A_1173 = arith.constant 2 : i32
        %add3A_1174 = arith.addi %select_n3A_497, %add3A_1173 : i32
        %mul3A_1175 = arith.constant 16 : i32
        %mul3A_1176 = arith.muli %add3A_1174, %mul3A_1175 : i32
        %add3A_1177 = arith.addi %mul3A_2, %mul3A_1176 : i32
        %dma_start3A_1178 = arith.constant 0 : i32
        %dma_start3A_1179 = tpu.memref_slice %arg3[%add3A_1177, %dma_start3A_1178] : memref<8192x1024xf32, #tpu.memory_space<hbm>> -> memref<16x1024xf32, #tpu.memory_space<hbm>>
        %dma_start3A_1180 = arith.constant 0 : i32
        %dma_start3A_1181 = tpu.memref_slice %arg3[%add3A_1177, %dma_start3A_1180] : memref<8192x1024xf32, #tpu.memory_space<hbm>> -> memref<16x1024xf32, #tpu.memory_space<hbm>>
        tpu.enqueue_dma source(%dma_start3A_1181 : memref<16x1024xf32, #tpu.memory_space<hbm>>) target(%arg9 : memref<16x1024xf32, #tpu.memory_space<vmem>>) target_semaphore(%arg19 : memref<!tpu.dma_semaphore, #tpu.memory_space<semaphore_mem>>)
      } else {
      }
      %add3A_615 = arith.constant 4 : i32
      %add3A_616 = arith.addi %add3A_69, %add3A_615 : i32
      %jit3A_617 = arith.constant 4 : i32
      %div3A_618 = arith.divsi %add3A_616, %jit3A_617 : i32
      %sign3A_619 = arith.constant 0 : i32
      %sign3A_620 = arith.cmpi sgt, %add3A_616, %sign3A_619 : i32
      %sign3A_621 = arith.extui %sign3A_620 : i1 to i32
      %sign3A_622 = arith.constant 0 : i32
      %sign3A_623 = arith.cmpi slt, %add3A_616, %sign3A_622 : i32
      %sign3A_624 = arith.extui %sign3A_623 : i1 to i32
      %sign3A_625 = arith.subi %sign3A_621, %sign3A_624 : i32
      %sign3A_626 = arith.constant 0 : i32
      %sign3A_627 = arith.cmpi sgt, %jit3A_617, %sign3A_626 : i32
      %sign3A_628 = arith.extui %sign3A_627 : i1 to i32
      %sign3A_629 = arith.constant 0 : i32
      %sign3A_630 = arith.cmpi slt, %jit3A_617, %sign3A_629 : i32
      %sign3A_631 = arith.extui %sign3A_630 : i1 to i32
      %sign3A_632 = arith.subi %sign3A_628, %sign3A_631 : i32
      %ne3A_633 = arith.cmpi ne, %sign3A_625, %sign3A_632 : i32
      %rem3A_634 = arith.remsi %add3A_616, %jit3A_617 : i32
      %ne3A_635 = arith.constant 0 : i32
      %ne3A_636 = arith.cmpi ne, %rem3A_634, %ne3A_635 : i32
      %and3A_637 = arith.andi %ne3A_633, %ne3A_636 : i1
      %sub3A_638 = arith.constant 1 : i32
      %sub3A_639 = arith.subi %div3A_618, %sub3A_638 : i32
      %select_n3A_640 = arith.select %and3A_637, %sub3A_639, %div3A_618 : i32
      %mul3A_641 = arith.constant 16 : i32
      %mul3A_642 = arith.muli %select_n3A_640, %mul3A_641 : i32
      %add3A_643 = arith.addi %mul3A_2, %mul3A_642 : i32
      %dma_wait3A_644 = arith.constant 0 : i32
      %dma_wait3A_645 = tpu.memref_slice %arg3[%add3A_643, %dma_wait3A_644] : memref<8192x1024xf32, #tpu.memory_space<hbm>> -> memref<16x1024xf32, #tpu.memory_space<hbm>>
      %dma_wait3A_646 = arith.constant 0 : i32
      %dma_wait3A_647 = tpu.memref_slice %arg3[%add3A_643, %dma_wait3A_646] : memref<8192x1024xf32, #tpu.memory_space<hbm>> -> memref<16x1024xf32, #tpu.memory_space<hbm>>
      tpu.wait_dma2 semaphore(%arg20 : memref<!tpu.dma_semaphore, #tpu.memory_space<semaphore_mem>>) src(%dma_wait3A_647 : memref<16x1024xf32, #tpu.memory_space<hbm>>) dst(%arg10 : memref<16x1024xf32, #tpu.memory_space<vmem>>)
      %jit3A_648 = arith.constant 4 : i32
      %eq3A_649 = arith.constant 0 : i32
      %eq3A_650 = arith.cmpi eq, %jit3A_648, %eq3A_649 : i32
      %jit3A_651 = arith.constant 1 : i32
      %select_n3A_652 = arith.select %eq3A_650, %jit3A_651, %jit3A_648 : i32
      %rem3A_653 = arith.remsi %add3A_616, %select_n3A_652 : i32
      %ne3A_654 = arith.constant 0 : i32
      %ne3A_655 = arith.cmpi ne, %rem3A_653, %ne3A_654 : i32
      %lt3A_656 = arith.constant 0 : i32
      %lt3A_657 = arith.cmpi slt, %rem3A_653, %lt3A_656 : i32
      %lt3A_658 = arith.constant 0 : i32
      %lt3A_659 = arith.cmpi slt, %select_n3A_652, %lt3A_658 : i32
      %ne3A_660 = arith.xori %lt3A_657, %lt3A_659 : i1
      %and3A_661 = arith.andi %ne3A_660, %ne3A_655 : i1
      %add3A_662 = arith.addi %rem3A_653, %select_n3A_652 : i32
      %select_n3A_663 = arith.select %and3A_661, %add3A_662, %rem3A_653 : i32
      %mul3A_664 = arith.constant 8192 : i32
      %mul3A_665 = arith.muli %select_n3A_663, %mul3A_664 : i32
      %add3A_666 = arith.addi %mul3A_665, %mul3A_2 : i32
      %jit3A_667 = arith.constant 4 : i32
      %div3A_668 = arith.divsi %add3A_616, %jit3A_667 : i32
      %sign3A_669 = arith.constant 0 : i32
      %sign3A_670 = arith.cmpi sgt, %add3A_616, %sign3A_669 : i32
      %sign3A_671 = arith.extui %sign3A_670 : i1 to i32
      %sign3A_672 = arith.constant 0 : i32
      %sign3A_673 = arith.cmpi slt, %add3A_616, %sign3A_672 : i32
      %sign3A_674 = arith.extui %sign3A_673 : i1 to i32
      %sign3A_675 = arith.subi %sign3A_671, %sign3A_674 : i32
      %sign3A_676 = arith.constant 0 : i32
      %sign3A_677 = arith.cmpi sgt, %jit3A_667, %sign3A_676 : i32
      %sign3A_678 = arith.extui %sign3A_677 : i1 to i32
      %sign3A_679 = arith.constant 0 : i32
      %sign3A_680 = arith.cmpi slt, %jit3A_667, %sign3A_679 : i32
      %sign3A_681 = arith.extui %sign3A_680 : i1 to i32
      %sign3A_682 = arith.subi %sign3A_678, %sign3A_681 : i32
      %ne3A_683 = arith.cmpi ne, %sign3A_675, %sign3A_682 : i32
      %rem3A_684 = arith.remsi %add3A_616, %jit3A_667 : i32
      %ne3A_685 = arith.constant 0 : i32
      %ne3A_686 = arith.cmpi ne, %rem3A_684, %ne3A_685 : i32
      %and3A_687 = arith.andi %ne3A_683, %ne3A_686 : i1
      %sub3A_688 = arith.constant 1 : i32
      %sub3A_689 = arith.subi %div3A_668, %sub3A_688 : i32
      %select_n3A_690 = arith.select %and3A_687, %sub3A_689, %div3A_668 : i32
      %mul3A_691 = arith.constant 16 : i32
      %mul3A_692 = arith.muli %select_n3A_690, %mul3A_691 : i32
      %add3A_693 = arith.addi %add3A_666, %mul3A_692 : i32
      %dma_wait3A_694 = arith.constant 0 : i32
      %dma_wait3A_695 = tpu.memref_slice %arg2[%add3A_693, %dma_wait3A_694] : memref<32768x1024xf32, #tpu.memory_space<hbm>> -> memref<16x1024xf32, #tpu.memory_space<hbm>>
      %dma_wait3A_696 = arith.constant 0 : i32
      %dma_wait3A_697 = tpu.memref_slice %arg2[%add3A_693, %dma_wait3A_696] : memref<32768x1024xf32, #tpu.memory_space<hbm>> -> memref<16x1024xf32, #tpu.memory_space<hbm>>
      tpu.wait_dma2 semaphore(%arg11 : memref<!tpu.dma_semaphore, #tpu.memory_space<semaphore_mem>>) src(%dma_wait3A_697 : memref<16x1024xf32, #tpu.memory_space<hbm>>) dst(%arg5 : memref<16x1024xf32, #tpu.memory_space<vmem>>)
      %add3A_698 = arith.constant 2 : i32
      %add3A_699 = arith.addi %add3A_616, %add3A_698 : i32
      %lt3A_700 = arith.constant 64 : i32
      %lt3A_701 = arith.cmpi slt, %add3A_699, %lt3A_700 : i32
      %convert_element_type3A_702 = arith.extui %lt3A_701 : i1 to i32
      %cond3A_703 = arith.constant 0 : i32
      %cond3A_704 = arith.cmpi ne, %convert_element_type3A_702, %cond3A_703 : i32
      scf.if %cond3A_704 {
        %ge3A = arith.constant 2 : i32
        %ge3A_1173 = arith.cmpi sge, %add3A_616, %ge3A : i32
        %convert_element_type3A_1174 = arith.extui %ge3A_1173 : i1 to i32
        %cond3A_1175 = arith.constant 0 : i32
        %cond3A_1176 = arith.cmpi ne, %convert_element_type3A_1174, %cond3A_1175 : i32
        scf.if %cond3A_1176 {
          %sub3A_1229 = arith.constant 2 : i32
          %sub3A_1230 = arith.subi %add3A_616, %sub3A_1229 : i32
          %jit3A_1231 = arith.constant 4 : i32
          %eq3A_1232 = arith.constant 0 : i32
          %eq3A_1233 = arith.cmpi eq, %jit3A_1231, %eq3A_1232 : i32
          %jit3A_1234 = arith.constant 1 : i32
          %select_n3A_1235 = arith.select %eq3A_1233, %jit3A_1234, %jit3A_1231 : i32
          %rem3A_1236 = arith.remsi %sub3A_1230, %select_n3A_1235 : i32
          %ne3A_1237 = arith.constant 0 : i32
          %ne3A_1238 = arith.cmpi ne, %rem3A_1236, %ne3A_1237 : i32
          %lt3A_1239 = arith.constant 0 : i32
          %lt3A_1240 = arith.cmpi slt, %rem3A_1236, %lt3A_1239 : i32
          %lt3A_1241 = arith.constant 0 : i32
          %lt3A_1242 = arith.cmpi slt, %select_n3A_1235, %lt3A_1241 : i32
          %ne3A_1243 = arith.xori %lt3A_1240, %lt3A_1242 : i1
          %and3A_1244 = arith.andi %ne3A_1243, %ne3A_1238 : i1
          %add3A_1245 = arith.addi %rem3A_1236, %select_n3A_1235 : i32
          %select_n3A_1246 = arith.select %and3A_1244, %add3A_1245, %rem3A_1236 : i32
          %mul3A_1247 = arith.constant 8192 : i32
          %mul3A_1248 = arith.muli %select_n3A_1246, %mul3A_1247 : i32
          %add3A_1249 = arith.addi %mul3A_1248, %mul3A_2 : i32
          %jit3A_1250 = arith.constant 4 : i32
          %div3A_1251 = arith.divsi %sub3A_1230, %jit3A_1250 : i32
          %sign3A_1252 = arith.constant 0 : i32
          %sign3A_1253 = arith.cmpi sgt, %sub3A_1230, %sign3A_1252 : i32
          %sign3A_1254 = arith.extui %sign3A_1253 : i1 to i32
          %sign3A_1255 = arith.constant 0 : i32
          %sign3A_1256 = arith.cmpi slt, %sub3A_1230, %sign3A_1255 : i32
          %sign3A_1257 = arith.extui %sign3A_1256 : i1 to i32
          %sign3A_1258 = arith.subi %sign3A_1254, %sign3A_1257 : i32
          %sign3A_1259 = arith.constant 0 : i32
          %sign3A_1260 = arith.cmpi sgt, %jit3A_1250, %sign3A_1259 : i32
          %sign3A_1261 = arith.extui %sign3A_1260 : i1 to i32
          %sign3A_1262 = arith.constant 0 : i32
          %sign3A_1263 = arith.cmpi slt, %jit3A_1250, %sign3A_1262 : i32
          %sign3A_1264 = arith.extui %sign3A_1263 : i1 to i32
          %sign3A_1265 = arith.subi %sign3A_1261, %sign3A_1264 : i32
          %ne3A_1266 = arith.cmpi ne, %sign3A_1258, %sign3A_1265 : i32
          %rem3A_1267 = arith.remsi %sub3A_1230, %jit3A_1250 : i32
          %ne3A_1268 = arith.constant 0 : i32
          %ne3A_1269 = arith.cmpi ne, %rem3A_1267, %ne3A_1268 : i32
          %and3A_1270 = arith.andi %ne3A_1266, %ne3A_1269 : i1
          %sub3A_1271 = arith.constant 1 : i32
          %sub3A_1272 = arith.subi %div3A_1251, %sub3A_1271 : i32
          %select_n3A_1273 = arith.select %and3A_1270, %sub3A_1272, %div3A_1251 : i32
          %mul3A_1274 = arith.constant 16 : i32
          %mul3A_1275 = arith.muli %select_n3A_1273, %mul3A_1274 : i32
          %add3A_1276 = arith.addi %add3A_1249, %mul3A_1275 : i32
          %dma_wait3A_1277 = arith.constant 0 : i32
          %dma_wait3A_1278 = tpu.memref_slice %arg4[%add3A_1276, %dma_wait3A_1277] : memref<32768x1024xf32, #tpu.memory_space<hbm>> -> memref<16x1024xf32, #tpu.memory_space<hbm>>
          %dma_wait3A_1279 = arith.constant 0 : i32
          %dma_wait3A_1280 = tpu.memref_slice %arg4[%add3A_1276, %dma_wait3A_1279] : memref<32768x1024xf32, #tpu.memory_space<hbm>> -> memref<16x1024xf32, #tpu.memory_space<hbm>>
          tpu.wait_dma2 semaphore(%arg17 : memref<!tpu.dma_semaphore, #tpu.memory_space<semaphore_mem>>) src(%arg7 : memref<16x1024xf32, #tpu.memory_space<vmem>>) dst(%dma_wait3A_1280 : memref<16x1024xf32, #tpu.memory_space<hbm>>)
        } else {
        }
        %add3A_1177 = arith.constant 2 : i32
        %add3A_1178 = arith.addi %add3A_616, %add3A_1177 : i32
        %jit3A_1179 = arith.constant 4 : i32
        %eq3A_1180 = arith.constant 0 : i32
        %eq3A_1181 = arith.cmpi eq, %jit3A_1179, %eq3A_1180 : i32
        %jit3A_1182 = arith.constant 1 : i32
        %select_n3A_1183 = arith.select %eq3A_1181, %jit3A_1182, %jit3A_1179 : i32
        %rem3A_1184 = arith.remsi %add3A_1178, %select_n3A_1183 : i32
        %ne3A_1185 = arith.constant 0 : i32
        %ne3A_1186 = arith.cmpi ne, %rem3A_1184, %ne3A_1185 : i32
        %lt3A_1187 = arith.constant 0 : i32
        %lt3A_1188 = arith.cmpi slt, %rem3A_1184, %lt3A_1187 : i32
        %lt3A_1189 = arith.constant 0 : i32
        %lt3A_1190 = arith.cmpi slt, %select_n3A_1183, %lt3A_1189 : i32
        %ne3A_1191 = arith.xori %lt3A_1188, %lt3A_1190 : i1
        %and3A_1192 = arith.andi %ne3A_1191, %ne3A_1186 : i1
        %add3A_1193 = arith.addi %rem3A_1184, %select_n3A_1183 : i32
        %select_n3A_1194 = arith.select %and3A_1192, %add3A_1193, %rem3A_1184 : i32
        %mul3A_1195 = arith.constant 8192 : i32
        %mul3A_1196 = arith.muli %select_n3A_1194, %mul3A_1195 : i32
        %add3A_1197 = arith.addi %mul3A_1196, %mul3A_2 : i32
        %jit3A_1198 = arith.constant 4 : i32
        %div3A_1199 = arith.divsi %add3A_1178, %jit3A_1198 : i32
        %sign3A_1200 = arith.constant 0 : i32
        %sign3A_1201 = arith.cmpi sgt, %add3A_1178, %sign3A_1200 : i32
        %sign3A_1202 = arith.extui %sign3A_1201 : i1 to i32
        %sign3A_1203 = arith.constant 0 : i32
        %sign3A_1204 = arith.cmpi slt, %add3A_1178, %sign3A_1203 : i32
        %sign3A_1205 = arith.extui %sign3A_1204 : i1 to i32
        %sign3A_1206 = arith.subi %sign3A_1202, %sign3A_1205 : i32
        %sign3A_1207 = arith.constant 0 : i32
        %sign3A_1208 = arith.cmpi sgt, %jit3A_1198, %sign3A_1207 : i32
        %sign3A_1209 = arith.extui %sign3A_1208 : i1 to i32
        %sign3A_1210 = arith.constant 0 : i32
        %sign3A_1211 = arith.cmpi slt, %jit3A_1198, %sign3A_1210 : i32
        %sign3A_1212 = arith.extui %sign3A_1211 : i1 to i32
        %sign3A_1213 = arith.subi %sign3A_1209, %sign3A_1212 : i32
        %ne3A_1214 = arith.cmpi ne, %sign3A_1206, %sign3A_1213 : i32
        %rem3A_1215 = arith.remsi %add3A_1178, %jit3A_1198 : i32
        %ne3A_1216 = arith.constant 0 : i32
        %ne3A_1217 = arith.cmpi ne, %rem3A_1215, %ne3A_1216 : i32
        %and3A_1218 = arith.andi %ne3A_1214, %ne3A_1217 : i1
        %sub3A_1219 = arith.constant 1 : i32
        %sub3A_1220 = arith.subi %div3A_1199, %sub3A_1219 : i32
        %select_n3A_1221 = arith.select %and3A_1218, %sub3A_1220, %div3A_1199 : i32
        %mul3A_1222 = arith.constant 16 : i32
        %mul3A_1223 = arith.muli %select_n3A_1221, %mul3A_1222 : i32
        %add3A_1224 = arith.addi %add3A_1197, %mul3A_1223 : i32
        %dma_start3A_1225 = arith.constant 0 : i32
        %dma_start3A_1226 = tpu.memref_slice %arg2[%add3A_1224, %dma_start3A_1225] : memref<32768x1024xf32, #tpu.memory_space<hbm>> -> memref<16x1024xf32, #tpu.memory_space<hbm>>
        %dma_start3A_1227 = arith.constant 0 : i32
        %dma_start3A_1228 = tpu.memref_slice %arg2[%add3A_1224, %dma_start3A_1227] : memref<32768x1024xf32, #tpu.memory_space<hbm>> -> memref<16x1024xf32, #tpu.memory_space<hbm>>
        tpu.enqueue_dma source(%dma_start3A_1228 : memref<16x1024xf32, #tpu.memory_space<hbm>>) target(%arg7 : memref<16x1024xf32, #tpu.memory_space<vmem>>) target_semaphore(%arg13 : memref<!tpu.dma_semaphore, #tpu.memory_space<semaphore_mem>>)
      } else {
      }
      %parallel_loop3A_705 = arith.constant 0 : i32
      %parallel_loop3A_706 = arith.constant 1024 : i32
      %parallel_loop3A_707 = arith.constant 1 : i32
      scf.for %parallel_loop3A_1173 = %parallel_loop3A_705 to %parallel_loop3A_706 step %parallel_loop3A_707  : i32 {
        %parallel_loop3A_1174 = arith.constant 64 : i32
        %parallel_loop3A_1175 = arith.divsi %parallel_loop3A_1173, %parallel_loop3A_1174 : i32
        %parallel_loop3A_1176 = arith.constant 0 : i32
        %parallel_loop3A_1177 = arith.cmpi sgt, %parallel_loop3A_1173, %parallel_loop3A_1176 : i32
        %parallel_loop3A_1178 = arith.extui %parallel_loop3A_1177 : i1 to i32
        %parallel_loop3A_1179 = arith.constant 0 : i32
        %parallel_loop3A_1180 = arith.cmpi slt, %parallel_loop3A_1173, %parallel_loop3A_1179 : i32
        %parallel_loop3A_1181 = arith.extui %parallel_loop3A_1180 : i1 to i32
        %parallel_loop3A_1182 = arith.subi %parallel_loop3A_1178, %parallel_loop3A_1181 : i32
        %parallel_loop3A_1183 = arith.constant 0 : i32
        %parallel_loop3A_1184 = arith.cmpi sgt, %parallel_loop3A_1174, %parallel_loop3A_1183 : i32
        %parallel_loop3A_1185 = arith.extui %parallel_loop3A_1184 : i1 to i32
        %parallel_loop3A_1186 = arith.constant 0 : i32
        %parallel_loop3A_1187 = arith.cmpi slt, %parallel_loop3A_1174, %parallel_loop3A_1186 : i32
        %parallel_loop3A_1188 = arith.extui %parallel_loop3A_1187 : i1 to i32
        %parallel_loop3A_1189 = arith.subi %parallel_loop3A_1185, %parallel_loop3A_1188 : i32
        %parallel_loop3A_1190 = arith.cmpi ne, %parallel_loop3A_1182, %parallel_loop3A_1189 : i32
        %parallel_loop3A_1191 = arith.remsi %parallel_loop3A_1173, %parallel_loop3A_1174 : i32
        %parallel_loop3A_1192 = arith.constant 0 : i32
        %parallel_loop3A_1193 = arith.cmpi ne, %parallel_loop3A_1191, %parallel_loop3A_1192 : i32
        %parallel_loop3A_1194 = arith.andi %parallel_loop3A_1190, %parallel_loop3A_1193 : i1
        %parallel_loop3A_1195 = arith.constant 1 : i32
        %parallel_loop3A_1196 = arith.subi %parallel_loop3A_1175, %parallel_loop3A_1195 : i32
        %parallel_loop3A_1197 = arith.select %parallel_loop3A_1194, %parallel_loop3A_1196, %parallel_loop3A_1175 : i32
        %parallel_loop3A_1198 = arith.constant 64 : i32
        %parallel_loop3A_1199 = arith.constant 0 : i32
        %parallel_loop3A_1200 = arith.cmpi eq, %parallel_loop3A_1198, %parallel_loop3A_1199 : i32
        %parallel_loop3A_1201 = arith.constant 1 : i32
        %parallel_loop3A_1202 = arith.select %parallel_loop3A_1200, %parallel_loop3A_1201, %parallel_loop3A_1198 : i32
        %parallel_loop3A_1203 = arith.remsi %parallel_loop3A_1173, %parallel_loop3A_1202 : i32
        %parallel_loop3A_1204 = arith.constant 0 : i32
        %parallel_loop3A_1205 = arith.cmpi ne, %parallel_loop3A_1203, %parallel_loop3A_1204 : i32
        %parallel_loop3A_1206 = arith.constant 0 : i32
        %parallel_loop3A_1207 = arith.cmpi slt, %parallel_loop3A_1203, %parallel_loop3A_1206 : i32
        %parallel_loop3A_1208 = arith.constant 0 : i32
        %parallel_loop3A_1209 = arith.cmpi slt, %parallel_loop3A_1202, %parallel_loop3A_1208 : i32
        %parallel_loop3A_1210 = arith.xori %parallel_loop3A_1207, %parallel_loop3A_1209 : i1
        %parallel_loop3A_1211 = arith.andi %parallel_loop3A_1210, %parallel_loop3A_1205 : i1
        %parallel_loop3A_1212 = arith.addi %parallel_loop3A_1203, %parallel_loop3A_1202 : i32
        %parallel_loop3A_1213 = arith.select %parallel_loop3A_1211, %parallel_loop3A_1212, %parallel_loop3A_1203 : i32
        %parallel_loop3A_1214 = arith.constant 16 : i32
        %parallel_loop3A_1215 = arith.muli %parallel_loop3A_1213, %parallel_loop3A_1214 : i32
        %parallel_loop3A_1216 = arith.index_cast %parallel_loop3A_1197 : i32 to index
        %parallel_loop3A_1217 = arith.index_cast %parallel_loop3A_1215 : i32 to index
        %parallel_loop3A_1218 = tpu.vector_load %arg10[%parallel_loop3A_1216, %parallel_loop3A_1217] {strides = array<i32>} : memref<16x1024xf32, #tpu.memory_space<vmem>>, vector<1x16xf32>,
        %parallel_loop3A_1219 = vector.shape_cast %parallel_loop3A_1218 : vector<1x16xf32> to vector<16xf32>
        %parallel_loop3A_1220 = arith.index_cast %parallel_loop3A_1197 : i32 to index
        %parallel_loop3A_1221 = arith.index_cast %parallel_loop3A_1215 : i32 to index
        %parallel_loop3A_1222 = tpu.vector_load %arg5[%parallel_loop3A_1220, %parallel_loop3A_1221] {strides = array<i32>} : memref<16x1024xf32, #tpu.memory_space<vmem>>, vector<1x16xf32>,
        %parallel_loop3A_1223 = vector.shape_cast %parallel_loop3A_1222 : vector<1x16xf32> to vector<16xf32>
        %parallel_loop3A_1224 = vector.shape_cast %parallel_loop3A_1219 : vector<16xf32> to vector<1x16xf32>
        tpu.vector_store %arg5[%parallel_loop3A_1220, %parallel_loop3A_1221], %parallel_loop3A_1224 {add = true, strides = array<i32>} : memref<16x1024xf32, #tpu.memory_space<vmem>>, vector<1x16xf32>,
      } {sc.loop_unroll_factor = 8 : i64, sc.parallel_access}
      %jit3A_708 = arith.constant 4 : i32
      %eq3A_709 = arith.constant 0 : i32
      %eq3A_710 = arith.cmpi eq, %jit3A_708, %eq3A_709 : i32
      %jit3A_711 = arith.constant 1 : i32
      %select_n3A_712 = arith.select %eq3A_710, %jit3A_711, %jit3A_708 : i32
      %rem3A_713 = arith.remsi %add3A_616, %select_n3A_712 : i32
      %ne3A_714 = arith.constant 0 : i32
      %ne3A_715 = arith.cmpi ne, %rem3A_713, %ne3A_714 : i32
      %lt3A_716 = arith.constant 0 : i32
      %lt3A_717 = arith.cmpi slt, %rem3A_713, %lt3A_716 : i32
      %lt3A_718 = arith.constant 0 : i32
      %lt3A_719 = arith.cmpi slt, %select_n3A_712, %lt3A_718 : i32
      %ne3A_720 = arith.xori %lt3A_717, %lt3A_719 : i1
      %and3A_721 = arith.andi %ne3A_720, %ne3A_715 : i1
      %add3A_722 = arith.addi %rem3A_713, %select_n3A_712 : i32
      %select_n3A_723 = arith.select %and3A_721, %add3A_722, %rem3A_713 : i32
      %mul3A_724 = arith.constant 8192 : i32
      %mul3A_725 = arith.muli %select_n3A_723, %mul3A_724 : i32
      %add3A_726 = arith.addi %mul3A_725, %mul3A_2 : i32
      %jit3A_727 = arith.constant 4 : i32
      %div3A_728 = arith.divsi %add3A_616, %jit3A_727 : i32
      %sign3A_729 = arith.constant 0 : i32
      %sign3A_730 = arith.cmpi sgt, %add3A_616, %sign3A_729 : i32
      %sign3A_731 = arith.extui %sign3A_730 : i1 to i32
      %sign3A_732 = arith.constant 0 : i32
      %sign3A_733 = arith.cmpi slt, %add3A_616, %sign3A_732 : i32
      %sign3A_734 = arith.extui %sign3A_733 : i1 to i32
      %sign3A_735 = arith.subi %sign3A_731, %sign3A_734 : i32
      %sign3A_736 = arith.constant 0 : i32
      %sign3A_737 = arith.cmpi sgt, %jit3A_727, %sign3A_736 : i32
      %sign3A_738 = arith.extui %sign3A_737 : i1 to i32
      %sign3A_739 = arith.constant 0 : i32
      %sign3A_740 = arith.cmpi slt, %jit3A_727, %sign3A_739 : i32
      %sign3A_741 = arith.extui %sign3A_740 : i1 to i32
      %sign3A_742 = arith.subi %sign3A_738, %sign3A_741 : i32
      %ne3A_743 = arith.cmpi ne, %sign3A_735, %sign3A_742 : i32
      %rem3A_744 = arith.remsi %add3A_616, %jit3A_727 : i32
      %ne3A_745 = arith.constant 0 : i32
      %ne3A_746 = arith.cmpi ne, %rem3A_744, %ne3A_745 : i32
      %and3A_747 = arith.andi %ne3A_743, %ne3A_746 : i1
      %sub3A_748 = arith.constant 1 : i32
      %sub3A_749 = arith.subi %div3A_728, %sub3A_748 : i32
      %select_n3A_750 = arith.select %and3A_747, %sub3A_749, %div3A_728 : i32
      %mul3A_751 = arith.constant 16 : i32
      %mul3A_752 = arith.muli %select_n3A_750, %mul3A_751 : i32
      %add3A_753 = arith.addi %add3A_726, %mul3A_752 : i32
      %dma_start3A_754 = arith.constant 0 : i32
      %dma_start3A_755 = tpu.memref_slice %arg4[%add3A_753, %dma_start3A_754] : memref<32768x1024xf32, #tpu.memory_space<hbm>> -> memref<16x1024xf32, #tpu.memory_space<hbm>>
      %dma_start3A_756 = arith.constant 0 : i32
      %dma_start3A_757 = tpu.memref_slice %arg4[%add3A_753, %dma_start3A_756] : memref<32768x1024xf32, #tpu.memory_space<hbm>> -> memref<16x1024xf32, #tpu.memory_space<hbm>>
      tpu.enqueue_dma source(%arg5 : memref<16x1024xf32, #tpu.memory_space<vmem>>) target(%dma_start3A_757 : memref<16x1024xf32, #tpu.memory_space<hbm>>) target_semaphore(%arg15 : memref<!tpu.dma_semaphore, #tpu.memory_space<semaphore_mem>>)
      %add3A_758 = arith.constant 5 : i32
      %add3A_759 = arith.addi %add3A_69, %add3A_758 : i32
      %jit3A_760 = arith.constant 4 : i32
      %div3A_761 = arith.divsi %add3A_759, %jit3A_760 : i32
      %sign3A_762 = arith.constant 0 : i32
      %sign3A_763 = arith.cmpi sgt, %add3A_759, %sign3A_762 : i32
      %sign3A_764 = arith.extui %sign3A_763 : i1 to i32
      %sign3A_765 = arith.constant 0 : i32
      %sign3A_766 = arith.cmpi slt, %add3A_759, %sign3A_765 : i32
      %sign3A_767 = arith.extui %sign3A_766 : i1 to i32
      %sign3A_768 = arith.subi %sign3A_764, %sign3A_767 : i32
      %sign3A_769 = arith.constant 0 : i32
      %sign3A_770 = arith.cmpi sgt, %jit3A_760, %sign3A_769 : i32
      %sign3A_771 = arith.extui %sign3A_770 : i1 to i32
      %sign3A_772 = arith.constant 0 : i32
      %sign3A_773 = arith.cmpi slt, %jit3A_760, %sign3A_772 : i32
      %sign3A_774 = arith.extui %sign3A_773 : i1 to i32
      %sign3A_775 = arith.subi %sign3A_771, %sign3A_774 : i32
      %ne3A_776 = arith.cmpi ne, %sign3A_768, %sign3A_775 : i32
      %rem3A_777 = arith.remsi %add3A_759, %jit3A_760 : i32
      %ne3A_778 = arith.constant 0 : i32
      %ne3A_779 = arith.cmpi ne, %rem3A_777, %ne3A_778 : i32
      %and3A_780 = arith.andi %ne3A_776, %ne3A_779 : i1
      %sub3A_781 = arith.constant 1 : i32
      %sub3A_782 = arith.subi %div3A_761, %sub3A_781 : i32
      %select_n3A_783 = arith.select %and3A_780, %sub3A_782, %div3A_761 : i32
      %jit3A_784 = arith.constant 4 : i32
      %eq3A_785 = arith.constant 0 : i32
      %eq3A_786 = arith.cmpi eq, %jit3A_784, %eq3A_785 : i32
      %jit3A_787 = arith.constant 1 : i32
      %select_n3A_788 = arith.select %eq3A_786, %jit3A_787, %jit3A_784 : i32
      %rem3A_789 = arith.remsi %add3A_759, %select_n3A_788 : i32
      %ne3A_790 = arith.constant 0 : i32
      %ne3A_791 = arith.cmpi ne, %rem3A_789, %ne3A_790 : i32
      %lt3A_792 = arith.constant 0 : i32
      %lt3A_793 = arith.cmpi slt, %rem3A_789, %lt3A_792 : i32
      %lt3A_794 = arith.constant 0 : i32
      %lt3A_795 = arith.cmpi slt, %select_n3A_788, %lt3A_794 : i32
      %ne3A_796 = arith.xori %lt3A_793, %lt3A_795 : i1
      %and3A_797 = arith.andi %ne3A_796, %ne3A_791 : i1
      %add3A_798 = arith.addi %rem3A_789, %select_n3A_788 : i32
      %select_n3A_799 = arith.select %and3A_797, %add3A_798, %rem3A_789 : i32
      %mul3A_800 = arith.constant 8192 : i32
      %mul3A_801 = arith.muli %select_n3A_799, %mul3A_800 : i32
      %add3A_802 = arith.addi %mul3A_801, %mul3A_2 : i32
      %jit3A_803 = arith.constant 4 : i32
      %div3A_804 = arith.divsi %add3A_759, %jit3A_803 : i32
      %sign3A_805 = arith.constant 0 : i32
      %sign3A_806 = arith.cmpi sgt, %add3A_759, %sign3A_805 : i32
      %sign3A_807 = arith.extui %sign3A_806 : i1 to i32
      %sign3A_808 = arith.constant 0 : i32
      %sign3A_809 = arith.cmpi slt, %add3A_759, %sign3A_808 : i32
      %sign3A_810 = arith.extui %sign3A_809 : i1 to i32
      %sign3A_811 = arith.subi %sign3A_807, %sign3A_810 : i32
      %sign3A_812 = arith.constant 0 : i32
      %sign3A_813 = arith.cmpi sgt, %jit3A_803, %sign3A_812 : i32
      %sign3A_814 = arith.extui %sign3A_813 : i1 to i32
      %sign3A_815 = arith.constant 0 : i32
      %sign3A_816 = arith.cmpi slt, %jit3A_803, %sign3A_815 : i32
      %sign3A_817 = arith.extui %sign3A_816 : i1 to i32
      %sign3A_818 = arith.subi %sign3A_814, %sign3A_817 : i32
      %ne3A_819 = arith.cmpi ne, %sign3A_811, %sign3A_818 : i32
      %rem3A_820 = arith.remsi %add3A_759, %jit3A_803 : i32
      %ne3A_821 = arith.constant 0 : i32
      %ne3A_822 = arith.cmpi ne, %rem3A_820, %ne3A_821 : i32
      %and3A_823 = arith.andi %ne3A_819, %ne3A_822 : i1
      %sub3A_824 = arith.constant 1 : i32
      %sub3A_825 = arith.subi %div3A_804, %sub3A_824 : i32
      %select_n3A_826 = arith.select %and3A_823, %sub3A_825, %div3A_804 : i32
      %mul3A_827 = arith.constant 16 : i32
      %mul3A_828 = arith.muli %select_n3A_826, %mul3A_827 : i32
      %add3A_829 = arith.addi %add3A_802, %mul3A_828 : i32
      %dma_wait3A_830 = arith.constant 0 : i32
      %dma_wait3A_831 = tpu.memref_slice %arg2[%add3A_829, %dma_wait3A_830] : memref<32768x1024xf32, #tpu.memory_space<hbm>> -> memref<16x1024xf32, #tpu.memory_space<hbm>>
      %dma_wait3A_832 = arith.constant 0 : i32
      %dma_wait3A_833 = tpu.memref_slice %arg2[%add3A_829, %dma_wait3A_832] : memref<32768x1024xf32, #tpu.memory_space<hbm>> -> memref<16x1024xf32, #tpu.memory_space<hbm>>
      tpu.wait_dma2 semaphore(%arg12 : memref<!tpu.dma_semaphore, #tpu.memory_space<semaphore_mem>>) src(%dma_wait3A_833 : memref<16x1024xf32, #tpu.memory_space<hbm>>) dst(%arg6 : memref<16x1024xf32, #tpu.memory_space<vmem>>)
      %add3A_834 = arith.constant 2 : i32
      %add3A_835 = arith.addi %add3A_759, %add3A_834 : i32
      %lt3A_836 = arith.constant 64 : i32
      %lt3A_837 = arith.cmpi slt, %add3A_835, %lt3A_836 : i32
      %convert_element_type3A_838 = arith.extui %lt3A_837 : i1 to i32
      %cond3A_839 = arith.constant 0 : i32
      %cond3A_840 = arith.cmpi ne, %convert_element_type3A_838, %cond3A_839 : i32
      scf.if %cond3A_840 {
        %ge3A = arith.constant 2 : i32
        %ge3A_1173 = arith.cmpi sge, %add3A_759, %ge3A : i32
        %convert_element_type3A_1174 = arith.extui %ge3A_1173 : i1 to i32
        %cond3A_1175 = arith.constant 0 : i32
        %cond3A_1176 = arith.cmpi ne, %convert_element_type3A_1174, %cond3A_1175 : i32
        scf.if %cond3A_1176 {
          %sub3A_1229 = arith.constant 2 : i32
          %sub3A_1230 = arith.subi %add3A_759, %sub3A_1229 : i32
          %jit3A_1231 = arith.constant 4 : i32
          %eq3A_1232 = arith.constant 0 : i32
          %eq3A_1233 = arith.cmpi eq, %jit3A_1231, %eq3A_1232 : i32
          %jit3A_1234 = arith.constant 1 : i32
          %select_n3A_1235 = arith.select %eq3A_1233, %jit3A_1234, %jit3A_1231 : i32
          %rem3A_1236 = arith.remsi %sub3A_1230, %select_n3A_1235 : i32
          %ne3A_1237 = arith.constant 0 : i32
          %ne3A_1238 = arith.cmpi ne, %rem3A_1236, %ne3A_1237 : i32
          %lt3A_1239 = arith.constant 0 : i32
          %lt3A_1240 = arith.cmpi slt, %rem3A_1236, %lt3A_1239 : i32
          %lt3A_1241 = arith.constant 0 : i32
          %lt3A_1242 = arith.cmpi slt, %select_n3A_1235, %lt3A_1241 : i32
          %ne3A_1243 = arith.xori %lt3A_1240, %lt3A_1242 : i1
          %and3A_1244 = arith.andi %ne3A_1243, %ne3A_1238 : i1
          %add3A_1245 = arith.addi %rem3A_1236, %select_n3A_1235 : i32
          %select_n3A_1246 = arith.select %and3A_1244, %add3A_1245, %rem3A_1236 : i32
          %mul3A_1247 = arith.constant 8192 : i32
          %mul3A_1248 = arith.muli %select_n3A_1246, %mul3A_1247 : i32
          %add3A_1249 = arith.addi %mul3A_1248, %mul3A_2 : i32
          %jit3A_1250 = arith.constant 4 : i32
          %div3A_1251 = arith.divsi %sub3A_1230, %jit3A_1250 : i32
          %sign3A_1252 = arith.constant 0 : i32
          %sign3A_1253 = arith.cmpi sgt, %sub3A_1230, %sign3A_1252 : i32
          %sign3A_1254 = arith.extui %sign3A_1253 : i1 to i32
          %sign3A_1255 = arith.constant 0 : i32
          %sign3A_1256 = arith.cmpi slt, %sub3A_1230, %sign3A_1255 : i32
          %sign3A_1257 = arith.extui %sign3A_1256 : i1 to i32
          %sign3A_1258 = arith.subi %sign3A_1254, %sign3A_1257 : i32
          %sign3A_1259 = arith.constant 0 : i32
          %sign3A_1260 = arith.cmpi sgt, %jit3A_1250, %sign3A_1259 : i32
          %sign3A_1261 = arith.extui %sign3A_1260 : i1 to i32
          %sign3A_1262 = arith.constant 0 : i32
          %sign3A_1263 = arith.cmpi slt, %jit3A_1250, %sign3A_1262 : i32
          %sign3A_1264 = arith.extui %sign3A_1263 : i1 to i32
          %sign3A_1265 = arith.subi %sign3A_1261, %sign3A_1264 : i32
          %ne3A_1266 = arith.cmpi ne, %sign3A_1258, %sign3A_1265 : i32
          %rem3A_1267 = arith.remsi %sub3A_1230, %jit3A_1250 : i32
          %ne3A_1268 = arith.constant 0 : i32
          %ne3A_1269 = arith.cmpi ne, %rem3A_1267, %ne3A_1268 : i32
          %and3A_1270 = arith.andi %ne3A_1266, %ne3A_1269 : i1
          %sub3A_1271 = arith.constant 1 : i32
          %sub3A_1272 = arith.subi %div3A_1251, %sub3A_1271 : i32
          %select_n3A_1273 = arith.select %and3A_1270, %sub3A_1272, %div3A_1251 : i32
          %mul3A_1274 = arith.constant 16 : i32
          %mul3A_1275 = arith.muli %select_n3A_1273, %mul3A_1274 : i32
          %add3A_1276 = arith.addi %add3A_1249, %mul3A_1275 : i32
          %dma_wait3A_1277 = arith.constant 0 : i32
          %dma_wait3A_1278 = tpu.memref_slice %arg4[%add3A_1276, %dma_wait3A_1277] : memref<32768x1024xf32, #tpu.memory_space<hbm>> -> memref<16x1024xf32, #tpu.memory_space<hbm>>
          %dma_wait3A_1279 = arith.constant 0 : i32
          %dma_wait3A_1280 = tpu.memref_slice %arg4[%add3A_1276, %dma_wait3A_1279] : memref<32768x1024xf32, #tpu.memory_space<hbm>> -> memref<16x1024xf32, #tpu.memory_space<hbm>>
          tpu.wait_dma2 semaphore(%arg18 : memref<!tpu.dma_semaphore, #tpu.memory_space<semaphore_mem>>) src(%arg8 : memref<16x1024xf32, #tpu.memory_space<vmem>>) dst(%dma_wait3A_1280 : memref<16x1024xf32, #tpu.memory_space<hbm>>)
        } else {
        }
        %add3A_1177 = arith.constant 2 : i32
        %add3A_1178 = arith.addi %add3A_759, %add3A_1177 : i32
        %jit3A_1179 = arith.constant 4 : i32
        %eq3A_1180 = arith.constant 0 : i32
        %eq3A_1181 = arith.cmpi eq, %jit3A_1179, %eq3A_1180 : i32
        %jit3A_1182 = arith.constant 1 : i32
        %select_n3A_1183 = arith.select %eq3A_1181, %jit3A_1182, %jit3A_1179 : i32
        %rem3A_1184 = arith.remsi %add3A_1178, %select_n3A_1183 : i32
        %ne3A_1185 = arith.constant 0 : i32
        %ne3A_1186 = arith.cmpi ne, %rem3A_1184, %ne3A_1185 : i32
        %lt3A_1187 = arith.constant 0 : i32
        %lt3A_1188 = arith.cmpi slt, %rem3A_1184, %lt3A_1187 : i32
        %lt3A_1189 = arith.constant 0 : i32
        %lt3A_1190 = arith.cmpi slt, %select_n3A_1183, %lt3A_1189 : i32
        %ne3A_1191 = arith.xori %lt3A_1188, %lt3A_1190 : i1
        %and3A_1192 = arith.andi %ne3A_1191, %ne3A_1186 : i1
        %add3A_1193 = arith.addi %rem3A_1184, %select_n3A_1183 : i32
        %select_n3A_1194 = arith.select %and3A_1192, %add3A_1193, %rem3A_1184 : i32
        %mul3A_1195 = arith.constant 8192 : i32
        %mul3A_1196 = arith.muli %select_n3A_1194, %mul3A_1195 : i32
        %add3A_1197 = arith.addi %mul3A_1196, %mul3A_2 : i32
        %jit3A_1198 = arith.constant 4 : i32
        %div3A_1199 = arith.divsi %add3A_1178, %jit3A_1198 : i32
        %sign3A_1200 = arith.constant 0 : i32
        %sign3A_1201 = arith.cmpi sgt, %add3A_1178, %sign3A_1200 : i32
        %sign3A_1202 = arith.extui %sign3A_1201 : i1 to i32
        %sign3A_1203 = arith.constant 0 : i32
        %sign3A_1204 = arith.cmpi slt, %add3A_1178, %sign3A_1203 : i32
        %sign3A_1205 = arith.extui %sign3A_1204 : i1 to i32
        %sign3A_1206 = arith.subi %sign3A_1202, %sign3A_1205 : i32
        %sign3A_1207 = arith.constant 0 : i32
        %sign3A_1208 = arith.cmpi sgt, %jit3A_1198, %sign3A_1207 : i32
        %sign3A_1209 = arith.extui %sign3A_1208 : i1 to i32
        %sign3A_1210 = arith.constant 0 : i32
        %sign3A_1211 = arith.cmpi slt, %jit3A_1198, %sign3A_1210 : i32
        %sign3A_1212 = arith.extui %sign3A_1211 : i1 to i32
        %sign3A_1213 = arith.subi %sign3A_1209, %sign3A_1212 : i32
        %ne3A_1214 = arith.cmpi ne, %sign3A_1206, %sign3A_1213 : i32
        %rem3A_1215 = arith.remsi %add3A_1178, %jit3A_1198 : i32
        %ne3A_1216 = arith.constant 0 : i32
        %ne3A_1217 = arith.cmpi ne, %rem3A_1215, %ne3A_1216 : i32
        %and3A_1218 = arith.andi %ne3A_1214, %ne3A_1217 : i1
        %sub3A_1219 = arith.constant 1 : i32
        %sub3A_1220 = arith.subi %div3A_1199, %sub3A_1219 : i32
        %select_n3A_1221 = arith.select %and3A_1218, %sub3A_1220, %div3A_1199 : i32
        %mul3A_1222 = arith.constant 16 : i32
        %mul3A_1223 = arith.muli %select_n3A_1221, %mul3A_1222 : i32
        %add3A_1224 = arith.addi %add3A_1197, %mul3A_1223 : i32
        %dma_start3A_1225 = arith.constant 0 : i32
        %dma_start3A_1226 = tpu.memref_slice %arg2[%add3A_1224, %dma_start3A_1225] : memref<32768x1024xf32, #tpu.memory_space<hbm>> -> memref<16x1024xf32, #tpu.memory_space<hbm>>
        %dma_start3A_1227 = arith.constant 0 : i32
        %dma_start3A_1228 = tpu.memref_slice %arg2[%add3A_1224, %dma_start3A_1227] : memref<32768x1024xf32, #tpu.memory_space<hbm>> -> memref<16x1024xf32, #tpu.memory_space<hbm>>
        tpu.enqueue_dma source(%dma_start3A_1228 : memref<16x1024xf32, #tpu.memory_space<hbm>>) target(%arg8 : memref<16x1024xf32, #tpu.memory_space<vmem>>) target_semaphore(%arg14 : memref<!tpu.dma_semaphore, #tpu.memory_space<semaphore_mem>>)
      } else {
      }
      %parallel_loop3A_841 = arith.constant 0 : i32
      %parallel_loop3A_842 = arith.constant 1024 : i32
      %parallel_loop3A_843 = arith.constant 1 : i32
      scf.for %parallel_loop3A_1173 = %parallel_loop3A_841 to %parallel_loop3A_842 step %parallel_loop3A_843  : i32 {
        %parallel_loop3A_1174 = arith.constant 64 : i32
        %parallel_loop3A_1175 = arith.divsi %parallel_loop3A_1173, %parallel_loop3A_1174 : i32
        %parallel_loop3A_1176 = arith.constant 0 : i32
        %parallel_loop3A_1177 = arith.cmpi sgt, %parallel_loop3A_1173, %parallel_loop3A_1176 : i32
        %parallel_loop3A_1178 = arith.extui %parallel_loop3A_1177 : i1 to i32
        %parallel_loop3A_1179 = arith.constant 0 : i32
        %parallel_loop3A_1180 = arith.cmpi slt, %parallel_loop3A_1173, %parallel_loop3A_1179 : i32
        %parallel_loop3A_1181 = arith.extui %parallel_loop3A_1180 : i1 to i32
        %parallel_loop3A_1182 = arith.subi %parallel_loop3A_1178, %parallel_loop3A_1181 : i32
        %parallel_loop3A_1183 = arith.constant 0 : i32
        %parallel_loop3A_1184 = arith.cmpi sgt, %parallel_loop3A_1174, %parallel_loop3A_1183 : i32
        %parallel_loop3A_1185 = arith.extui %parallel_loop3A_1184 : i1 to i32
        %parallel_loop3A_1186 = arith.constant 0 : i32
        %parallel_loop3A_1187 = arith.cmpi slt, %parallel_loop3A_1174, %parallel_loop3A_1186 : i32
        %parallel_loop3A_1188 = arith.extui %parallel_loop3A_1187 : i1 to i32
        %parallel_loop3A_1189 = arith.subi %parallel_loop3A_1185, %parallel_loop3A_1188 : i32
        %parallel_loop3A_1190 = arith.cmpi ne, %parallel_loop3A_1182, %parallel_loop3A_1189 : i32
        %parallel_loop3A_1191 = arith.remsi %parallel_loop3A_1173, %parallel_loop3A_1174 : i32
        %parallel_loop3A_1192 = arith.constant 0 : i32
        %parallel_loop3A_1193 = arith.cmpi ne, %parallel_loop3A_1191, %parallel_loop3A_1192 : i32
        %parallel_loop3A_1194 = arith.andi %parallel_loop3A_1190, %parallel_loop3A_1193 : i1
        %parallel_loop3A_1195 = arith.constant 1 : i32
        %parallel_loop3A_1196 = arith.subi %parallel_loop3A_1175, %parallel_loop3A_1195 : i32
        %parallel_loop3A_1197 = arith.select %parallel_loop3A_1194, %parallel_loop3A_1196, %parallel_loop3A_1175 : i32
        %parallel_loop3A_1198 = arith.constant 64 : i32
        %parallel_loop3A_1199 = arith.constant 0 : i32
        %parallel_loop3A_1200 = arith.cmpi eq, %parallel_loop3A_1198, %parallel_loop3A_1199 : i32
        %parallel_loop3A_1201 = arith.constant 1 : i32
        %parallel_loop3A_1202 = arith.select %parallel_loop3A_1200, %parallel_loop3A_1201, %parallel_loop3A_1198 : i32
        %parallel_loop3A_1203 = arith.remsi %parallel_loop3A_1173, %parallel_loop3A_1202 : i32
        %parallel_loop3A_1204 = arith.constant 0 : i32
        %parallel_loop3A_1205 = arith.cmpi ne, %parallel_loop3A_1203, %parallel_loop3A_1204 : i32
        %parallel_loop3A_1206 = arith.constant 0 : i32
        %parallel_loop3A_1207 = arith.cmpi slt, %parallel_loop3A_1203, %parallel_loop3A_1206 : i32
        %parallel_loop3A_1208 = arith.constant 0 : i32
        %parallel_loop3A_1209 = arith.cmpi slt, %parallel_loop3A_1202, %parallel_loop3A_1208 : i32
        %parallel_loop3A_1210 = arith.xori %parallel_loop3A_1207, %parallel_loop3A_1209 : i1
        %parallel_loop3A_1211 = arith.andi %parallel_loop3A_1210, %parallel_loop3A_1205 : i1
        %parallel_loop3A_1212 = arith.addi %parallel_loop3A_1203, %parallel_loop3A_1202 : i32
        %parallel_loop3A_1213 = arith.select %parallel_loop3A_1211, %parallel_loop3A_1212, %parallel_loop3A_1203 : i32
        %parallel_loop3A_1214 = arith.constant 16 : i32
        %parallel_loop3A_1215 = arith.muli %parallel_loop3A_1213, %parallel_loop3A_1214 : i32
        %parallel_loop3A_1216 = arith.index_cast %parallel_loop3A_1197 : i32 to index
        %parallel_loop3A_1217 = arith.index_cast %parallel_loop3A_1215 : i32 to index
        %parallel_loop3A_1218 = tpu.vector_load %arg10[%parallel_loop3A_1216, %parallel_loop3A_1217] {strides = array<i32>} : memref<16x1024xf32, #tpu.memory_space<vmem>>, vector<1x16xf32>,
        %parallel_loop3A_1219 = vector.shape_cast %parallel_loop3A_1218 : vector<1x16xf32> to vector<16xf32>
        %parallel_loop3A_1220 = arith.index_cast %parallel_loop3A_1197 : i32 to index
        %parallel_loop3A_1221 = arith.index_cast %parallel_loop3A_1215 : i32 to index
        %parallel_loop3A_1222 = tpu.vector_load %arg6[%parallel_loop3A_1220, %parallel_loop3A_1221] {strides = array<i32>} : memref<16x1024xf32, #tpu.memory_space<vmem>>, vector<1x16xf32>,
        %parallel_loop3A_1223 = vector.shape_cast %parallel_loop3A_1222 : vector<1x16xf32> to vector<16xf32>
        %parallel_loop3A_1224 = vector.shape_cast %parallel_loop3A_1219 : vector<16xf32> to vector<1x16xf32>
        tpu.vector_store %arg6[%parallel_loop3A_1220, %parallel_loop3A_1221], %parallel_loop3A_1224 {add = true, strides = array<i32>} : memref<16x1024xf32, #tpu.memory_space<vmem>>, vector<1x16xf32>,
      } {sc.loop_unroll_factor = 8 : i64, sc.parallel_access}
      %jit3A_844 = arith.constant 4 : i32
      %eq3A_845 = arith.constant 0 : i32
      %eq3A_846 = arith.cmpi eq, %jit3A_844, %eq3A_845 : i32
      %jit3A_847 = arith.constant 1 : i32
      %select_n3A_848 = arith.select %eq3A_846, %jit3A_847, %jit3A_844 : i32
      %rem3A_849 = arith.remsi %add3A_759, %select_n3A_848 : i32
      %ne3A_850 = arith.constant 0 : i32
      %ne3A_851 = arith.cmpi ne, %rem3A_849, %ne3A_850 : i32
      %lt3A_852 = arith.constant 0 : i32
      %lt3A_853 = arith.cmpi slt, %rem3A_849, %lt3A_852 : i32
      %lt3A_854 = arith.constant 0 : i32
      %lt3A_855 = arith.cmpi slt, %select_n3A_848, %lt3A_854 : i32
      %ne3A_856 = arith.xori %lt3A_853, %lt3A_855 : i1
      %and3A_857 = arith.andi %ne3A_856, %ne3A_851 : i1
      %add3A_858 = arith.addi %rem3A_849, %select_n3A_848 : i32
      %select_n3A_859 = arith.select %and3A_857, %add3A_858, %rem3A_849 : i32
      %mul3A_860 = arith.constant 8192 : i32
      %mul3A_861 = arith.muli %select_n3A_859, %mul3A_860 : i32
      %add3A_862 = arith.addi %mul3A_861, %mul3A_2 : i32
      %jit3A_863 = arith.constant 4 : i32
      %div3A_864 = arith.divsi %add3A_759, %jit3A_863 : i32
      %sign3A_865 = arith.constant 0 : i32
      %sign3A_866 = arith.cmpi sgt, %add3A_759, %sign3A_865 : i32
      %sign3A_867 = arith.extui %sign3A_866 : i1 to i32
      %sign3A_868 = arith.constant 0 : i32
      %sign3A_869 = arith.cmpi slt, %add3A_759, %sign3A_868 : i32
      %sign3A_870 = arith.extui %sign3A_869 : i1 to i32
      %sign3A_871 = arith.subi %sign3A_867, %sign3A_870 : i32
      %sign3A_872 = arith.constant 0 : i32
      %sign3A_873 = arith.cmpi sgt, %jit3A_863, %sign3A_872 : i32
      %sign3A_874 = arith.extui %sign3A_873 : i1 to i32
      %sign3A_875 = arith.constant 0 : i32
      %sign3A_876 = arith.cmpi slt, %jit3A_863, %sign3A_875 : i32
      %sign3A_877 = arith.extui %sign3A_876 : i1 to i32
      %sign3A_878 = arith.subi %sign3A_874, %sign3A_877 : i32
      %ne3A_879 = arith.cmpi ne, %sign3A_871, %sign3A_878 : i32
      %rem3A_880 = arith.remsi %add3A_759, %jit3A_863 : i32
      %ne3A_881 = arith.constant 0 : i32
      %ne3A_882 = arith.cmpi ne, %rem3A_880, %ne3A_881 : i32
      %and3A_883 = arith.andi %ne3A_879, %ne3A_882 : i1
      %sub3A_884 = arith.constant 1 : i32
      %sub3A_885 = arith.subi %div3A_864, %sub3A_884 : i32
      %select_n3A_886 = arith.select %and3A_883, %sub3A_885, %div3A_864 : i32
      %mul3A_887 = arith.constant 16 : i32
      %mul3A_888 = arith.muli %select_n3A_886, %mul3A_887 : i32
      %add3A_889 = arith.addi %add3A_862, %mul3A_888 : i32
      %dma_start3A_890 = arith.constant 0 : i32
      %dma_start3A_891 = tpu.memref_slice %arg4[%add3A_889, %dma_start3A_890] : memref<32768x1024xf32, #tpu.memory_space<hbm>> -> memref<16x1024xf32, #tpu.memory_space<hbm>>
      %dma_start3A_892 = arith.constant 0 : i32
      %dma_start3A_893 = tpu.memref_slice %arg4[%add3A_889, %dma_start3A_892] : memref<32768x1024xf32, #tpu.memory_space<hbm>> -> memref<16x1024xf32, #tpu.memory_space<hbm>>
      tpu.enqueue_dma source(%arg6 : memref<16x1024xf32, #tpu.memory_space<vmem>>) target(%dma_start3A_893 : memref<16x1024xf32, #tpu.memory_space<hbm>>) target_semaphore(%arg16 : memref<!tpu.dma_semaphore, #tpu.memory_space<semaphore_mem>>)
      %add3A_894 = arith.constant 6 : i32
      %add3A_895 = arith.addi %add3A_69, %add3A_894 : i32
      %jit3A_896 = arith.constant 4 : i32
      %div3A_897 = arith.divsi %add3A_895, %jit3A_896 : i32
      %sign3A_898 = arith.constant 0 : i32
      %sign3A_899 = arith.cmpi sgt, %add3A_895, %sign3A_898 : i32
      %sign3A_900 = arith.extui %sign3A_899 : i1 to i32
      %sign3A_901 = arith.constant 0 : i32
      %sign3A_902 = arith.cmpi slt, %add3A_895, %sign3A_901 : i32
      %sign3A_903 = arith.extui %sign3A_902 : i1 to i32
      %sign3A_904 = arith.subi %sign3A_900, %sign3A_903 : i32
      %sign3A_905 = arith.constant 0 : i32
      %sign3A_906 = arith.cmpi sgt, %jit3A_896, %sign3A_905 : i32
      %sign3A_907 = arith.extui %sign3A_906 : i1 to i32
      %sign3A_908 = arith.constant 0 : i32
      %sign3A_909 = arith.cmpi slt, %jit3A_896, %sign3A_908 : i32
      %sign3A_910 = arith.extui %sign3A_909 : i1 to i32
      %sign3A_911 = arith.subi %sign3A_907, %sign3A_910 : i32
      %ne3A_912 = arith.cmpi ne, %sign3A_904, %sign3A_911 : i32
      %rem3A_913 = arith.remsi %add3A_895, %jit3A_896 : i32
      %ne3A_914 = arith.constant 0 : i32
      %ne3A_915 = arith.cmpi ne, %rem3A_913, %ne3A_914 : i32
      %and3A_916 = arith.andi %ne3A_912, %ne3A_915 : i1
      %sub3A_917 = arith.constant 1 : i32
      %sub3A_918 = arith.subi %div3A_897, %sub3A_917 : i32
      %select_n3A_919 = arith.select %and3A_916, %sub3A_918, %div3A_897 : i32
      %jit3A_920 = arith.constant 4 : i32
      %eq3A_921 = arith.constant 0 : i32
      %eq3A_922 = arith.cmpi eq, %jit3A_920, %eq3A_921 : i32
      %jit3A_923 = arith.constant 1 : i32
      %select_n3A_924 = arith.select %eq3A_922, %jit3A_923, %jit3A_920 : i32
      %rem3A_925 = arith.remsi %add3A_895, %select_n3A_924 : i32
      %ne3A_926 = arith.constant 0 : i32
      %ne3A_927 = arith.cmpi ne, %rem3A_925, %ne3A_926 : i32
      %lt3A_928 = arith.constant 0 : i32
      %lt3A_929 = arith.cmpi slt, %rem3A_925, %lt3A_928 : i32
      %lt3A_930 = arith.constant 0 : i32
      %lt3A_931 = arith.cmpi slt, %select_n3A_924, %lt3A_930 : i32
      %ne3A_932 = arith.xori %lt3A_929, %lt3A_931 : i1
      %and3A_933 = arith.andi %ne3A_932, %ne3A_927 : i1
      %add3A_934 = arith.addi %rem3A_925, %select_n3A_924 : i32
      %select_n3A_935 = arith.select %and3A_933, %add3A_934, %rem3A_925 : i32
      %mul3A_936 = arith.constant 8192 : i32
      %mul3A_937 = arith.muli %select_n3A_935, %mul3A_936 : i32
      %add3A_938 = arith.addi %mul3A_937, %mul3A_2 : i32
      %jit3A_939 = arith.constant 4 : i32
      %div3A_940 = arith.divsi %add3A_895, %jit3A_939 : i32
      %sign3A_941 = arith.constant 0 : i32
      %sign3A_942 = arith.cmpi sgt, %add3A_895, %sign3A_941 : i32
      %sign3A_943 = arith.extui %sign3A_942 : i1 to i32
      %sign3A_944 = arith.constant 0 : i32
      %sign3A_945 = arith.cmpi slt, %add3A_895, %sign3A_944 : i32
      %sign3A_946 = arith.extui %sign3A_945 : i1 to i32
      %sign3A_947 = arith.subi %sign3A_943, %sign3A_946 : i32
      %sign3A_948 = arith.constant 0 : i32
      %sign3A_949 = arith.cmpi sgt, %jit3A_939, %sign3A_948 : i32
      %sign3A_950 = arith.extui %sign3A_949 : i1 to i32
      %sign3A_951 = arith.constant 0 : i32
      %sign3A_952 = arith.cmpi slt, %jit3A_939, %sign3A_951 : i32
      %sign3A_953 = arith.extui %sign3A_952 : i1 to i32
      %sign3A_954 = arith.subi %sign3A_950, %sign3A_953 : i32
      %ne3A_955 = arith.cmpi ne, %sign3A_947, %sign3A_954 : i32
      %rem3A_956 = arith.remsi %add3A_895, %jit3A_939 : i32
      %ne3A_957 = arith.constant 0 : i32
      %ne3A_958 = arith.cmpi ne, %rem3A_956, %ne3A_957 : i32
      %and3A_959 = arith.andi %ne3A_955, %ne3A_958 : i1
      %sub3A_960 = arith.constant 1 : i32
      %sub3A_961 = arith.subi %div3A_940, %sub3A_960 : i32
      %select_n3A_962 = arith.select %and3A_959, %sub3A_961, %div3A_940 : i32
      %mul3A_963 = arith.constant 16 : i32
      %mul3A_964 = arith.muli %select_n3A_962, %mul3A_963 : i32
      %add3A_965 = arith.addi %add3A_938, %mul3A_964 : i32
      %dma_wait3A_966 = arith.constant 0 : i32
      %dma_wait3A_967 = tpu.memref_slice %arg2[%add3A_965, %dma_wait3A_966] : memref<32768x1024xf32, #tpu.memory_space<hbm>> -> memref<16x1024xf32, #tpu.memory_space<hbm>>
      %dma_wait3A_968 = arith.constant 0 : i32
      %dma_wait3A_969 = tpu.memref_slice %arg2[%add3A_965, %dma_wait3A_968] : memref<32768x1024xf32, #tpu.memory_space<hbm>> -> memref<16x1024xf32, #tpu.memory_space<hbm>>
      tpu.wait_dma2 semaphore(%arg13 : memref<!tpu.dma_semaphore, #tpu.memory_space<semaphore_mem>>) src(%dma_wait3A_969 : memref<16x1024xf32, #tpu.memory_space<hbm>>) dst(%arg7 : memref<16x1024xf32, #tpu.memory_space<vmem>>)
      %add3A_970 = arith.constant 2 : i32
      %add3A_971 = arith.addi %add3A_895, %add3A_970 : i32
      %lt3A_972 = arith.constant 64 : i32
      %lt3A_973 = arith.cmpi slt, %add3A_971, %lt3A_972 : i32
      %convert_element_type3A_974 = arith.extui %lt3A_973 : i1 to i32
      %cond3A_975 = arith.constant 0 : i32
      %cond3A_976 = arith.cmpi ne, %convert_element_type3A_974, %cond3A_975 : i32
      scf.if %cond3A_976 {
        %ge3A = arith.constant 2 : i32
        %ge3A_1173 = arith.cmpi sge, %add3A_895, %ge3A : i32
        %convert_element_type3A_1174 = arith.extui %ge3A_1173 : i1 to i32
        %cond3A_1175 = arith.constant 0 : i32
        %cond3A_1176 = arith.cmpi ne, %convert_element_type3A_1174, %cond3A_1175 : i32
        scf.if %cond3A_1176 {
          %sub3A_1229 = arith.constant 2 : i32
          %sub3A_1230 = arith.subi %add3A_895, %sub3A_1229 : i32
          %jit3A_1231 = arith.constant 4 : i32
          %eq3A_1232 = arith.constant 0 : i32
          %eq3A_1233 = arith.cmpi eq, %jit3A_1231, %eq3A_1232 : i32
          %jit3A_1234 = arith.constant 1 : i32
          %select_n3A_1235 = arith.select %eq3A_1233, %jit3A_1234, %jit3A_1231 : i32
          %rem3A_1236 = arith.remsi %sub3A_1230, %select_n3A_1235 : i32
          %ne3A_1237 = arith.constant 0 : i32
          %ne3A_1238 = arith.cmpi ne, %rem3A_1236, %ne3A_1237 : i32
          %lt3A_1239 = arith.constant 0 : i32
          %lt3A_1240 = arith.cmpi slt, %rem3A_1236, %lt3A_1239 : i32
          %lt3A_1241 = arith.constant 0 : i32
          %lt3A_1242 = arith.cmpi slt, %select_n3A_1235, %lt3A_1241 : i32
          %ne3A_1243 = arith.xori %lt3A_1240, %lt3A_1242 : i1
          %and3A_1244 = arith.andi %ne3A_1243, %ne3A_1238 : i1
          %add3A_1245 = arith.addi %rem3A_1236, %select_n3A_1235 : i32
          %select_n3A_1246 = arith.select %and3A_1244, %add3A_1245, %rem3A_1236 : i32
          %mul3A_1247 = arith.constant 8192 : i32
          %mul3A_1248 = arith.muli %select_n3A_1246, %mul3A_1247 : i32
          %add3A_1249 = arith.addi %mul3A_1248, %mul3A_2 : i32
          %jit3A_1250 = arith.constant 4 : i32
          %div3A_1251 = arith.divsi %sub3A_1230, %jit3A_1250 : i32
          %sign3A_1252 = arith.constant 0 : i32
          %sign3A_1253 = arith.cmpi sgt, %sub3A_1230, %sign3A_1252 : i32
          %sign3A_1254 = arith.extui %sign3A_1253 : i1 to i32
          %sign3A_1255 = arith.constant 0 : i32
          %sign3A_1256 = arith.cmpi slt, %sub3A_1230, %sign3A_1255 : i32
          %sign3A_1257 = arith.extui %sign3A_1256 : i1 to i32
          %sign3A_1258 = arith.subi %sign3A_1254, %sign3A_1257 : i32
          %sign3A_1259 = arith.constant 0 : i32
          %sign3A_1260 = arith.cmpi sgt, %jit3A_1250, %sign3A_1259 : i32
          %sign3A_1261 = arith.extui %sign3A_1260 : i1 to i32
          %sign3A_1262 = arith.constant 0 : i32
          %sign3A_1263 = arith.cmpi slt, %jit3A_1250, %sign3A_1262 : i32
          %sign3A_1264 = arith.extui %sign3A_1263 : i1 to i32
          %sign3A_1265 = arith.subi %sign3A_1261, %sign3A_1264 : i32
          %ne3A_1266 = arith.cmpi ne, %sign3A_1258, %sign3A_1265 : i32
          %rem3A_1267 = arith.remsi %sub3A_1230, %jit3A_1250 : i32
          %ne3A_1268 = arith.constant 0 : i32
          %ne3A_1269 = arith.cmpi ne, %rem3A_1267, %ne3A_1268 : i32
          %and3A_1270 = arith.andi %ne3A_1266, %ne3A_1269 : i1
          %sub3A_1271 = arith.constant 1 : i32
          %sub3A_1272 = arith.subi %div3A_1251, %sub3A_1271 : i32
          %select_n3A_1273 = arith.select %and3A_1270, %sub3A_1272, %div3A_1251 : i32
          %mul3A_1274 = arith.constant 16 : i32
          %mul3A_1275 = arith.muli %select_n3A_1273, %mul3A_1274 : i32
          %add3A_1276 = arith.addi %add3A_1249, %mul3A_1275 : i32
          %dma_wait3A_1277 = arith.constant 0 : i32
          %dma_wait3A_1278 = tpu.memref_slice %arg4[%add3A_1276, %dma_wait3A_1277] : memref<32768x1024xf32, #tpu.memory_space<hbm>> -> memref<16x1024xf32, #tpu.memory_space<hbm>>
          %dma_wait3A_1279 = arith.constant 0 : i32
          %dma_wait3A_1280 = tpu.memref_slice %arg4[%add3A_1276, %dma_wait3A_1279] : memref<32768x1024xf32, #tpu.memory_space<hbm>> -> memref<16x1024xf32, #tpu.memory_space<hbm>>
          tpu.wait_dma2 semaphore(%arg15 : memref<!tpu.dma_semaphore, #tpu.memory_space<semaphore_mem>>) src(%arg5 : memref<16x1024xf32, #tpu.memory_space<vmem>>) dst(%dma_wait3A_1280 : memref<16x1024xf32, #tpu.memory_space<hbm>>)
        } else {
        }
        %add3A_1177 = arith.constant 2 : i32
        %add3A_1178 = arith.addi %add3A_895, %add3A_1177 : i32
        %jit3A_1179 = arith.constant 4 : i32
        %eq3A_1180 = arith.constant 0 : i32
        %eq3A_1181 = arith.cmpi eq, %jit3A_1179, %eq3A_1180 : i32
        %jit3A_1182 = arith.constant 1 : i32
        %select_n3A_1183 = arith.select %eq3A_1181, %jit3A_1182, %jit3A_1179 : i32
        %rem3A_1184 = arith.remsi %add3A_1178, %select_n3A_1183 : i32
        %ne3A_1185 = arith.constant 0 : i32
        %ne3A_1186 = arith.cmpi ne, %rem3A_1184, %ne3A_1185 : i32
        %lt3A_1187 = arith.constant 0 : i32
        %lt3A_1188 = arith.cmpi slt, %rem3A_1184, %lt3A_1187 : i32
        %lt3A_1189 = arith.constant 0 : i32
        %lt3A_1190 = arith.cmpi slt, %select_n3A_1183, %lt3A_1189 : i32
        %ne3A_1191 = arith.xori %lt3A_1188, %lt3A_1190 : i1
        %and3A_1192 = arith.andi %ne3A_1191, %ne3A_1186 : i1
        %add3A_1193 = arith.addi %rem3A_1184, %select_n3A_1183 : i32
        %select_n3A_1194 = arith.select %and3A_1192, %add3A_1193, %rem3A_1184 : i32
        %mul3A_1195 = arith.constant 8192 : i32
        %mul3A_1196 = arith.muli %select_n3A_1194, %mul3A_1195 : i32
        %add3A_1197 = arith.addi %mul3A_1196, %mul3A_2 : i32
        %jit3A_1198 = arith.constant 4 : i32
        %div3A_1199 = arith.divsi %add3A_1178, %jit3A_1198 : i32
        %sign3A_1200 = arith.constant 0 : i32
        %sign3A_1201 = arith.cmpi sgt, %add3A_1178, %sign3A_1200 : i32
        %sign3A_1202 = arith.extui %sign3A_1201 : i1 to i32
        %sign3A_1203 = arith.constant 0 : i32
        %sign3A_1204 = arith.cmpi slt, %add3A_1178, %sign3A_1203 : i32
        %sign3A_1205 = arith.extui %sign3A_1204 : i1 to i32
        %sign3A_1206 = arith.subi %sign3A_1202, %sign3A_1205 : i32
        %sign3A_1207 = arith.constant 0 : i32
        %sign3A_1208 = arith.cmpi sgt, %jit3A_1198, %sign3A_1207 : i32
        %sign3A_1209 = arith.extui %sign3A_1208 : i1 to i32
        %sign3A_1210 = arith.constant 0 : i32
        %sign3A_1211 = arith.cmpi slt, %jit3A_1198, %sign3A_1210 : i32
        %sign3A_1212 = arith.extui %sign3A_1211 : i1 to i32
        %sign3A_1213 = arith.subi %sign3A_1209, %sign3A_1212 : i32
        %ne3A_1214 = arith.cmpi ne, %sign3A_1206, %sign3A_1213 : i32
        %rem3A_1215 = arith.remsi %add3A_1178, %jit3A_1198 : i32
        %ne3A_1216 = arith.constant 0 : i32
        %ne3A_1217 = arith.cmpi ne, %rem3A_1215, %ne3A_1216 : i32
        %and3A_1218 = arith.andi %ne3A_1214, %ne3A_1217 : i1
        %sub3A_1219 = arith.constant 1 : i32
        %sub3A_1220 = arith.subi %div3A_1199, %sub3A_1219 : i32
        %select_n3A_1221 = arith.select %and3A_1218, %sub3A_1220, %div3A_1199 : i32
        %mul3A_1222 = arith.constant 16 : i32
        %mul3A_1223 = arith.muli %select_n3A_1221, %mul3A_1222 : i32
        %add3A_1224 = arith.addi %add3A_1197, %mul3A_1223 : i32
        %dma_start3A_1225 = arith.constant 0 : i32
        %dma_start3A_1226 = tpu.memref_slice %arg2[%add3A_1224, %dma_start3A_1225] : memref<32768x1024xf32, #tpu.memory_space<hbm>> -> memref<16x1024xf32, #tpu.memory_space<hbm>>
        %dma_start3A_1227 = arith.constant 0 : i32
        %dma_start3A_1228 = tpu.memref_slice %arg2[%add3A_1224, %dma_start3A_1227] : memref<32768x1024xf32, #tpu.memory_space<hbm>> -> memref<16x1024xf32, #tpu.memory_space<hbm>>
        tpu.enqueue_dma source(%dma_start3A_1228 : memref<16x1024xf32, #tpu.memory_space<hbm>>) target(%arg5 : memref<16x1024xf32, #tpu.memory_space<vmem>>) target_semaphore(%arg11 : memref<!tpu.dma_semaphore, #tpu.memory_space<semaphore_mem>>)
      } else {
      }
      %parallel_loop3A_977 = arith.constant 0 : i32
      %parallel_loop3A_978 = arith.constant 1024 : i32
      %parallel_loop3A_979 = arith.constant 1 : i32
      scf.for %parallel_loop3A_1173 = %parallel_loop3A_977 to %parallel_loop3A_978 step %parallel_loop3A_979  : i32 {
        %parallel_loop3A_1174 = arith.constant 64 : i32
        %parallel_loop3A_1175 = arith.divsi %parallel_loop3A_1173, %parallel_loop3A_1174 : i32
        %parallel_loop3A_1176 = arith.constant 0 : i32
        %parallel_loop3A_1177 = arith.cmpi sgt, %parallel_loop3A_1173, %parallel_loop3A_1176 : i32
        %parallel_loop3A_1178 = arith.extui %parallel_loop3A_1177 : i1 to i32
        %parallel_loop3A_1179 = arith.constant 0 : i32
        %parallel_loop3A_1180 = arith.cmpi slt, %parallel_loop3A_1173, %parallel_loop3A_1179 : i32
        %parallel_loop3A_1181 = arith.extui %parallel_loop3A_1180 : i1 to i32
        %parallel_loop3A_1182 = arith.subi %parallel_loop3A_1178, %parallel_loop3A_1181 : i32
        %parallel_loop3A_1183 = arith.constant 0 : i32
        %parallel_loop3A_1184 = arith.cmpi sgt, %parallel_loop3A_1174, %parallel_loop3A_1183 : i32
        %parallel_loop3A_1185 = arith.extui %parallel_loop3A_1184 : i1 to i32
        %parallel_loop3A_1186 = arith.constant 0 : i32
        %parallel_loop3A_1187 = arith.cmpi slt, %parallel_loop3A_1174, %parallel_loop3A_1186 : i32
        %parallel_loop3A_1188 = arith.extui %parallel_loop3A_1187 : i1 to i32
        %parallel_loop3A_1189 = arith.subi %parallel_loop3A_1185, %parallel_loop3A_1188 : i32
        %parallel_loop3A_1190 = arith.cmpi ne, %parallel_loop3A_1182, %parallel_loop3A_1189 : i32
        %parallel_loop3A_1191 = arith.remsi %parallel_loop3A_1173, %parallel_loop3A_1174 : i32
        %parallel_loop3A_1192 = arith.constant 0 : i32
        %parallel_loop3A_1193 = arith.cmpi ne, %parallel_loop3A_1191, %parallel_loop3A_1192 : i32
        %parallel_loop3A_1194 = arith.andi %parallel_loop3A_1190, %parallel_loop3A_1193 : i1
        %parallel_loop3A_1195 = arith.constant 1 : i32
        %parallel_loop3A_1196 = arith.subi %parallel_loop3A_1175, %parallel_loop3A_1195 : i32
        %parallel_loop3A_1197 = arith.select %parallel_loop3A_1194, %parallel_loop3A_1196, %parallel_loop3A_1175 : i32
        %parallel_loop3A_1198 = arith.constant 64 : i32
        %parallel_loop3A_1199 = arith.constant 0 : i32
        %parallel_loop3A_1200 = arith.cmpi eq, %parallel_loop3A_1198, %parallel_loop3A_1199 : i32
        %parallel_loop3A_1201 = arith.constant 1 : i32
        %parallel_loop3A_1202 = arith.select %parallel_loop3A_1200, %parallel_loop3A_1201, %parallel_loop3A_1198 : i32
        %parallel_loop3A_1203 = arith.remsi %parallel_loop3A_1173, %parallel_loop3A_1202 : i32
        %parallel_loop3A_1204 = arith.constant 0 : i32
        %parallel_loop3A_1205 = arith.cmpi ne, %parallel_loop3A_1203, %parallel_loop3A_1204 : i32
        %parallel_loop3A_1206 = arith.constant 0 : i32
        %parallel_loop3A_1207 = arith.cmpi slt, %parallel_loop3A_1203, %parallel_loop3A_1206 : i32
        %parallel_loop3A_1208 = arith.constant 0 : i32
        %parallel_loop3A_1209 = arith.cmpi slt, %parallel_loop3A_1202, %parallel_loop3A_1208 : i32
        %parallel_loop3A_1210 = arith.xori %parallel_loop3A_1207, %parallel_loop3A_1209 : i1
        %parallel_loop3A_1211 = arith.andi %parallel_loop3A_1210, %parallel_loop3A_1205 : i1
        %parallel_loop3A_1212 = arith.addi %parallel_loop3A_1203, %parallel_loop3A_1202 : i32
        %parallel_loop3A_1213 = arith.select %parallel_loop3A_1211, %parallel_loop3A_1212, %parallel_loop3A_1203 : i32
        %parallel_loop3A_1214 = arith.constant 16 : i32
        %parallel_loop3A_1215 = arith.muli %parallel_loop3A_1213, %parallel_loop3A_1214 : i32
        %parallel_loop3A_1216 = arith.index_cast %parallel_loop3A_1197 : i32 to index
        %parallel_loop3A_1217 = arith.index_cast %parallel_loop3A_1215 : i32 to index
        %parallel_loop3A_1218 = tpu.vector_load %arg10[%parallel_loop3A_1216, %parallel_loop3A_1217] {strides = array<i32>} : memref<16x1024xf32, #tpu.memory_space<vmem>>, vector<1x16xf32>,
        %parallel_loop3A_1219 = vector.shape_cast %parallel_loop3A_1218 : vector<1x16xf32> to vector<16xf32>
        %parallel_loop3A_1220 = arith.index_cast %parallel_loop3A_1197 : i32 to index
        %parallel_loop3A_1221 = arith.index_cast %parallel_loop3A_1215 : i32 to index
        %parallel_loop3A_1222 = tpu.vector_load %arg7[%parallel_loop3A_1220, %parallel_loop3A_1221] {strides = array<i32>} : memref<16x1024xf32, #tpu.memory_space<vmem>>, vector<1x16xf32>,
        %parallel_loop3A_1223 = vector.shape_cast %parallel_loop3A_1222 : vector<1x16xf32> to vector<16xf32>
        %parallel_loop3A_1224 = vector.shape_cast %parallel_loop3A_1219 : vector<16xf32> to vector<1x16xf32>
        tpu.vector_store %arg7[%parallel_loop3A_1220, %parallel_loop3A_1221], %parallel_loop3A_1224 {add = true, strides = array<i32>} : memref<16x1024xf32, #tpu.memory_space<vmem>>, vector<1x16xf32>,
      } {sc.loop_unroll_factor = 8 : i64, sc.parallel_access}
      %jit3A_980 = arith.constant 4 : i32
      %eq3A_981 = arith.constant 0 : i32
      %eq3A_982 = arith.cmpi eq, %jit3A_980, %eq3A_981 : i32
      %jit3A_983 = arith.constant 1 : i32
      %select_n3A_984 = arith.select %eq3A_982, %jit3A_983, %jit3A_980 : i32
      %rem3A_985 = arith.remsi %add3A_895, %select_n3A_984 : i32
      %ne3A_986 = arith.constant 0 : i32
      %ne3A_987 = arith.cmpi ne, %rem3A_985, %ne3A_986 : i32
      %lt3A_988 = arith.constant 0 : i32
      %lt3A_989 = arith.cmpi slt, %rem3A_985, %lt3A_988 : i32
      %lt3A_990 = arith.constant 0 : i32
      %lt3A_991 = arith.cmpi slt, %select_n3A_984, %lt3A_990 : i32
      %ne3A_992 = arith.xori %lt3A_989, %lt3A_991 : i1
      %and3A_993 = arith.andi %ne3A_992, %ne3A_987 : i1
      %add3A_994 = arith.addi %rem3A_985, %select_n3A_984 : i32
      %select_n3A_995 = arith.select %and3A_993, %add3A_994, %rem3A_985 : i32
      %mul3A_996 = arith.constant 8192 : i32
      %mul3A_997 = arith.muli %select_n3A_995, %mul3A_996 : i32
      %add3A_998 = arith.addi %mul3A_997, %mul3A_2 : i32
      %jit3A_999 = arith.constant 4 : i32
      %div3A_1000 = arith.divsi %add3A_895, %jit3A_999 : i32
      %sign3A_1001 = arith.constant 0 : i32
      %sign3A_1002 = arith.cmpi sgt, %add3A_895, %sign3A_1001 : i32
      %sign3A_1003 = arith.extui %sign3A_1002 : i1 to i32
      %sign3A_1004 = arith.constant 0 : i32
      %sign3A_1005 = arith.cmpi slt, %add3A_895, %sign3A_1004 : i32
      %sign3A_1006 = arith.extui %sign3A_1005 : i1 to i32
      %sign3A_1007 = arith.subi %sign3A_1003, %sign3A_1006 : i32
      %sign3A_1008 = arith.constant 0 : i32
      %sign3A_1009 = arith.cmpi sgt, %jit3A_999, %sign3A_1008 : i32
      %sign3A_1010 = arith.extui %sign3A_1009 : i1 to i32
      %sign3A_1011 = arith.constant 0 : i32
      %sign3A_1012 = arith.cmpi slt, %jit3A_999, %sign3A_1011 : i32
      %sign3A_1013 = arith.extui %sign3A_1012 : i1 to i32
      %sign3A_1014 = arith.subi %sign3A_1010, %sign3A_1013 : i32
      %ne3A_1015 = arith.cmpi ne, %sign3A_1007, %sign3A_1014 : i32
      %rem3A_1016 = arith.remsi %add3A_895, %jit3A_999 : i32
      %ne3A_1017 = arith.constant 0 : i32
      %ne3A_1018 = arith.cmpi ne, %rem3A_1016, %ne3A_1017 : i32
      %and3A_1019 = arith.andi %ne3A_1015, %ne3A_1018 : i1
      %sub3A_1020 = arith.constant 1 : i32
      %sub3A_1021 = arith.subi %div3A_1000, %sub3A_1020 : i32
      %select_n3A_1022 = arith.select %and3A_1019, %sub3A_1021, %div3A_1000 : i32
      %mul3A_1023 = arith.constant 16 : i32
      %mul3A_1024 = arith.muli %select_n3A_1022, %mul3A_1023 : i32
      %add3A_1025 = arith.addi %add3A_998, %mul3A_1024 : i32
      %dma_start3A_1026 = arith.constant 0 : i32
      %dma_start3A_1027 = tpu.memref_slice %arg4[%add3A_1025, %dma_start3A_1026] : memref<32768x1024xf32, #tpu.memory_space<hbm>> -> memref<16x1024xf32, #tpu.memory_space<hbm>>
      %dma_start3A_1028 = arith.constant 0 : i32
      %dma_start3A_1029 = tpu.memref_slice %arg4[%add3A_1025, %dma_start3A_1028] : memref<32768x1024xf32, #tpu.memory_space<hbm>> -> memref<16x1024xf32, #tpu.memory_space<hbm>>
      tpu.enqueue_dma source(%arg7 : memref<16x1024xf32, #tpu.memory_space<vmem>>) target(%dma_start3A_1029 : memref<16x1024xf32, #tpu.memory_space<hbm>>) target_semaphore(%arg17 : memref<!tpu.dma_semaphore, #tpu.memory_space<semaphore_mem>>)
      %add3A_1030 = arith.constant 7 : i32
      %add3A_1031 = arith.addi %add3A_69, %add3A_1030 : i32
      %jit3A_1032 = arith.constant 4 : i32
      %div3A_1033 = arith.divsi %add3A_1031, %jit3A_1032 : i32
      %sign3A_1034 = arith.constant 0 : i32
      %sign3A_1035 = arith.cmpi sgt, %add3A_1031, %sign3A_1034 : i32
      %sign3A_1036 = arith.extui %sign3A_1035 : i1 to i32
      %sign3A_1037 = arith.constant 0 : i32
      %sign3A_1038 = arith.cmpi slt, %add3A_1031, %sign3A_1037 : i32
      %sign3A_1039 = arith.extui %sign3A_1038 : i1 to i32
      %sign3A_1040 = arith.subi %sign3A_1036, %sign3A_1039 : i32
      %sign3A_1041 = arith.constant 0 : i32
      %sign3A_1042 = arith.cmpi sgt, %jit3A_1032, %sign3A_1041 : i32
      %sign3A_1043 = arith.extui %sign3A_1042 : i1 to i32
      %sign3A_1044 = arith.constant 0 : i32
      %sign3A_1045 = arith.cmpi slt, %jit3A_1032, %sign3A_1044 : i32
      %sign3A_1046 = arith.extui %sign3A_1045 : i1 to i32
      %sign3A_1047 = arith.subi %sign3A_1043, %sign3A_1046 : i32
      %ne3A_1048 = arith.cmpi ne, %sign3A_1040, %sign3A_1047 : i32
      %rem3A_1049 = arith.remsi %add3A_1031, %jit3A_1032 : i32
      %ne3A_1050 = arith.constant 0 : i32
      %ne3A_1051 = arith.cmpi ne, %rem3A_1049, %ne3A_1050 : i32
      %and3A_1052 = arith.andi %ne3A_1048, %ne3A_1051 : i1
      %sub3A_1053 = arith.constant 1 : i32
      %sub3A_1054 = arith.subi %div3A_1033, %sub3A_1053 : i32
      %select_n3A_1055 = arith.select %and3A_1052, %sub3A_1054, %div3A_1033 : i32
      %jit3A_1056 = arith.constant 4 : i32
      %eq3A_1057 = arith.constant 0 : i32
      %eq3A_1058 = arith.cmpi eq, %jit3A_1056, %eq3A_1057 : i32
      %jit3A_1059 = arith.constant 1 : i32
      %select_n3A_1060 = arith.select %eq3A_1058, %jit3A_1059, %jit3A_1056 : i32
      %rem3A_1061 = arith.remsi %add3A_1031, %select_n3A_1060 : i32
      %ne3A_1062 = arith.constant 0 : i32
      %ne3A_1063 = arith.cmpi ne, %rem3A_1061, %ne3A_1062 : i32
      %lt3A_1064 = arith.constant 0 : i32
      %lt3A_1065 = arith.cmpi slt, %rem3A_1061, %lt3A_1064 : i32
      %lt3A_1066 = arith.constant 0 : i32
      %lt3A_1067 = arith.cmpi slt, %select_n3A_1060, %lt3A_1066 : i32
      %ne3A_1068 = arith.xori %lt3A_1065, %lt3A_1067 : i1
      %and3A_1069 = arith.andi %ne3A_1068, %ne3A_1063 : i1
      %add3A_1070 = arith.addi %rem3A_1061, %select_n3A_1060 : i32
      %select_n3A_1071 = arith.select %and3A_1069, %add3A_1070, %rem3A_1061 : i32
      %mul3A_1072 = arith.constant 8192 : i32
      %mul3A_1073 = arith.muli %select_n3A_1071, %mul3A_1072 : i32
      %add3A_1074 = arith.addi %mul3A_1073, %mul3A_2 : i32
      %jit3A_1075 = arith.constant 4 : i32
      %div3A_1076 = arith.divsi %add3A_1031, %jit3A_1075 : i32
      %sign3A_1077 = arith.constant 0 : i32
      %sign3A_1078 = arith.cmpi sgt, %add3A_1031, %sign3A_1077 : i32
      %sign3A_1079 = arith.extui %sign3A_1078 : i1 to i32
      %sign3A_1080 = arith.constant 0 : i32
      %sign3A_1081 = arith.cmpi slt, %add3A_1031, %sign3A_1080 : i32
      %sign3A_1082 = arith.extui %sign3A_1081 : i1 to i32
      %sign3A_1083 = arith.subi %sign3A_1079, %sign3A_1082 : i32
      %sign3A_1084 = arith.constant 0 : i32
      %sign3A_1085 = arith.cmpi sgt, %jit3A_1075, %sign3A_1084 : i32
      %sign3A_1086 = arith.extui %sign3A_1085 : i1 to i32
      %sign3A_1087 = arith.constant 0 : i32
      %sign3A_1088 = arith.cmpi slt, %jit3A_1075, %sign3A_1087 : i32
      %sign3A_1089 = arith.extui %sign3A_1088 : i1 to i32
      %sign3A_1090 = arith.subi %sign3A_1086, %sign3A_1089 : i32
      %ne3A_1091 = arith.cmpi ne, %sign3A_1083, %sign3A_1090 : i32
      %rem3A_1092 = arith.remsi %add3A_1031, %jit3A_1075 : i32
      %ne3A_1093 = arith.constant 0 : i32
      %ne3A_1094 = arith.cmpi ne, %rem3A_1092, %ne3A_1093 : i32
      %and3A_1095 = arith.andi %ne3A_1091, %ne3A_1094 : i1
      %sub3A_1096 = arith.constant 1 : i32
      %sub3A_1097 = arith.subi %div3A_1076, %sub3A_1096 : i32
      %select_n3A_1098 = arith.select %and3A_1095, %sub3A_1097, %div3A_1076 : i32
      %mul3A_1099 = arith.constant 16 : i32
      %mul3A_1100 = arith.muli %select_n3A_1098, %mul3A_1099 : i32
      %add3A_1101 = arith.addi %add3A_1074, %mul3A_1100 : i32
      %dma_wait3A_1102 = arith.constant 0 : i32
      %dma_wait3A_1103 = tpu.memref_slice %arg2[%add3A_1101, %dma_wait3A_1102] : memref<32768x1024xf32, #tpu.memory_space<hbm>> -> memref<16x1024xf32, #tpu.memory_space<hbm>>
      %dma_wait3A_1104 = arith.constant 0 : i32
      %dma_wait3A_1105 = tpu.memref_slice %arg2[%add3A_1101, %dma_wait3A_1104] : memref<32768x1024xf32, #tpu.memory_space<hbm>> -> memref<16x1024xf32, #tpu.memory_space<hbm>>
      tpu.wait_dma2 semaphore(%arg14 : memref<!tpu.dma_semaphore, #tpu.memory_space<semaphore_mem>>) src(%dma_wait3A_1105 : memref<16x1024xf32, #tpu.memory_space<hbm>>) dst(%arg8 : memref<16x1024xf32, #tpu.memory_space<vmem>>)
      %add3A_1106 = arith.constant 2 : i32
      %add3A_1107 = arith.addi %add3A_1031, %add3A_1106 : i32
      %lt3A_1108 = arith.constant 64 : i32
      %lt3A_1109 = arith.cmpi slt, %add3A_1107, %lt3A_1108 : i32
      %convert_element_type3A_1110 = arith.extui %lt3A_1109 : i1 to i32
      %cond3A_1111 = arith.constant 0 : i32
      %cond3A_1112 = arith.cmpi ne, %convert_element_type3A_1110, %cond3A_1111 : i32
      scf.if %cond3A_1112 {
        %ge3A = arith.constant 2 : i32
        %ge3A_1173 = arith.cmpi sge, %add3A_1031, %ge3A : i32
        %convert_element_type3A_1174 = arith.extui %ge3A_1173 : i1 to i32
        %cond3A_1175 = arith.constant 0 : i32
        %cond3A_1176 = arith.cmpi ne, %convert_element_type3A_1174, %cond3A_1175 : i32
        scf.if %cond3A_1176 {
          %sub3A_1229 = arith.constant 2 : i32
          %sub3A_1230 = arith.subi %add3A_1031, %sub3A_1229 : i32
          %jit3A_1231 = arith.constant 4 : i32
          %eq3A_1232 = arith.constant 0 : i32
          %eq3A_1233 = arith.cmpi eq, %jit3A_1231, %eq3A_1232 : i32
          %jit3A_1234 = arith.constant 1 : i32
          %select_n3A_1235 = arith.select %eq3A_1233, %jit3A_1234, %jit3A_1231 : i32
          %rem3A_1236 = arith.remsi %sub3A_1230, %select_n3A_1235 : i32
          %ne3A_1237 = arith.constant 0 : i32
          %ne3A_1238 = arith.cmpi ne, %rem3A_1236, %ne3A_1237 : i32
          %lt3A_1239 = arith.constant 0 : i32
          %lt3A_1240 = arith.cmpi slt, %rem3A_1236, %lt3A_1239 : i32
          %lt3A_1241 = arith.constant 0 : i32
          %lt3A_1242 = arith.cmpi slt, %select_n3A_1235, %lt3A_1241 : i32
          %ne3A_1243 = arith.xori %lt3A_1240, %lt3A_1242 : i1
          %and3A_1244 = arith.andi %ne3A_1243, %ne3A_1238 : i1
          %add3A_1245 = arith.addi %rem3A_1236, %select_n3A_1235 : i32
          %select_n3A_1246 = arith.select %and3A_1244, %add3A_1245, %rem3A_1236 : i32
          %mul3A_1247 = arith.constant 8192 : i32
          %mul3A_1248 = arith.muli %select_n3A_1246, %mul3A_1247 : i32
          %add3A_1249 = arith.addi %mul3A_1248, %mul3A_2 : i32
          %jit3A_1250 = arith.constant 4 : i32
          %div3A_1251 = arith.divsi %sub3A_1230, %jit3A_1250 : i32
          %sign3A_1252 = arith.constant 0 : i32
          %sign3A_1253 = arith.cmpi sgt, %sub3A_1230, %sign3A_1252 : i32
          %sign3A_1254 = arith.extui %sign3A_1253 : i1 to i32
          %sign3A_1255 = arith.constant 0 : i32
          %sign3A_1256 = arith.cmpi slt, %sub3A_1230, %sign3A_1255 : i32
          %sign3A_1257 = arith.extui %sign3A_1256 : i1 to i32
          %sign3A_1258 = arith.subi %sign3A_1254, %sign3A_1257 : i32
          %sign3A_1259 = arith.constant 0 : i32
          %sign3A_1260 = arith.cmpi sgt, %jit3A_1250, %sign3A_1259 : i32
          %sign3A_1261 = arith.extui %sign3A_1260 : i1 to i32
          %sign3A_1262 = arith.constant 0 : i32
          %sign3A_1263 = arith.cmpi slt, %jit3A_1250, %sign3A_1262 : i32
          %sign3A_1264 = arith.extui %sign3A_1263 : i1 to i32
          %sign3A_1265 = arith.subi %sign3A_1261, %sign3A_1264 : i32
          %ne3A_1266 = arith.cmpi ne, %sign3A_1258, %sign3A_1265 : i32
          %rem3A_1267 = arith.remsi %sub3A_1230, %jit3A_1250 : i32
          %ne3A_1268 = arith.constant 0 : i32
          %ne3A_1269 = arith.cmpi ne, %rem3A_1267, %ne3A_1268 : i32
          %and3A_1270 = arith.andi %ne3A_1266, %ne3A_1269 : i1
          %sub3A_1271 = arith.constant 1 : i32
          %sub3A_1272 = arith.subi %div3A_1251, %sub3A_1271 : i32
          %select_n3A_1273 = arith.select %and3A_1270, %sub3A_1272, %div3A_1251 : i32
          %mul3A_1274 = arith.constant 16 : i32
          %mul3A_1275 = arith.muli %select_n3A_1273, %mul3A_1274 : i32
          %add3A_1276 = arith.addi %add3A_1249, %mul3A_1275 : i32
          %dma_wait3A_1277 = arith.constant 0 : i32
          %dma_wait3A_1278 = tpu.memref_slice %arg4[%add3A_1276, %dma_wait3A_1277] : memref<32768x1024xf32, #tpu.memory_space<hbm>> -> memref<16x1024xf32, #tpu.memory_space<hbm>>
          %dma_wait3A_1279 = arith.constant 0 : i32
          %dma_wait3A_1280 = tpu.memref_slice %arg4[%add3A_1276, %dma_wait3A_1279] : memref<32768x1024xf32, #tpu.memory_space<hbm>> -> memref<16x1024xf32, #tpu.memory_space<hbm>>
          tpu.wait_dma2 semaphore(%arg16 : memref<!tpu.dma_semaphore, #tpu.memory_space<semaphore_mem>>) src(%arg6 : memref<16x1024xf32, #tpu.memory_space<vmem>>) dst(%dma_wait3A_1280 : memref<16x1024xf32, #tpu.memory_space<hbm>>)
        } else {
        }
        %add3A_1177 = arith.constant 2 : i32
        %add3A_1178 = arith.addi %add3A_1031, %add3A_1177 : i32
        %jit3A_1179 = arith.constant 4 : i32
        %eq3A_1180 = arith.constant 0 : i32
        %eq3A_1181 = arith.cmpi eq, %jit3A_1179, %eq3A_1180 : i32
        %jit3A_1182 = arith.constant 1 : i32
        %select_n3A_1183 = arith.select %eq3A_1181, %jit3A_1182, %jit3A_1179 : i32
        %rem3A_1184 = arith.remsi %add3A_1178, %select_n3A_1183 : i32
        %ne3A_1185 = arith.constant 0 : i32
        %ne3A_1186 = arith.cmpi ne, %rem3A_1184, %ne3A_1185 : i32
        %lt3A_1187 = arith.constant 0 : i32
        %lt3A_1188 = arith.cmpi slt, %rem3A_1184, %lt3A_1187 : i32
        %lt3A_1189 = arith.constant 0 : i32
        %lt3A_1190 = arith.cmpi slt, %select_n3A_1183, %lt3A_1189 : i32
        %ne3A_1191 = arith.xori %lt3A_1188, %lt3A_1190 : i1
        %and3A_1192 = arith.andi %ne3A_1191, %ne3A_1186 : i1
        %add3A_1193 = arith.addi %rem3A_1184, %select_n3A_1183 : i32
        %select_n3A_1194 = arith.select %and3A_1192, %add3A_1193, %rem3A_1184 : i32
        %mul3A_1195 = arith.constant 8192 : i32
        %mul3A_1196 = arith.muli %select_n3A_1194, %mul3A_1195 : i32
        %add3A_1197 = arith.addi %mul3A_1196, %mul3A_2 : i32
        %jit3A_1198 = arith.constant 4 : i32
        %div3A_1199 = arith.divsi %add3A_1178, %jit3A_1198 : i32
        %sign3A_1200 = arith.constant 0 : i32
        %sign3A_1201 = arith.cmpi sgt, %add3A_1178, %sign3A_1200 : i32
        %sign3A_1202 = arith.extui %sign3A_1201 : i1 to i32
        %sign3A_1203 = arith.constant 0 : i32
        %sign3A_1204 = arith.cmpi slt, %add3A_1178, %sign3A_1203 : i32
        %sign3A_1205 = arith.extui %sign3A_1204 : i1 to i32
        %sign3A_1206 = arith.subi %sign3A_1202, %sign3A_1205 : i32
        %sign3A_1207 = arith.constant 0 : i32
        %sign3A_1208 = arith.cmpi sgt, %jit3A_1198, %sign3A_1207 : i32
        %sign3A_1209 = arith.extui %sign3A_1208 : i1 to i32
        %sign3A_1210 = arith.constant 0 : i32
        %sign3A_1211 = arith.cmpi slt, %jit3A_1198, %sign3A_1210 : i32
        %sign3A_1212 = arith.extui %sign3A_1211 : i1 to i32
        %sign3A_1213 = arith.subi %sign3A_1209, %sign3A_1212 : i32
        %ne3A_1214 = arith.cmpi ne, %sign3A_1206, %sign3A_1213 : i32
        %rem3A_1215 = arith.remsi %add3A_1178, %jit3A_1198 : i32
        %ne3A_1216 = arith.constant 0 : i32
        %ne3A_1217 = arith.cmpi ne, %rem3A_1215, %ne3A_1216 : i32
        %and3A_1218 = arith.andi %ne3A_1214, %ne3A_1217 : i1
        %sub3A_1219 = arith.constant 1 : i32
        %sub3A_1220 = arith.subi %div3A_1199, %sub3A_1219 : i32
        %select_n3A_1221 = arith.select %and3A_1218, %sub3A_1220, %div3A_1199 : i32
        %mul3A_1222 = arith.constant 16 : i32
        %mul3A_1223 = arith.muli %select_n3A_1221, %mul3A_1222 : i32
        %add3A_1224 = arith.addi %add3A_1197, %mul3A_1223 : i32
        %dma_start3A_1225 = arith.constant 0 : i32
        %dma_start3A_1226 = tpu.memref_slice %arg2[%add3A_1224, %dma_start3A_1225] : memref<32768x1024xf32, #tpu.memory_space<hbm>> -> memref<16x1024xf32, #tpu.memory_space<hbm>>
        %dma_start3A_1227 = arith.constant 0 : i32
        %dma_start3A_1228 = tpu.memref_slice %arg2[%add3A_1224, %dma_start3A_1227] : memref<32768x1024xf32, #tpu.memory_space<hbm>> -> memref<16x1024xf32, #tpu.memory_space<hbm>>
        tpu.enqueue_dma source(%dma_start3A_1228 : memref<16x1024xf32, #tpu.memory_space<hbm>>) target(%arg6 : memref<16x1024xf32, #tpu.memory_space<vmem>>) target_semaphore(%arg12 : memref<!tpu.dma_semaphore, #tpu.memory_space<semaphore_mem>>)
      } else {
      }
      %parallel_loop3A_1113 = arith.constant 0 : i32
      %parallel_loop3A_1114 = arith.constant 1024 : i32
      %parallel_loop3A_1115 = arith.constant 1 : i32
      scf.for %parallel_loop3A_1173 = %parallel_loop3A_1113 to %parallel_loop3A_1114 step %parallel_loop3A_1115  : i32 {
        %parallel_loop3A_1174 = arith.constant 64 : i32
        %parallel_loop3A_1175 = arith.divsi %parallel_loop3A_1173, %parallel_loop3A_1174 : i32
        %parallel_loop3A_1176 = arith.constant 0 : i32
        %parallel_loop3A_1177 = arith.cmpi sgt, %parallel_loop3A_1173, %parallel_loop3A_1176 : i32
        %parallel_loop3A_1178 = arith.extui %parallel_loop3A_1177 : i1 to i32
        %parallel_loop3A_1179 = arith.constant 0 : i32
        %parallel_loop3A_1180 = arith.cmpi slt, %parallel_loop3A_1173, %parallel_loop3A_1179 : i32
        %parallel_loop3A_1181 = arith.extui %parallel_loop3A_1180 : i1 to i32
        %parallel_loop3A_1182 = arith.subi %parallel_loop3A_1178, %parallel_loop3A_1181 : i32
        %parallel_loop3A_1183 = arith.constant 0 : i32
        %parallel_loop3A_1184 = arith.cmpi sgt, %parallel_loop3A_1174, %parallel_loop3A_1183 : i32
        %parallel_loop3A_1185 = arith.extui %parallel_loop3A_1184 : i1 to i32
        %parallel_loop3A_1186 = arith.constant 0 : i32
        %parallel_loop3A_1187 = arith.cmpi slt, %parallel_loop3A_1174, %parallel_loop3A_1186 : i32
        %parallel_loop3A_1188 = arith.extui %parallel_loop3A_1187 : i1 to i32
        %parallel_loop3A_1189 = arith.subi %parallel_loop3A_1185, %parallel_loop3A_1188 : i32
        %parallel_loop3A_1190 = arith.cmpi ne, %parallel_loop3A_1182, %parallel_loop3A_1189 : i32
        %parallel_loop3A_1191 = arith.remsi %parallel_loop3A_1173, %parallel_loop3A_1174 : i32
        %parallel_loop3A_1192 = arith.constant 0 : i32
        %parallel_loop3A_1193 = arith.cmpi ne, %parallel_loop3A_1191, %parallel_loop3A_1192 : i32
        %parallel_loop3A_1194 = arith.andi %parallel_loop3A_1190, %parallel_loop3A_1193 : i1
        %parallel_loop3A_1195 = arith.constant 1 : i32
        %parallel_loop3A_1196 = arith.subi %parallel_loop3A_1175, %parallel_loop3A_1195 : i32
        %parallel_loop3A_1197 = arith.select %parallel_loop3A_1194, %parallel_loop3A_1196, %parallel_loop3A_1175 : i32
        %parallel_loop3A_1198 = arith.constant 64 : i32
        %parallel_loop3A_1199 = arith.constant 0 : i32
        %parallel_loop3A_1200 = arith.cmpi eq, %parallel_loop3A_1198, %parallel_loop3A_1199 : i32
        %parallel_loop3A_1201 = arith.constant 1 : i32
        %parallel_loop3A_1202 = arith.select %parallel_loop3A_1200, %parallel_loop3A_1201, %parallel_loop3A_1198 : i32
        %parallel_loop3A_1203 = arith.remsi %parallel_loop3A_1173, %parallel_loop3A_1202 : i32
        %parallel_loop3A_1204 = arith.constant 0 : i32
        %parallel_loop3A_1205 = arith.cmpi ne, %parallel_loop3A_1203, %parallel_loop3A_1204 : i32
        %parallel_loop3A_1206 = arith.constant 0 : i32
        %parallel_loop3A_1207 = arith.cmpi slt, %parallel_loop3A_1203, %parallel_loop3A_1206 : i32
        %parallel_loop3A_1208 = arith.constant 0 : i32
        %parallel_loop3A_1209 = arith.cmpi slt, %parallel_loop3A_1202, %parallel_loop3A_1208 : i32
        %parallel_loop3A_1210 = arith.xori %parallel_loop3A_1207, %parallel_loop3A_1209 : i1
        %parallel_loop3A_1211 = arith.andi %parallel_loop3A_1210, %parallel_loop3A_1205 : i1
        %parallel_loop3A_1212 = arith.addi %parallel_loop3A_1203, %parallel_loop3A_1202 : i32
        %parallel_loop3A_1213 = arith.select %parallel_loop3A_1211, %parallel_loop3A_1212, %parallel_loop3A_1203 : i32
        %parallel_loop3A_1214 = arith.constant 16 : i32
        %parallel_loop3A_1215 = arith.muli %parallel_loop3A_1213, %parallel_loop3A_1214 : i32
        %parallel_loop3A_1216 = arith.index_cast %parallel_loop3A_1197 : i32 to index
        %parallel_loop3A_1217 = arith.index_cast %parallel_loop3A_1215 : i32 to index
        %parallel_loop3A_1218 = tpu.vector_load %arg10[%parallel_loop3A_1216, %parallel_loop3A_1217] {strides = array<i32>} : memref<16x1024xf32, #tpu.memory_space<vmem>>, vector<1x16xf32>,
        %parallel_loop3A_1219 = vector.shape_cast %parallel_loop3A_1218 : vector<1x16xf32> to vector<16xf32>
        %parallel_loop3A_1220 = arith.index_cast %parallel_loop3A_1197 : i32 to index
        %parallel_loop3A_1221 = arith.index_cast %parallel_loop3A_1215 : i32 to index
        %parallel_loop3A_1222 = tpu.vector_load %arg8[%parallel_loop3A_1220, %parallel_loop3A_1221] {strides = array<i32>} : memref<16x1024xf32, #tpu.memory_space<vmem>>, vector<1x16xf32>,
        %parallel_loop3A_1223 = vector.shape_cast %parallel_loop3A_1222 : vector<1x16xf32> to vector<16xf32>
        %parallel_loop3A_1224 = vector.shape_cast %parallel_loop3A_1219 : vector<16xf32> to vector<1x16xf32>
        tpu.vector_store %arg8[%parallel_loop3A_1220, %parallel_loop3A_1221], %parallel_loop3A_1224 {add = true, strides = array<i32>} : memref<16x1024xf32, #tpu.memory_space<vmem>>, vector<1x16xf32>,
      } {sc.loop_unroll_factor = 8 : i64, sc.parallel_access}
      %jit3A_1116 = arith.constant 4 : i32
      %eq3A_1117 = arith.constant 0 : i32
      %eq3A_1118 = arith.cmpi eq, %jit3A_1116, %eq3A_1117 : i32
      %jit3A_1119 = arith.constant 1 : i32
      %select_n3A_1120 = arith.select %eq3A_1118, %jit3A_1119, %jit3A_1116 : i32
      %rem3A_1121 = arith.remsi %add3A_1031, %select_n3A_1120 : i32
      %ne3A_1122 = arith.constant 0 : i32
      %ne3A_1123 = arith.cmpi ne, %rem3A_1121, %ne3A_1122 : i32
      %lt3A_1124 = arith.constant 0 : i32
      %lt3A_1125 = arith.cmpi slt, %rem3A_1121, %lt3A_1124 : i32
      %lt3A_1126 = arith.constant 0 : i32
      %lt3A_1127 = arith.cmpi slt, %select_n3A_1120, %lt3A_1126 : i32
      %ne3A_1128 = arith.xori %lt3A_1125, %lt3A_1127 : i1
      %and3A_1129 = arith.andi %ne3A_1128, %ne3A_1123 : i1
      %add3A_1130 = arith.addi %rem3A_1121, %select_n3A_1120 : i32
      %select_n3A_1131 = arith.select %and3A_1129, %add3A_1130, %rem3A_1121 : i32
      %mul3A_1132 = arith.constant 8192 : i32
      %mul3A_1133 = arith.muli %select_n3A_1131, %mul3A_1132 : i32
      %add3A_1134 = arith.addi %mul3A_1133, %mul3A_2 : i32
      %jit3A_1135 = arith.constant 4 : i32
      %div3A_1136 = arith.divsi %add3A_1031, %jit3A_1135 : i32
      %sign3A_1137 = arith.constant 0 : i32
      %sign3A_1138 = arith.cmpi sgt, %add3A_1031, %sign3A_1137 : i32
      %sign3A_1139 = arith.extui %sign3A_1138 : i1 to i32
      %sign3A_1140 = arith.constant 0 : i32
      %sign3A_1141 = arith.cmpi slt, %add3A_1031, %sign3A_1140 : i32
      %sign3A_1142 = arith.extui %sign3A_1141 : i1 to i32
      %sign3A_1143 = arith.subi %sign3A_1139, %sign3A_1142 : i32
      %sign3A_1144 = arith.constant 0 : i32
      %sign3A_1145 = arith.cmpi sgt, %jit3A_1135, %sign3A_1144 : i32
      %sign3A_1146 = arith.extui %sign3A_1145 : i1 to i32
      %sign3A_1147 = arith.constant 0 : i32
      %sign3A_1148 = arith.cmpi slt, %jit3A_1135, %sign3A_1147 : i32
      %sign3A_1149 = arith.extui %sign3A_1148 : i1 to i32
      %sign3A_1150 = arith.subi %sign3A_1146, %sign3A_1149 : i32
      %ne3A_1151 = arith.cmpi ne, %sign3A_1143, %sign3A_1150 : i32
      %rem3A_1152 = arith.remsi %add3A_1031, %jit3A_1135 : i32
      %ne3A_1153 = arith.constant 0 : i32
      %ne3A_1154 = arith.cmpi ne, %rem3A_1152, %ne3A_1153 : i32
      %and3A_1155 = arith.andi %ne3A_1151, %ne3A_1154 : i1
      %sub3A_1156 = arith.constant 1 : i32
      %sub3A_1157 = arith.subi %div3A_1136, %sub3A_1156 : i32
      %select_n3A_1158 = arith.select %and3A_1155, %sub3A_1157, %div3A_1136 : i32
      %mul3A_1159 = arith.constant 16 : i32
      %mul3A_1160 = arith.muli %select_n3A_1158, %mul3A_1159 : i32
      %add3A_1161 = arith.addi %add3A_1134, %mul3A_1160 : i32
      %dma_start3A_1162 = arith.constant 0 : i32
      %dma_start3A_1163 = tpu.memref_slice %arg4[%add3A_1161, %dma_start3A_1162] : memref<32768x1024xf32, #tpu.memory_space<hbm>> -> memref<16x1024xf32, #tpu.memory_space<hbm>>
      %dma_start3A_1164 = arith.constant 0 : i32
      %dma_start3A_1165 = tpu.memref_slice %arg4[%add3A_1161, %dma_start3A_1164] : memref<32768x1024xf32, #tpu.memory_space<hbm>> -> memref<16x1024xf32, #tpu.memory_space<hbm>>
      tpu.enqueue_dma source(%arg8 : memref<16x1024xf32, #tpu.memory_space<vmem>>) target(%dma_start3A_1165 : memref<16x1024xf32, #tpu.memory_space<hbm>>) target_semaphore(%arg18 : memref<!tpu.dma_semaphore, #tpu.memory_space<semaphore_mem>>)
      %add3A_1166 = arith.constant 2 : i32
      %add3A_1167 = arith.addi %select_n3A_1055, %add3A_1166 : i32
      %lt3A_1168 = arith.constant 16 : i32
      %lt3A_1169 = arith.cmpi slt, %add3A_1167, %lt3A_1168 : i32
      %convert_element_type3A_1170 = arith.extui %lt3A_1169 : i1 to i32
      %cond3A_1171 = arith.constant 0 : i32
      %cond3A_1172 = arith.cmpi ne, %convert_element_type3A_1170, %cond3A_1171 : i32
      scf.if %cond3A_1172 {
        %add3A_1173 = arith.constant 2 : i32
        %add3A_1174 = arith.addi %select_n3A_1055, %add3A_1173 : i32
        %mul3A_1175 = arith.constant 16 : i32
        %mul3A_1176 = arith.muli %add3A_1174, %mul3A_1175 : i32
        %add3A_1177 = arith.addi %mul3A_2, %mul3A_1176 : i32
        %dma_start3A_1178 = arith.constant 0 : i32
        %dma_start3A_1179 = tpu.memref_slice %arg3[%add3A_1177, %dma_start3A_1178] : memref<8192x1024xf32, #tpu.memory_space<hbm>> -> memref<16x1024xf32, #tpu.memory_space<hbm>>
        %dma_start3A_1180 = arith.constant 0 : i32
        %dma_start3A_1181 = tpu.memref_slice %arg3[%add3A_1177, %dma_start3A_1180] : memref<8192x1024xf32, #tpu.memory_space<hbm>> -> memref<16x1024xf32, #tpu.memory_space<hbm>>
        tpu.enqueue_dma source(%dma_start3A_1181 : memref<16x1024xf32, #tpu.memory_space<hbm>>) target(%arg10 : memref<16x1024xf32, #tpu.memory_space<vmem>>) target_semaphore(%arg20 : memref<!tpu.dma_semaphore, #tpu.memory_space<semaphore_mem>>)
      } else {
      }
    }
    %scan3A_33 = arith.constant 8 : i32
    %add3A_34 = arith.constant 0 : i32
    %add3A_35 = arith.addi %add3A_34, %mul3A_2 : i32
    %add3A_36 = arith.constant 240 : i32
    %add3A_37 = arith.addi %add3A_35, %add3A_36 : i32
    %dma_wait3A = arith.constant 0 : i32
    %dma_wait3A_38 = tpu.memref_slice %arg4[%add3A_37, %dma_wait3A] : memref<32768x1024xf32, #tpu.memory_space<hbm>> -> memref<16x1024xf32, #tpu.memory_space<hbm>>
    %dma_wait3A_39 = arith.constant 0 : i32
    %dma_wait3A_40 = tpu.memref_slice %arg4[%add3A_37, %dma_wait3A_39] : memref<32768x1024xf32, #tpu.memory_space<hbm>> -> memref<16x1024xf32, #tpu.memory_space<hbm>>
    tpu.wait_dma2 semaphore(%arg15 : memref<!tpu.dma_semaphore, #tpu.memory_space<semaphore_mem>>) src(%arg5 : memref<16x1024xf32, #tpu.memory_space<vmem>>) dst(%dma_wait3A_40 : memref<16x1024xf32, #tpu.memory_space<hbm>>)
    %add3A_41 = arith.constant 8192 : i32
    %add3A_42 = arith.addi %add3A_41, %mul3A_2 : i32
    %add3A_43 = arith.constant 240 : i32
    %add3A_44 = arith.addi %add3A_42, %add3A_43 : i32
    %dma_wait3A_45 = arith.constant 0 : i32
    %dma_wait3A_46 = tpu.memref_slice %arg4[%add3A_44, %dma_wait3A_45] : memref<32768x1024xf32, #tpu.memory_space<hbm>> -> memref<16x1024xf32, #tpu.memory_space<hbm>>
    %dma_wait3A_47 = arith.constant 0 : i32
    %dma_wait3A_48 = tpu.memref_slice %arg4[%add3A_44, %dma_wait3A_47] : memref<32768x1024xf32, #tpu.memory_space<hbm>> -> memref<16x1024xf32, #tpu.memory_space<hbm>>
    tpu.wait_dma2 semaphore(%arg16 : memref<!tpu.dma_semaphore, #tpu.memory_space<semaphore_mem>>) src(%arg6 : memref<16x1024xf32, #tpu.memory_space<vmem>>) dst(%dma_wait3A_48 : memref<16x1024xf32, #tpu.memory_space<hbm>>)
    %add3A_49 = arith.constant 16384 : i32
    %add3A_50 = arith.addi %add3A_49, %mul3A_2 : i32
    %add3A_51 = arith.constant 240 : i32
    %add3A_52 = arith.addi %add3A_50, %add3A_51 : i32
    %dma_wait3A_53 = arith.constant 0 : i32
    %dma_wait3A_54 = tpu.memref_slice %arg4[%add3A_52, %dma_wait3A_53] : memref<32768x1024xf32, #tpu.memory_space<hbm>> -> memref<16x1024xf32, #tpu.memory_space<hbm>>
    %dma_wait3A_55 = arith.constant 0 : i32
    %dma_wait3A_56 = tpu.memref_slice %arg4[%add3A_52, %dma_wait3A_55] : memref<32768x1024xf32, #tpu.memory_space<hbm>> -> memref<16x1024xf32, #tpu.memory_space<hbm>>
    tpu.wait_dma2 semaphore(%arg17 : memref<!tpu.dma_semaphore, #tpu.memory_space<semaphore_mem>>) src(%arg7 : memref<16x1024xf32, #tpu.memory_space<vmem>>) dst(%dma_wait3A_56 : memref<16x1024xf32, #tpu.memory_space<hbm>>)
    %add3A_57 = arith.constant 24576 : i32
    %add3A_58 = arith.addi %add3A_57, %mul3A_2 : i32
    %add3A_59 = arith.constant 240 : i32
    %add3A_60 = arith.addi %add3A_58, %add3A_59 : i32
    %dma_wait3A_61 = arith.constant 0 : i32
    %dma_wait3A_62 = tpu.memref_slice %arg4[%add3A_60, %dma_wait3A_61] : memref<32768x1024xf32, #tpu.memory_space<hbm>> -> memref<16x1024xf32, #tpu.memory_space<hbm>>
    %dma_wait3A_63 = arith.constant 0 : i32
    %dma_wait3A_64 = tpu.memref_slice %arg4[%add3A_60, %dma_wait3A_63] : memref<32768x1024xf32, #tpu.memory_space<hbm>> -> memref<16x1024xf32, #tpu.memory_space<hbm>>
    tpu.wait_dma2 semaphore(%arg18 : memref<!tpu.dma_semaphore, #tpu.memory_space<semaphore_mem>>) src(%arg8 : memref<16x1024xf32, #tpu.memory_space<vmem>>) dst(%dma_wait3A_64 : memref<16x1024xf32, #tpu.memory_space<hbm>>)
    return
  }
}

</mosaic_0001>

<sc_bundles>
// kernel: kernel.3.cloned.1.call-start
scs
__scs_entry_jumppad:
0x0: {  	(pc) =	sbr.rel $0x88, $3  }
0x1: {  	(tag) =	ssettag $0x0;
	lr =	simm.s32 $0x1  }
0x2: {  	[smem:$0x3F9F] =	sst lr;
	_ =	strace $0xD0000000  }
0x3: {  	_ = 	snop  }
0x4: {  	_ = 	snop  }
0x5: {  	_ = 	snop  }
0x6: {  	_ = 	snop  }
0x7: {  	_ = 	snop  }
__scs_overlays_trampoline_lowered:
0x8: {  	[smem:$0x3FAE] =	sst s0  }
0x9: {  	[smem:$0x3FAF] =	sst s1  }
0xa: {  	[smem:$0x3FB0] =	sst s2  }
0xb: {  	[smem:$0x3FB1] =	sst s3  }
0xc: {  	[smem:$0x3FB2] =	sst s4  }
0xd: {  	[smem:$0x3FB3] =	sst s5  }
0xe: {  	[smem:$0x3FB4] =	sst s6  }
0xf: {  	[smem:$0x3FB5] =	sst s7  }
0x10: {  	[smem:$0x3FB6] =	sst s8  }
0x11: {  	[smem:$0x3FB7] =	sst s9;
	s0 =	simm.s32 @!p0 $0x0  }
0x12: {  	s1 =	sld [smem:$0x3F9D];
	s0 =	simm.s32 @p0 $0x1  }
0x13: {  	[smem:$0x3FB8] =	sst s0;
	s0 =	simm.s32 @!p1 $0x0  }
0x14: {  	s2 =	sld [smem:$0x3F9C];
	s0 =	simm.s32 @p1 $0x1  }
0x15: {  	[smem:$0x3FB9] =	sst s0;
	s0 =	simm.s32 @!p2 $0x0  }
0x16: {  	s3 =	sld [smem:$0x3FDB];
	s0 =	simm.s32 @p2 $0x1  }
0x17: {  	s4 =	simm.s32 $0x1BF5;
	[smem:$0x3FBB] =	sst s0  }
0x18: {  	s0 =	sld [smem:$0x3F9E];
	_ =	swait.ge [sflag:s4], $0x0  }
0x19: {  	s7 =	sld [smem:$0x3F9F]  }
0x1a: {  	s8 =	sadd.s32 $0xFFFFE003, lr  }
0x1b: {  	s9 =	sadd.s32 $0xFFFFFEF7, lr;
	s5 =	simm.s32 $0xFFFFFFFF;
	p2 =	slt.u32 s8, $0xFFFFF086  }
0x1c: {  	p1 =	slt.u32 s9, $0xF7A;
	s5 =	simm.s32 @!p2 $0x0  }
0x1d: {  	s5 =	simm.s32 @p1 $0x1;
	p0 =	seq.s32 s7, s2  }
0x1e: {  	s7 =	smul.u32 @!p0 $0xF7A, s2;
	p2 =	seq.s32 @!p0 s5, $0x0  }
0x1f: {  	s9 =	smul.u32 $0xF7A, s1;
	s8 =	simm.s32 @!p0 $0x1BF5;
	p2 =	por !p2, p0  }
0x20: {  	[sflag:s8] =	ssyncset.s32 @!p0 $0xFFFFF086;
	s6 =	sadd.s32 @!p0 s3, s7;
	s7 =	simm.s32 @!p0 $0x108  }
0x21: {  	s3 =	sadd.s32 s3, s9;
	s6 =	sadd.s32 @!p0 $0x88, s6;
	s7 =	simm.s32 @p2 $0x1082  }
0x22: {  	[simem:s7], [sflag:s8] =	dma.local @!p0 [hbm:s6], $0xF7A  }
0x23: {  	s9 =	sor.u32 $0xD0000000, s2;
	s6 =	simm.s32 $0x108;
	_ =	swait.ge @!p0 [sflag:s8], $0x0  }
0x24: {  	s3 =	sadd.s32 $0x88, s3;
	s6 =	simm.s32 @!p1 $0x1082;
	[sflag:s4] =	ssyncset.s32 $0xFFFFF086  }
0x25: {  	[simem:s6], [sflag:s4] =	dma.local [hbm:s3], $0xF7A  }
0x26: {  	[smem:$0x3F9F] =	sst s1;
	(tag) =	ssettag s2;
	_ =	strace s9  }
0x27: {  	s1 =	sld [smem:$0x3FAF]  }
0x28: {  	s2 =	sld [smem:$0x3FB0]  }
0x29: {  	s4 =	sld [smem:$0x3FB2]  }
0x2a: {  	p0 =	seq.s32 s5, $0x0;
	s5 =	sld [smem:$0x3FB3]  }
0x2b: {  	s6 =	sld [smem:$0x3FB4]  }
0x2c: {  	s7 =	sld [smem:$0x3FB5]  }
0x2d: {  	s3 =	simm.s32 $0x108;
	s8 =	sld [smem:$0x3FB6]  }
0x2e: {  	s3 =	simm.s32 @!p0 $0x1082;
	s9 =	sld [smem:$0x3FB7]  }
0x2f: {  	lr =	sadd.s32 s0, s3;
	s0 =	sld [smem:$0x3FAE]  }
0x30: {  	s3 =	sld [smem:$0x3FB1]  }
0x31: {  	[smem:$0x3FBA] =	sst s10  }
0x32: {  	s10 =	sld [smem:$0x3FB8];
	_ =	sdelay $0x3  }
0x33: {  	p0 =	seq.s32 s10, $0x1;
	s10 =	sld [smem:$0x3FBA];
	_ =	sdelay $0x3  }
0x34: {  	[smem:$0x3FBA] =	sst s10  }
0x35: {  	s10 =	sld [smem:$0x3FB9];
	_ =	sdelay $0x3  }
0x36: {  	p1 =	seq.s32 s10, $0x1;
	s10 =	sld [smem:$0x3FBA];
	_ =	sdelay $0x3  }
0x37: {  	[smem:$0x3FBA] =	sst s10  }
0x38: {  	s10 =	sld [smem:$0x3FBB]  }
0x39: {  	_ = 	snop;
	(pc) =	sbr.ind lr, $3  }
0x3a: {  	_ = 	snop  }
0x3b: {  	_ = 	snop  }
0x3c: {  	p2 =	seq.s32 s10, $0x1;
	s10 =	sld [smem:$0x3FBA]  }
0x3d: {  	_ =	shalt  }
0x3e: {  	_ =	shalt  }
0x3f: {  	_ =	shalt  }
0x40: {  	_ =	shalt  }
0x41: {  	_ =	shalt  }
0x42: {  	_ =	shalt  }
0x43: {  	_ =	shalt  }
0x44: {  	_ =	shalt  }
0x45: {  	_ =	shalt  }
0x46: {  	_ =	shalt  }
0x47: {  	_ =	shalt  }
0x48: {  	_ =	shalt  }
0x49: {  	_ =	shalt  }
0x4a: {  	_ =	shalt  }
0x4b: {  	_ =	shalt  }
0x4c: {  	_ =	shalt  }
0x4d: {  	_ =	shalt  }
0x4e: {  	_ =	shalt  }
0x4f: {  	_ =	shalt  }
0x50: {  	_ =	shalt  }
0x51: {  	_ =	shalt  }
0x52: {  	_ =	shalt  }
0x53: {  	_ =	shalt  }
0x54: {  	_ =	shalt  }
0x55: {  	_ =	shalt  }
0x56: {  	_ =	shalt  }
0x57: {  	_ =	shalt  }
0x58: {  	_ =	shalt  }
0x59: {  	_ =	shalt  }
0x5a: {  	_ =	shalt  }
0x5b: {  	_ =	shalt  }
0x5c: {  	_ =	shalt  }
0x5d: {  	_ =	shalt  }
0x5e: {  	_ =	shalt  }
0x5f: {  	_ =	shalt  }
0x60: {  	_ =	shalt  }
0x61: {  	_ =	shalt  }
0x62: {  	_ =	shalt  }
0x63: {  	_ =	shalt  }
0x64: {  	_ =	shalt  }
0x65: {  	_ =	shalt  }
0x66: {  	_ =	shalt  }
0x67: {  	_ =	shalt  }
0x68: {  	_ =	shalt  }
0x69: {  	_ =	shalt  }
0x6a: {  	_ =	shalt  }
0x6b: {  	_ =	shalt  }
0x6c: {  	_ =	shalt  }
0x6d: {  	_ =	shalt  }
0x6e: {  	_ =	shalt  }
0x6f: {  	_ =	shalt  }
0x70: {  	_ =	shalt  }
0x71: {  	_ =	shalt  }
0x72: {  	_ =	shalt  }
0x73: {  	_ =	shalt  }
0x74: {  	_ =	shalt  }
0x75: {  	_ =	shalt  }
0x76: {  	_ =	shalt  }
0x77: {  	_ =	shalt  }
0x78: {  	_ =	shalt  }
0x79: {  	_ =	shalt  }
0x7a: {  	_ =	shalt  }
0x7b: {  	_ =	shalt  }
0x7c: {  	_ =	shalt  }
0x7d: {  	_ =	shalt  }
0x7e: {  	_ =	shalt  }
0x7f: {  	_ =	shalt  }
0x80: {  	_ =	shalt  }
0x81: {  	_ =	shalt  }
0x82: {  	_ =	shalt  }
0x83: {  	_ =	shalt  }
0x84: {  	_ =	shalt  }
0x85: {  	_ =	shalt  }
0x86: {  	_ =	shalt  }
0x87: {  	_ =	shalt  }
.Lfunc_end0:
.L_simem_size_0:
called_computation_lowered:
.L_overlay_start_0:
0x88: {  	s2 =	sld [smem:$0x3FD9]  }
0x89: {  	s3 =	sld [smem:$0x3FFE];
	_ =	sdelay $0x1  }
0x8a: {  	s1 =	srdreg.scid  }
0x8b: {  	s0 =	sand.u32 $0x1, s1  }
0x8c: {  	s18 =	sshll.u32 s0, $0xA;
	s2 =	sadd.s32 s3, s2  }
0x8d: {  	s2 =	sadd.s32 s2, s18  }
0x8e: {  	[smem:$0x3FC6] =	sst s2  }
0x8f: {  	_ = 	snop  }
0x90: {  	s2 =	sld [smem:$0x3FC9]  }
0x91: {  	s19 =	sld [smem:$0x3FC8]  }
0x92: {  	s4 =	sld [smem:$0x3FD0];
	(tm) =	ssettm $0x1  }
0x93: {  	s5 =	sld [smem:$0x3FFB];
	_ =	sdelay $0x3  }
0x94: {  	_ =	strace s5  }
0x95: {  	s5 =	sld [smem:$0x3FFC];
	_ =	sdelay $0x3  }
0x96: {  	_ =	strace s5  }
0x97: {  	s5 =	sld [smem:$0x3FFD];
	_ =	sdelay $0x3  }
0x98: {  	_ =	strace s5  }
0x99: {  	_ =	strace $0x8FFFFFFF  }
0x9a: {  	s20 =	sld [smem:$0x3FDB];
	_ =	sdelay $0x1  }
0x9b: {  	s6 =	simm.s32 $_scs_section_size  }
0x9c: {  	s7 =	simm.s32 $_size__tile_overlayer_lowered;
	s8 =	simm.s32 $_tile_overlayer_lowered  }
0x9d: {  	s23 =	simm.s32 $0x1BFF;
	s22 =	sshll.u32 s8, $0x1;
	s5 =	sadd.s32 s6, s20  }
0x9e: {  	s9 =	simm.s32 $0x0;
	s21 =	sshll.u32 s7, $0x1;
	s7 =	sadd.s32 s22, s5  }
0x9f: {  	[timem:s9], [sflag:s23] =	dma.local [hbm:s7], s21  }
0xa0: {  	_ =	swait.ge [sflag:s23], s21  }
0xa1: {  	s6 =	ssub.s32 $0x0, s21;
	[sflag:s23] =	ssyncset.done $0x0  }
0xa2: {  	[sflag:s23] =	ssyncadd.s32 s6;
	_ =	sdelay $0x1  }
0xa3: {  	s24 =	simm.s32 $0x1B8B  }
0xa4: {  	_ =	swait.ge [sflag:s24], $0x1  }
0xa5: {  	[sflag:s24] =	ssyncset.done $0x0  }
0xa6: {  	s25 =	simm.s32 $0x1B8E;
	[sflag:s24] =	ssyncadd.s32 $0xFFFFFFFF  }
0xa7: {  	s26 =	simm.s32 $execute0_lowered;
	[smem:$0x3FD2] =	sst s25  }
0xa8: {  	s6 =	sshll.u32 s26, $0x1;
	_ =	strace $0x80000046;
	[dreg:$0x1] =	wrdreg $0xFFFFFFFF  }
0xa9: {  	s28 =	simm.s32 $_size_execute0_lowered;
	s5 =	sadd.s32 s5, s6;
	[dreg:$0x0] =	wrdreg $0x0  }
0xaa: {  	s6 =	sshll.u32 s28, $0x1;
	[dreg:$0x2] =	wrdreg s5  }
0xab: {  	[dreg:$0x3] =	wrdreg s6  }
0xac: {  	[dreg:$0x4] =	wrdreg $0xC0  }
0xad: {  	_ =	task [dreg:s9], $0x5FFFF  }
0xae: {  	[dreg:$0x1] =	wrdreg $0xFFFFFFFF  }
0xaf: {  	[dreg:$0x0] =	wrdreg $0x60  }
0xb0: {  	[dreg:$0x2] =	wrdreg s2  }
0xb1: {  	[dreg:$0x3] =	wrdreg s19  }
0xb2: {  	[dreg:$0x4] =	wrdreg s4  }
0xb3: {  	[dreg:$0x5] =	wrdreg $0x9  }
0xb4: {  	_ =	task.clear_ibuf [dreg:s9], $0x6FFFF;
	_ =	strace $0x90000046  }
0xb5: {  	s29 =	simm.s32 $0x9;
	_ =	strace $0x80000048  }
0xb6: {  	_ =	swait.ge [sflag:s29], $0x1  }
0xb7: {  	[sflag:s29] =	ssyncadd.s32 $0xFFFFFFFF  }
0xb8: {  	_ =	strace $0x90000048  }
0xb9: {  	_ =	sfence  }
0xba: {  	s30 =	sld [smem:$0x0];
	_ =	sdelay $0x2  }
0xbb: {  	s31 =	sshll.u32 s1, $0xD;
	s1 =	sshrl.u32 s1, $0x2  }
0xbc: {  	s3 =	sand.u32 $0x4000, s31;
	s1 =	sadd.s32 s1, s30  }
0xbd: {  	s0 =	sor.u32 s3, s0;
	s1 =	sshll.u32 s1, $0x11  }
0xbe: {  	s0 =	sor.u32 s1, s0  }
0xbf: {  	s0 =	sadd.s32 $0x8F2B, s0  }
0xc0: {  	[sflag:s0] =	ssyncadd.remote.s32 $0x1  }
0xc1: {  	_ =	sfence.sel $0xFFFF  }
0xc2: {  	[dreg:$0x0] =	wrdreg $0xFFFFFFFF;
	(pc) =	sbr.abs _section_cstart, $3  }
0xc3: {  	[dreg:$0x1] =	wrdreg $0xFFFFFFFF  }
0xc4: {  	_ =	task.clear_ibuf [dreg:s9], $0x2FFFF;
	_ =	strace $0x9FFFFFFF  }
0xc5: {  	(tm) =	ssettm $0x7FFFFFFF  }
tec
execute0_lowered:
.L_overlay_start_1:
0x0: {  	(tag) =	ssettag $0x1  }
0x1: {  	s1 =	rddreg [dreg:$0x0];
	s3 =	srdreg.scid  }
0x2: {  	s0 =	rddreg [dreg:$0x1];
	s6 =	stileid.u32;
	s3 =	sand.u32 $0x1, s3  }
0x3: {  	s6 =	sshll.u32 s6, $0x10;
	s5 =	ssub.s32 $0x2, s3;
	s3 =	sshll.u32 s3, $0xF  }
0x4: {  	s2 =	rddreg [dreg:$0x2];
	s4 =	simm.s32 $0x0;
	s3 =	sor.u32 s3, s6  }
0x5: {  	[smem:$0x7FF] =	sst s4;
	s6 =	sadd.s32 s1, s3  }
0x6: {  	_ =	strace $0x80000047;
	s16 =	sor.u32 $0x800, s3;
	[dreg:$0x4] =	wrdreg s6  }
0x7: {  	s17 =	sor.u32 $0x200000, s3;
	[dreg:$0x8] =	wrdreg s16  }
0x8: {  	s24 =	sadd.s32 $0x1000, s1;
	s18 =	sadd.s32 s2, s3;
	[dreg:$0x9] =	wrdreg s17  }
0x9: {  	s13 =	sadd.s32 s0, s3;
	s21 =	sor.u32 $0x100800, s3;
	[dreg:$0xa] =	wrdreg s18  }
0xa: {  	s19 =	sor.u32 $0x100000, s3;
	s22 =	sor.u32 $0x200800, s3;
	[dreg:$0xd] =	wrdreg s21  }
0xb: {  	s8 =	sor.u32 $0x300000, s3;
	s3 =	sadd.s32 s3, s24;
	[dreg:$0xe] =	wrdreg s22  }
0xc: {  	s28 =	simm.s32 $0x8000;
	s29 =	simm.s32 $0x2;
	[dreg:$0x10] =	wrdreg s3  }
0xd: {  	s30 =	simm.s32 $0xC000;
	s31 =	simm.s32 $0x3;
	[dreg:$0xb] =	wrdreg s8  }
0xe: {  	s7 =	sshrl.u32 s5, $0x1;
	s14 =	sadd.s32 $0x100000, s6;
	[dreg:$0x5] =	wrdreg s13  }
0xf: {  	s5 =	ssub.s32 s5, s7;
	s15 =	sadd.s32 $0x800, s13;
	[dreg:$0x6] =	wrdreg s14  }
0x10: {  	s7 =	simm.s32 $0xA;
	s20 =	sadd.s32 s2, s19;
	[dreg:$0x7] =	wrdreg s15  }
0x11: {  	s23 =	sadd.s32 s1, s8;
	s0 =	sadd.s32 s19, s24;
	[dreg:$0xc] =	wrdreg s20  }
.Ltmp0:
0x12: {  	s25 =	sadd.s32 s2, s8;
	[dreg:$0xf] =	wrdreg s23;
	(pc) =	sbr.rel .LBB2_1-.Ltmp0, $4  }
0x13: {  	s26 =	smax.u32 s5, $0x1;
	s21 =	sadd.s32 $0x1000, s13;
	[dreg:$0x11] =	wrdreg s0  }
0x14: {  	s3 =	simm.s32 $0x4;
	s22 =	simm.s32 $0x6;
	[dreg:$0x12] =	wrdreg s25  }
0x15: {  	s8 =	simm.s32 $0x7;
	s6 =	simm.s32 $0x0;
	[dreg:$0x13] =	wrdreg s26  }
0x16: {  	s26 =	simm.s32 $0x1;
	s0 =	simm.s32 $0x5;
	s20 =	simm.s32 $0x8  }
.LBB2_20:
0x17: {  	_ =	swait.ge [sflag:s0], $0x4000  }
0x18: {  	[sflag:s0] =	ssyncset.done $0x0  }
0x19: {  	[sflag:s0] =	ssyncadd.s32 $0xFFFFC000  }
0x1a: {  	_ =	swait.ge [sflag:s22], $0x4000  }
0x1b: {  	[sflag:s22] =	ssyncset.done $0x0  }
0x1c: {  	[sflag:s22] =	ssyncadd.s32 $0xFFFFC000  }
0x1d: {  	_ =	swait.ge [sflag:s8], $0x4000  }
0x1e: {  	[sflag:s8] =	ssyncset.done $0x0  }
0x1f: {  	[sflag:s8] =	ssyncadd.s32 $0xFFFFC000  }
0x20: {  	_ =	swait.ge [sflag:s20], $0x4000  }
0x21: {  	s6 =	rddreg [dreg:$0x14]  }
0x22: {  	s5 =	rddreg [dreg:$0x13];
	s6 =	sadd.s32 $0x1, s6  }
0x23: {  	p0 =	sne.s32 s6, s5  }
.Ltmp1:
0x24: {  	_ = 	snop;
	(pc) =	sbr.rel @!p0 .LBB2_21-.Ltmp1, $3  }
0x25: {  	_ =	sdelay $0x1  }
0x26: {  	[sflag:s20] =	ssyncset.done $0x0  }
0x27: {  	[sflag:s20] =	ssyncadd.s32 $0xFFFFC000  }
.LBB2_1:
0x28: {  	[dreg:$0x14] =	wrdreg s6  }
0x29: {  	s5 =	rddreg [dreg:$0x4]  }
0x2a: {  	[tilespmem:s4], [sflag:$0x1] =	stream.linear.gather [hbm4b:s5+s4], $0x4000, $0x38;
	[tilespmem:$0x18000] =	vst v63  }
0x2b: {  	s17 =	rddreg [dreg:$0x5];
	s18 =	simm.s32 $0x10000  }
0x2c: {  	[tilespmem:s18], [sflag:$0x9] =	stream.linear.gather [hbm4b:s17+s4], $0x4000, $0x38;
	[tilespmem:$0x18000] =	vst v63  }
0x2d: {  	s19 =	rddreg [dreg:$0x6];
	s23 =	simm.s32 $0x4000  }
0x2e: {  	[tilespmem:s23], [sflag:$0x2] =	stream.linear.gather [hbm4b:s19+s4], $0x4000, $0x38;
	[tilespmem:$0x18000] =	vst v63  }
0x2f: {  	s24 =	rddreg [dreg:$0x7];
	s25 =	simm.s32 $0x14000;
	s6 =	simm.s32 $0x0  }
0x30: {  	[tilespmem:s25], [sflag:$0xA] =	stream.linear.gather [hbm4b:s24+s4], $0x4000, $0x38;
	[tilespmem:$0x18000] =	vst v63  }
.LBB2_2:
0x31: {  	s5 =	simm.s32 $0x9  }
0x32: {  	_ =	swait.ge [sflag:s5], $0x4000  }
0x33: {  	[sflag:s5] =	ssyncset.done $0x0  }
0x34: {  	[sflag:s5] =	ssyncadd.s32 $0xFFFFC000  }
0x35: {  	_ =	swait.ge [sflag:s26], $0x4000  }
0x36: {  	p0 =	seq.s32 s6, $0x0;
	[sflag:s26] =	ssyncset.done $0x0  }
0x37: {  	s9 =	simm.s32 @!p0 $0x7;
	[sflag:s26] =	ssyncadd.s32 $0xFFFFC000  }
0x38: {  	_ =	swait.ge @!p0 [sflag:s9], $0x4000  }
0x39: {  	s5 =	sshll.u32 s6, $0xC;
	s10 =	rddreg [dreg:$0x9]  }
0x3a: {  	s23 =	simm.s32 $0x0;
	[sflag:s9] =	ssyncset.done @!p0 $0x0;
	s24 =	sor.u32 s10, s5  }
0x3b: {  	[sflag:s9] =	ssyncadd.s32 @!p0 $0xFFFFC000;
	s9 =	simm.s32 $0x0;
	s10 =	sadd.s32 s1, s24  }
0x3c: {  	[tilespmem:s28], [sflag:$0x3] =	stream.linear.gather [hbm4b:s10+s9], $0x4000, $0x38;
	[tilespmem:$0x18000] =	vst v63  }
0x3d: {  	s12 =	simm.s32 $0x0;
	s11 =	sand.u32 $0x1C00, s9;
	s10 =	sand.u32 $0x2000, s23  }
0x3e: {  	s25 =	sand.u32 $0x380, s12;
	s10 =	sor.u32 s11, s10  }
0x3f: {  	s11 =	sor.u32 s25, s10  }
0x40: {  	v0 =	vld [tilespmem:s11+$0x10070]  }
0x41: {  	v5 =	vld [tilespmem:s11+$0x10000]  }
0x42: {  	v6 =	vld [tilespmem:s11+$0x10010]  }
0x43: {  	v4 =	vld [tilespmem:s11+$0x10020]  }
0x44: {  	v2 =	vld [tilespmem:s11+$0x10030]  }
0x45: {  	v3 =	vld [tilespmem:s11+$0x10040]  }
0x46: {  	s10 =	sor.u32 $0x70, s11;
	v1 =	vld [tilespmem:s11+$0x10060]  }
0x47: {  	[tilespmem:s10+$0x0] =	vst.add.f32.msk $0xffff, v0  }
0x48: {  	s16 =	sor.u32 $0x10, s11;
	v0 =	vld [tilespmem:s11+$0x10050]  }
0x49: {  	s15 =	sor.u32 $0x20, s11;
	s14 =	sor.u32 $0x30, s11;
	s13 =	sor.u32 $0x40, s11;
	[tilespmem:s11+$0x0] =	vst.add.f32.msk $0xffff, v5  }
0x4a: {  	s12 =	sor.u32 $0x50, s11;
	s10 =	simm.s32 $0x0;
	s11 =	sor.u32 $0x60, s11;
	[tilespmem:s16+$0x0] =	vst.add.f32.msk $0xffff, v6  }
.LBB2_3:
0x4b: {  	s10 =	sadd.s32 $0x8, s10;
	[tilespmem:s15+$0x0] =	vst.add.f32.msk $0xffff, v4  }
0x4c: {  	s9 =	sadd.s32 $0x400, s9;
	s15 =	sshll.u32 s10, $0x4;
	p1 =	slt.u32 s10, $0x3F8;
	[tilespmem:s14+$0x0] =	vst.add.f32.msk $0xffff, v2  }
0x4d: {  	s16 =	sshll.u32 s10, $0x1;
	s14 =	sand.u32 $0x2000, s15;
	s15 =	sand.u32 $0x1C00, s9;
	[tilespmem:s13+$0x0] =	vst.add.f32.msk $0xffff, v3  }
0x4e: {  	s13 =	sor.u32 s15, s14;
	s14 =	sand.u32 $0x380, s16;
	[tilespmem:s12+$0x0] =	vst.add.f32.msk $0xffff, v0  }
0x4f: {  	s16 =	sor.u32 s14, s13;
	[tilespmem:s11+$0x0] =	vst.add.f32.msk $0xffff, v1  }
0x50: {  	s17 =	sor.u32 $0x10, s16;
	s15 =	sor.u32 $0x20, s16;
	s14 =	sor.u32 $0x30, s16;
	v0 =	vld [tilespmem:s16+$0x10070]  }
0x51: {  	s13 =	sor.u32 $0x40, s16;
	s12 =	sor.u32 $0x50, s16;
	s11 =	sor.u32 $0x60, s16;
	v5 =	vld [tilespmem:s16+$0x10000]  }
0x52: {  	v6 =	vld [tilespmem:s16+$0x10010]  }
0x53: {  	v4 =	vld [tilespmem:s16+$0x10020]  }
0x54: {  	s18 =	sor.u32 $0x70, s16;
	v2 =	vld [tilespmem:s16+$0x10030]  }
0x55: {  	[tilespmem:s18+$0x0] =	vst.add.f32.msk $0xffff, v0  }
.Ltmp2:
0x56: {  	v3 =	vld [tilespmem:s16+$0x10040];
	(pc) =	sbr.rel @p1 .LBB2_3-.Ltmp2, $4  }
0x57: {  	v0 =	vld [tilespmem:s16+$0x10050]  }
0x58: {  	v1 =	vld [tilespmem:s16+$0x10060]  }
0x59: {  	[tilespmem:s16+$0x0] =	vst.add.f32.msk $0xffff, v5  }
0x5a: {  	[tilespmem:s17+$0x0] =	vst.add.f32.msk $0xffff, v6  }
0x5b: {  	[tilespmem:s15+$0x0] =	vst.add.f32.msk $0xffff, v4  }
0x5c: {  	[tilespmem:s14+$0x0] =	vst.add.f32.msk $0xffff, v2  }
0x5d: {  	[tilespmem:s13+$0x0] =	vst.add.f32.msk $0xffff, v3  }
0x5e: {  	[tilespmem:s12+$0x0] =	vst.add.f32.msk $0xffff, v0  }
0x5f: {  	[tilespmem:s11+$0x0] =	vst.add.f32.msk $0xffff, v1  }
0x60: {  	s9 =	rddreg [dreg:$0xa]  }
0x61: {  	s9 =	sadd.s32 s5, s9  }
0x62: {  	[hbm4b:s9+s4] =	stream.linear.scatter [tilespmem:s4], [sflag:$0x5], $0x4000, $0x38;
	[tilespmem:$0x18000] =	vst v63  }
0x63: {  	_ =	swait.ge [sflag:s29], $0x4000  }
0x64: {  	[sflag:s29] =	ssyncset.done $0x0  }
0x65: {  	s9 =	simm.s32 @!p0 $0x8;
	[sflag:s29] =	ssyncadd.s32 $0xFFFFC000  }
0x66: {  	s18 =	simm.s32 $0x0;
	_ =	swait.ge @!p0 [sflag:s9], $0x4000  }
0x67: {  	s23 =	simm.s32 $0x0;
	[sflag:s9] =	ssyncset.done @!p0 $0x0;
	s10 =	rddreg [dreg:$0xb]  }
0x68: {  	s10 =	sor.u32 s10, s5;
	[sflag:s9] =	ssyncadd.s32 @!p0 $0xFFFFC000;
	s9 =	simm.s32 $0x0  }
0x69: {  	s11 =	sand.u32 $0x2000, s18;
	s17 =	sadd.s32 s1, s10;
	s19 =	sand.u32 $0x1C00, s9  }
0x6a: {  	[tilespmem:s30], [sflag:$0x4] =	stream.linear.gather [hbm4b:s17+s9], $0x4000, $0x38;
	[tilespmem:$0x18000] =	vst v63  }
0x6b: {  	s25 =	sand.u32 $0x380, s23;
	s11 =	sor.u32 s19, s11  }
0x6c: {  	s13 =	sor.u32 s25, s11  }
0x6d: {  	v0 =	vld [tilespmem:s13+$0x10070]  }
0x6e: {  	v5 =	vld [tilespmem:s13+$0x10000]  }
0x6f: {  	v6 =	vld [tilespmem:s13+$0x10010]  }
0x70: {  	v4 =	vld [tilespmem:s13+$0x10020]  }
0x71: {  	v1 =	vld [tilespmem:s13+$0x10030]  }
0x72: {  	v3 =	vld [tilespmem:s13+$0x10040]  }
0x73: {  	s11 =	sor.u32 $0x4070, s13;
	v2 =	vld [tilespmem:s13+$0x10060]  }
0x74: {  	[tilespmem:s11+$0x0] =	vst.add.f32.msk $0xffff, v0  }
0x75: {  	s12 =	sor.u32 $0x4000, s13;
	s17 =	sor.u32 $0x4010, s13;
	v0 =	vld [tilespmem:s13+$0x10050]  }
0x76: {  	s15 =	sor.u32 $0x4020, s13;
	s16 =	sor.u32 $0x4030, s13;
	s14 =	sor.u32 $0x4040, s13;
	[tilespmem:s12+$0x0] =	vst.add.f32.msk $0xffff, v5  }
0x77: {  	s11 =	simm.s32 $0x0;
	s12 =	sor.u32 $0x4050, s13;
	s13 =	sor.u32 $0x4060, s13;
	[tilespmem:s17+$0x0] =	vst.add.f32.msk $0xffff, v6  }
.LBB2_5:
0x78: {  	s11 =	sadd.s32 $0x8, s11;
	[tilespmem:s15+$0x0] =	vst.add.f32.msk $0xffff, v4  }
0x79: {  	s9 =	sadd.s32 $0x400, s9;
	s15 =	sshll.u32 s11, $0x4;
	p0 =	slt.u32 s11, $0x3F8;
	[tilespmem:s16+$0x0] =	vst.add.f32.msk $0xffff, v1  }
0x7a: {  	s16 =	sand.u32 $0x1C00, s9;
	s17 =	sshll.u32 s11, $0x1;
	s15 =	sand.u32 $0x2000, s15;
	[tilespmem:s14+$0x0] =	vst.add.f32.msk $0xffff, v3  }
0x7b: {  	s14 =	sor.u32 s16, s15;
	s15 =	sand.u32 $0x380, s17;
	[tilespmem:s12+$0x0] =	vst.add.f32.msk $0xffff, v0  }
0x7c: {  	s17 =	sor.u32 s15, s14;
	[tilespmem:s13+$0x0] =	vst.add.f32.msk $0xffff, v2  }
0x7d: {  	s18 =	sor.u32 $0x4000, s17;
	s19 =	sor.u32 $0x4010, s17;
	s15 =	sor.u32 $0x4020, s17;
	v0 =	vld [tilespmem:s17+$0x10070]  }
0x7e: {  	s16 =	sor.u32 $0x4030, s17;
	s14 =	sor.u32 $0x4040, s17;
	s12 =	sor.u32 $0x4050, s17;
	v5 =	vld [tilespmem:s17+$0x10000]  }
0x7f: {  	s13 =	sor.u32 $0x4060, s17;
	v6 =	vld [tilespmem:s17+$0x10010]  }
0x80: {  	v4 =	vld [tilespmem:s17+$0x10020]  }
0x81: {  	s25 =	sor.u32 $0x4070, s17;
	v1 =	vld [tilespmem:s17+$0x10030]  }
0x82: {  	[tilespmem:s25+$0x0] =	vst.add.f32.msk $0xffff, v0  }
.Ltmp3:
0x83: {  	v3 =	vld [tilespmem:s17+$0x10040];
	(pc) =	sbr.rel @p0 .LBB2_5-.Ltmp3, $4  }
0x84: {  	v0 =	vld [tilespmem:s17+$0x10050]  }
0x85: {  	v2 =	vld [tilespmem:s17+$0x10060]  }
0x86: {  	[tilespmem:s18+$0x0] =	vst.add.f32.msk $0xffff, v5  }
0x87: {  	[tilespmem:s19+$0x0] =	vst.add.f32.msk $0xffff, v6  }
0x88: {  	[tilespmem:s15+$0x0] =	vst.add.f32.msk $0xffff, v4  }
0x89: {  	[tilespmem:s16+$0x0] =	vst.add.f32.msk $0xffff, v1  }
0x8a: {  	[tilespmem:s14+$0x0] =	vst.add.f32.msk $0xffff, v3  }
0x8b: {  	[tilespmem:s12+$0x0] =	vst.add.f32.msk $0xffff, v0  }
0x8c: {  	[tilespmem:s13+$0x0] =	vst.add.f32.msk $0xffff, v2  }
0x8d: {  	s9 =	rddreg [dreg:$0xc]  }
0x8e: {  	s11 =	simm.s32 $0x0;
	s14 =	simm.s32 $0x4000;
	s9 =	sadd.s32 s5, s9  }
0x8f: {  	[hbm4b:s9+s11] =	stream.linear.scatter [tilespmem:s14], [sflag:$0x6], $0x4000, $0x38;
	[tilespmem:$0x18000] =	vst v63  }
0x90: {  	_ =	swait.ge [sflag:s31], $0x4000  }
0x91: {  	[sflag:s31] =	ssyncset.done $0x0  }
0x92: {  	s17 =	simm.s32 $0x0;
	[sflag:s31] =	ssyncadd.s32 $0xFFFFC000  }
0x93: {  	s19 =	simm.s32 $0x0;
	s12 =	sand.u32 $0x2000, s17;
	_ =	swait.ge [sflag:s0], $0x4000  }
0x94: {  	s18 =	sand.u32 $0x1C00, s11;
	s23 =	sand.u32 $0x380, s19;
	s15 =	rddreg [dreg:$0x8]  }
0x95: {  	s12 =	sor.u32 s18, s12;
	[sflag:s0] =	ssyncset.done $0x0;
	s9 =	sadd.s32 s15, s5  }
0x96: {  	s14 =	sor.u32 s23, s12;
	[sflag:s0] =	ssyncadd.s32 $0xFFFFC000;
	s16 =	sadd.s32 s1, s9  }
0x97: {  	[tilespmem:s11], [sflag:$0x1] =	stream.linear.gather [hbm4b:s16+s11], $0x4000, $0x38;
	[tilespmem:$0x18000] =	vst v63  }
0x98: {  	v0 =	vld [tilespmem:s14+$0x10070]  }
0x99: {  	v5 =	vld [tilespmem:s14+$0x10000]  }
0x9a: {  	v6 =	vld [tilespmem:s14+$0x10010]  }
0x9b: {  	v4 =	vld [tilespmem:s14+$0x10020]  }
0x9c: {  	v1 =	vld [tilespmem:s14+$0x10030]  }
0x9d: {  	v3 =	vld [tilespmem:s14+$0x10040]  }
0x9e: {  	s12 =	sor.u32 $0x8070, s14;
	v2 =	vld [tilespmem:s14+$0x10060]  }
0x9f: {  	[tilespmem:s12+$0x0] =	vst.add.f32.msk $0xffff, v0  }
0xa0: {  	s13 =	simm.s32 $0x0;
	s25 =	sor.u32 $0x8000, s14;
	v0 =	vld [tilespmem:s14+$0x10050]  }
0xa1: {  	s18 =	sor.u32 $0x8010, s14;
	s17 =	sor.u32 $0x8030, s14;
	s15 =	sor.u32 $0x8040, s14;
	[tilespmem:s25+$0x0] =	vst.add.f32.msk $0xffff, v5  }
0xa2: {  	s16 =	sor.u32 $0x8020, s14;
	s12 =	sor.u32 $0x8050, s14;
	s14 =	sor.u32 $0x8060, s14;
	[tilespmem:s18+$0x0] =	vst.add.f32.msk $0xffff, v6  }
.LBB2_7:
0xa3: {  	s13 =	sadd.s32 $0x8, s13;
	[tilespmem:s16+$0x0] =	vst.add.f32.msk $0xffff, v4  }
0xa4: {  	s11 =	sadd.s32 $0x400, s11;
	s16 =	sshll.u32 s13, $0x4;
	p0 =	slt.u32 s13, $0x3F8;
	[tilespmem:s17+$0x0] =	vst.add.f32.msk $0xffff, v1  }
0xa5: {  	s17 =	sand.u32 $0x1C00, s11;
	s18 =	sshll.u32 s13, $0x1;
	s16 =	sand.u32 $0x2000, s16;
	[tilespmem:s15+$0x0] =	vst.add.f32.msk $0xffff, v3  }
0xa6: {  	s15 =	sor.u32 s17, s16;
	s16 =	sand.u32 $0x380, s18;
	[tilespmem:s12+$0x0] =	vst.add.f32.msk $0xffff, v0  }
0xa7: {  	s18 =	sor.u32 s16, s15;
	[tilespmem:s14+$0x0] =	vst.add.f32.msk $0xffff, v2  }
0xa8: {  	s19 =	sor.u32 $0x8000, s18;
	s25 =	sor.u32 $0x8010, s18;
	s16 =	sor.u32 $0x8020, s18;
	v0 =	vld [tilespmem:s18+$0x10070]  }
0xa9: {  	s17 =	sor.u32 $0x8030, s18;
	s15 =	sor.u32 $0x8040, s18;
	s12 =	sor.u32 $0x8050, s18;
	v5 =	vld [tilespmem:s18+$0x10000]  }
0xaa: {  	s14 =	sor.u32 $0x8060, s18;
	v6 =	vld [tilespmem:s18+$0x10010]  }
0xab: {  	v4 =	vld [tilespmem:s18+$0x10020]  }
0xac: {  	s23 =	sor.u32 $0x8070, s18;
	v1 =	vld [tilespmem:s18+$0x10030]  }
0xad: {  	[tilespmem:s23+$0x0] =	vst.add.f32.msk $0xffff, v0  }
.Ltmp4:
0xae: {  	v3 =	vld [tilespmem:s18+$0x10040];
	(pc) =	sbr.rel @p0 .LBB2_7-.Ltmp4, $4  }
0xaf: {  	v0 =	vld [tilespmem:s18+$0x10050]  }
0xb0: {  	v2 =	vld [tilespmem:s18+$0x10060]  }
0xb1: {  	[tilespmem:s19+$0x0] =	vst.add.f32.msk $0xffff, v5  }
0xb2: {  	[tilespmem:s25+$0x0] =	vst.add.f32.msk $0xffff, v6  }
0xb3: {  	[tilespmem:s16+$0x0] =	vst.add.f32.msk $0xffff, v4  }
0xb4: {  	[tilespmem:s17+$0x0] =	vst.add.f32.msk $0xffff, v1  }
0xb5: {  	[tilespmem:s15+$0x0] =	vst.add.f32.msk $0xffff, v3  }
0xb6: {  	[tilespmem:s12+$0x0] =	vst.add.f32.msk $0xffff, v0  }
0xb7: {  	s15 =	sadd.s32 s2, s24;
	s11 =	simm.s32 $0x0;
	[tilespmem:s14+$0x0] =	vst.add.f32.msk $0xffff, v2  }
0xb8: {  	[hbm4b:s15+s11] =	stream.linear.scatter [tilespmem:s28], [sflag:$0x7], $0x4000, $0x38;
	[tilespmem:$0x18000] =	vst v63  }
0xb9: {  	_ =	swait.ge [sflag:s3], $0x4000  }
0xba: {  	[sflag:s3] =	ssyncset.done $0x0  }
0xbb: {  	[sflag:s3] =	ssyncadd.s32 $0xFFFFC000  }
0xbc: {  	_ =	swait.ge [sflag:s22], $0x4000  }
0xbd: {  	s16 =	rddreg [dreg:$0xd]  }
0xbe: {  	s13 =	simm.s32 $0x4000;
	[sflag:s22] =	ssyncset.done $0x0;
	s24 =	sadd.s32 s16, s5  }
0xbf: {  	s17 =	simm.s32 $0x0;
	[sflag:s22] =	ssyncadd.s32 $0xFFFFC000;
	s12 =	sadd.s32 s1, s24  }
0xc0: {  	[tilespmem:s13], [sflag:$0x2] =	stream.linear.gather [hbm4b:s12+s11], $0x4000, $0x38;
	[tilespmem:$0x18000] =	vst v63  }
0xc1: {  	s19 =	simm.s32 $0x0;
	s18 =	sand.u32 $0x1C00, s11;
	s12 =	sand.u32 $0x2000, s17  }
0xc2: {  	s23 =	sand.u32 $0x380, s19;
	s12 =	sor.u32 s18, s12  }
0xc3: {  	s14 =	sor.u32 s23, s12  }
0xc4: {  	v0 =	vld [tilespmem:s14+$0x10070]  }
0xc5: {  	v5 =	vld [tilespmem:s14+$0x10000]  }
0xc6: {  	v6 =	vld [tilespmem:s14+$0x10010]  }
0xc7: {  	v4 =	vld [tilespmem:s14+$0x10020]  }
0xc8: {  	v1 =	vld [tilespmem:s14+$0x10030]  }
0xc9: {  	v3 =	vld [tilespmem:s14+$0x10040]  }
0xca: {  	s12 =	sor.u32 $0xC070, s14;
	v2 =	vld [tilespmem:s14+$0x10060]  }
0xcb: {  	[tilespmem:s12+$0x0] =	vst.add.f32.msk $0xffff, v0  }
0xcc: {  	s13 =	simm.s32 $0x0;
	s25 =	sor.u32 $0xC000, s14;
	v0 =	vld [tilespmem:s14+$0x10050]  }
0xcd: {  	s18 =	sor.u32 $0xC010, s14;
	s16 =	sor.u32 $0xC020, s14;
	s17 =	sor.u32 $0xC030, s14;
	[tilespmem:s25+$0x0] =	vst.add.f32.msk $0xffff, v5  }
0xce: {  	s15 =	sor.u32 $0xC040, s14;
	s12 =	sor.u32 $0xC050, s14;
	s14 =	sor.u32 $0xC060, s14;
	[tilespmem:s18+$0x0] =	vst.add.f32.msk $0xffff, v6  }
.LBB2_9:
0xcf: {  	s13 =	sadd.s32 $0x8, s13;
	[tilespmem:s16+$0x0] =	vst.add.f32.msk $0xffff, v4  }
0xd0: {  	s11 =	sadd.s32 $0x400, s11;
	s16 =	sshll.u32 s13, $0x4;
	p0 =	slt.u32 s13, $0x3F8;
	[tilespmem:s17+$0x0] =	vst.add.f32.msk $0xffff, v1  }
0xd1: {  	s17 =	sand.u32 $0x1C00, s11;
	s18 =	sshll.u32 s13, $0x1;
	s16 =	sand.u32 $0x2000, s16;
	[tilespmem:s15+$0x0] =	vst.add.f32.msk $0xffff, v3  }
0xd2: {  	s15 =	sor.u32 s17, s16;
	s16 =	sand.u32 $0x380, s18;
	[tilespmem:s12+$0x0] =	vst.add.f32.msk $0xffff, v0  }
0xd3: {  	s18 =	sor.u32 s16, s15;
	[tilespmem:s14+$0x0] =	vst.add.f32.msk $0xffff, v2  }
0xd4: {  	s19 =	sor.u32 $0xC000, s18;
	s23 =	sor.u32 $0xC010, s18;
	s16 =	sor.u32 $0xC020, s18;
	v0 =	vld [tilespmem:s18+$0x10070]  }
0xd5: {  	s17 =	sor.u32 $0xC030, s18;
	s15 =	sor.u32 $0xC040, s18;
	s12 =	sor.u32 $0xC050, s18;
	v5 =	vld [tilespmem:s18+$0x10000]  }
0xd6: {  	s14 =	sor.u32 $0xC060, s18;
	v6 =	vld [tilespmem:s18+$0x10010]  }
0xd7: {  	v4 =	vld [tilespmem:s18+$0x10020]  }
0xd8: {  	s25 =	sor.u32 $0xC070, s18;
	v1 =	vld [tilespmem:s18+$0x10030]  }
0xd9: {  	[tilespmem:s25+$0x0] =	vst.add.f32.msk $0xffff, v0  }
.Ltmp5:
0xda: {  	v3 =	vld [tilespmem:s18+$0x10040];
	(pc) =	sbr.rel @p0 .LBB2_9-.Ltmp5, $4  }
0xdb: {  	v0 =	vld [tilespmem:s18+$0x10050]  }
0xdc: {  	v2 =	vld [tilespmem:s18+$0x10060]  }
0xdd: {  	[tilespmem:s19+$0x0] =	vst.add.f32.msk $0xffff, v5  }
0xde: {  	[tilespmem:s23+$0x0] =	vst.add.f32.msk $0xffff, v6  }
0xdf: {  	[tilespmem:s16+$0x0] =	vst.add.f32.msk $0xffff, v4  }
0xe0: {  	[tilespmem:s17+$0x0] =	vst.add.f32.msk $0xffff, v1  }
0xe1: {  	[tilespmem:s15+$0x0] =	vst.add.f32.msk $0xffff, v3  }
0xe2: {  	[tilespmem:s12+$0x0] =	vst.add.f32.msk $0xffff, v0  }
0xe3: {  	s10 =	sadd.s32 s2, s10;
	p0 =	seq.s32 s6, $0x7;
	[tilespmem:s14+$0x0] =	vst.add.f32.msk $0xffff, v2  }
0xe4: {  	[hbm4b:s10+s4] =	stream.linear.scatter [tilespmem:s30], [sflag:$0x8], $0x4000, $0x38;
	[tilespmem:$0x18000] =	vst v63  }
0xe5: {  	s11 =	simm.s32 @!p0 $0x0;
	s12 =	simm.s32 @!p0 $0x10000;
	s10 =	sadd.s32 @!p0 s21, s5  }
0xe6: {  	[tilespmem:s12], [sflag:$0x9] =	stream.linear.gather @!p0 [hbm4b:s10+s11], $0x4000, $0x38;
	[tilespmem:$0x18000] =	vst v63  }
0xe7: {  	_ =	swait.ge [sflag:s7], $0x4000  }
0xe8: {  	[sflag:s7] =	ssyncset.done $0x0  }
0xe9: {  	[sflag:s7] =	ssyncadd.s32 $0xFFFFC000  }
0xea: {  	_ =	swait.ge [sflag:s26], $0x4000  }
0xeb: {  	[sflag:s26] =	ssyncset.done $0x0  }
0xec: {  	s19 =	simm.s32 $0x0;
	s23 =	simm.s32 $0x0;
	[sflag:s26] =	ssyncadd.s32 $0xFFFFC000  }
0xed: {  	s25 =	sand.u32 $0x380, s23;
	s11 =	simm.s32 $0x0;
	_ =	swait.ge [sflag:s8], $0x4000  }
0xee: {  	s12 =	sand.u32 $0x2000, s19;
	s13 =	sand.u32 $0x1C00, s11;
	s17 =	rddreg [dreg:$0xe]  }
0xef: {  	s12 =	sor.u32 s13, s12;
	[sflag:s8] =	ssyncset.done $0x0;
	s10 =	sadd.s32 s17, s5  }
0xf0: {  	s12 =	sor.u32 s25, s12;
	[sflag:s8] =	ssyncadd.s32 $0xFFFFC000;
	s18 =	sadd.s32 s1, s10  }
0xf1: {  	[tilespmem:s28], [sflag:$0x3] =	stream.linear.gather [hbm4b:s18+s11], $0x4000, $0x38;
	[tilespmem:$0x18000] =	vst v63  }
0xf2: {  	v0 =	vld [tilespmem:s12+$0x14070]  }
0xf3: {  	v5 =	vld [tilespmem:s12+$0x14000]  }
0xf4: {  	v6 =	vld [tilespmem:s12+$0x14010]  }
0xf5: {  	v4 =	vld [tilespmem:s12+$0x14020]  }
0xf6: {  	v2 =	vld [tilespmem:s12+$0x14030]  }
0xf7: {  	v3 =	vld [tilespmem:s12+$0x14040]  }
0xf8: {  	s13 =	sor.u32 $0x70, s12;
	v1 =	vld [tilespmem:s12+$0x14060]  }
0xf9: {  	[tilespmem:s13+$0x0] =	vst.add.f32.msk $0xffff, v0  }
0xfa: {  	s16 =	sor.u32 $0x30, s12;
	v0 =	vld [tilespmem:s12+$0x14050]  }
0xfb: {  	s15 =	sor.u32 $0x40, s12;
	s14 =	sor.u32 $0x50, s12;
	s18 =	sor.u32 $0x10, s12;
	[tilespmem:s12+$0x0] =	vst.add.f32.msk $0xffff, v5  }
0xfc: {  	s17 =	sor.u32 $0x20, s12;
	s13 =	simm.s32 $0x0;
	s12 =	sor.u32 $0x60, s12;
	[tilespmem:s18+$0x0] =	vst.add.f32.msk $0xffff, v6  }
.LBB2_11:
0xfd: {  	s13 =	sadd.s32 $0x8, s13;
	[tilespmem:s17+$0x0] =	vst.add.f32.msk $0xffff, v4  }
0xfe: {  	s11 =	sadd.s32 $0x400, s11;
	s17 =	sshll.u32 s13, $0x4;
	p1 =	slt.u32 s13, $0x3F8;
	[tilespmem:s16+$0x0] =	vst.add.f32.msk $0xffff, v2  }
0xff: {  	s18 =	sshll.u32 s13, $0x1;
	s16 =	sand.u32 $0x2000, s17;
	s17 =	sand.u32 $0x1C00, s11;
	[tilespmem:s15+$0x0] =	vst.add.f32.msk $0xffff, v3  }
0x100: {  	s15 =	sor.u32 s17, s16;
	s16 =	sand.u32 $0x380, s18;
	[tilespmem:s14+$0x0] =	vst.add.f32.msk $0xffff, v0  }
0x101: {  	s18 =	sor.u32 s16, s15;
	[tilespmem:s12+$0x0] =	vst.add.f32.msk $0xffff, v1  }
0x102: {  	s19 =	sor.u32 $0x10, s18;
	s17 =	sor.u32 $0x20, s18;
	s16 =	sor.u32 $0x30, s18;
	v0 =	vld [tilespmem:s18+$0x14070]  }
0x103: {  	s15 =	sor.u32 $0x40, s18;
	s14 =	sor.u32 $0x50, s18;
	s12 =	sor.u32 $0x60, s18;
	v5 =	vld [tilespmem:s18+$0x14000]  }
0x104: {  	v6 =	vld [tilespmem:s18+$0x14010]  }
0x105: {  	v4 =	vld [tilespmem:s18+$0x14020]  }
0x106: {  	s23 =	sor.u32 $0x70, s18;
	v2 =	vld [tilespmem:s18+$0x14030]  }
0x107: {  	[tilespmem:s23+$0x0] =	vst.add.f32.msk $0xffff, v0  }
.Ltmp6:
0x108: {  	v3 =	vld [tilespmem:s18+$0x14040];
	(pc) =	sbr.rel @p1 .LBB2_11-.Ltmp6, $4  }
0x109: {  	v0 =	vld [tilespmem:s18+$0x14050]  }
0x10a: {  	v1 =	vld [tilespmem:s18+$0x14060]  }
0x10b: {  	[tilespmem:s18+$0x0] =	vst.add.f32.msk $0xffff, v5  }
0x10c: {  	[tilespmem:s19+$0x0] =	vst.add.f32.msk $0xffff, v6  }
0x10d: {  	[tilespmem:s17+$0x0] =	vst.add.f32.msk $0xffff, v4  }
0x10e: {  	[tilespmem:s16+$0x0] =	vst.add.f32.msk $0xffff, v2  }
0x10f: {  	[tilespmem:s15+$0x0] =	vst.add.f32.msk $0xffff, v3  }
0x110: {  	[tilespmem:s14+$0x0] =	vst.add.f32.msk $0xffff, v0  }
0x111: {  	s11 =	sadd.s32 s2, s9;
	s9 =	simm.s32 $0x0;
	[tilespmem:s12+$0x0] =	vst.add.f32.msk $0xffff, v1  }
0x112: {  	[hbm4b:s11+s9] =	stream.linear.scatter [tilespmem:s9], [sflag:$0x5], $0x4000, $0x38;
	[tilespmem:$0x18000] =	vst v63  }
0x113: {  	_ =	swait.ge [sflag:s29], $0x4000  }
0x114: {  	[sflag:s29] =	ssyncset.done $0x0  }
0x115: {  	[sflag:s29] =	ssyncadd.s32 $0xFFFFC000  }
0x116: {  	_ =	swait.ge [sflag:s20], $0x4000  }
0x117: {  	s16 =	sand.u32 $0x7000, s5;
	s17 =	rddreg [dreg:$0xf]  }
0x118: {  	[sflag:s20] =	ssyncset.done $0x0;
	s11 =	sadd.s32 s16, s17  }
0x119: {  	s18 =	simm.s32 $0x0;
	[sflag:s20] =	ssyncadd.s32 $0xFFFFC000;
	s11 =	sadd.s32 $0x800, s11  }
0x11a: {  	[tilespmem:s30], [sflag:$0x4] =	stream.linear.gather [hbm4b:s11+s9], $0x4000, $0x38;
	[tilespmem:$0x18000] =	vst v63  }
0x11b: {  	s13 =	simm.s32 $0x0;
	s19 =	sand.u32 $0x1C00, s9;
	s11 =	sand.u32 $0x2000, s18  }
0x11c: {  	s23 =	sand.u32 $0x380, s13;
	s11 =	sor.u32 s19, s11  }
0x11d: {  	s13 =	sor.u32 s23, s11  }
0x11e: {  	v0 =	vld [tilespmem:s13+$0x14070]  }
0x11f: {  	v5 =	vld [tilespmem:s13+$0x14000]  }
0x120: {  	v6 =	vld [tilespmem:s13+$0x14010]  }
0x121: {  	v4 =	vld [tilespmem:s13+$0x14020]  }
0x122: {  	v1 =	vld [tilespmem:s13+$0x14030]  }
0x123: {  	v3 =	vld [tilespmem:s13+$0x14040]  }
0x124: {  	s11 =	sor.u32 $0x4070, s13;
	v2 =	vld [tilespmem:s13+$0x14060]  }
0x125: {  	[tilespmem:s11+$0x0] =	vst.add.f32.msk $0xffff, v0  }
0x126: {  	s12 =	sor.u32 $0x4000, s13;
	s25 =	sor.u32 $0x4010, s13;
	v0 =	vld [tilespmem:s13+$0x14050]  }
0x127: {  	s15 =	sor.u32 $0x4020, s13;
	s16 =	sor.u32 $0x4030, s13;
	s14 =	sor.u32 $0x4040, s13;
	[tilespmem:s12+$0x0] =	vst.add.f32.msk $0xffff, v5  }
0x128: {  	s11 =	simm.s32 $0x0;
	s12 =	sor.u32 $0x4050, s13;
	s13 =	sor.u32 $0x4060, s13;
	[tilespmem:s25+$0x0] =	vst.add.f32.msk $0xffff, v6  }
.LBB2_13:
0x129: {  	s11 =	sadd.s32 $0x8, s11;
	[tilespmem:s15+$0x0] =	vst.add.f32.msk $0xffff, v4  }
0x12a: {  	s9 =	sadd.s32 $0x400, s9;
	s15 =	sshll.u32 s11, $0x4;
	p1 =	slt.u32 s11, $0x3F8;
	[tilespmem:s16+$0x0] =	vst.add.f32.msk $0xffff, v1  }
0x12b: {  	s16 =	sand.u32 $0x1C00, s9;
	s17 =	sshll.u32 s11, $0x1;
	s15 =	sand.u32 $0x2000, s15;
	[tilespmem:s14+$0x0] =	vst.add.f32.msk $0xffff, v3  }
0x12c: {  	s14 =	sor.u32 s16, s15;
	s15 =	sand.u32 $0x380, s17;
	[tilespmem:s12+$0x0] =	vst.add.f32.msk $0xffff, v0  }
0x12d: {  	s17 =	sor.u32 s15, s14;
	[tilespmem:s13+$0x0] =	vst.add.f32.msk $0xffff, v2  }
0x12e: {  	s18 =	sor.u32 $0x4000, s17;
	s19 =	sor.u32 $0x4010, s17;
	s15 =	sor.u32 $0x4020, s17;
	v0 =	vld [tilespmem:s17+$0x14070]  }
0x12f: {  	s16 =	sor.u32 $0x4030, s17;
	s14 =	sor.u32 $0x4040, s17;
	s12 =	sor.u32 $0x4050, s17;
	v5 =	vld [tilespmem:s17+$0x14000]  }
0x130: {  	s13 =	sor.u32 $0x4060, s17;
	v6 =	vld [tilespmem:s17+$0x14010]  }
0x131: {  	v4 =	vld [tilespmem:s17+$0x14020]  }
0x132: {  	s23 =	sor.u32 $0x4070, s17;
	v1 =	vld [tilespmem:s17+$0x14030]  }
0x133: {  	[tilespmem:s23+$0x0] =	vst.add.f32.msk $0xffff, v0  }
.Ltmp7:
0x134: {  	v3 =	vld [tilespmem:s17+$0x14040];
	(pc) =	sbr.rel @p1 .LBB2_13-.Ltmp7, $4  }
0x135: {  	v0 =	vld [tilespmem:s17+$0x14050]  }
0x136: {  	v2 =	vld [tilespmem:s17+$0x14060]  }
0x137: {  	[tilespmem:s18+$0x0] =	vst.add.f32.msk $0xffff, v5  }
0x138: {  	[tilespmem:s19+$0x0] =	vst.add.f32.msk $0xffff, v6  }
0x139: {  	[tilespmem:s15+$0x0] =	vst.add.f32.msk $0xffff, v4  }
0x13a: {  	[tilespmem:s16+$0x0] =	vst.add.f32.msk $0xffff, v1  }
0x13b: {  	[tilespmem:s14+$0x0] =	vst.add.f32.msk $0xffff, v3  }
0x13c: {  	[tilespmem:s12+$0x0] =	vst.add.f32.msk $0xffff, v0  }
0x13d: {  	s9 =	sadd.s32 s2, s24;
	s11 =	simm.s32 $0x4000;
	[tilespmem:s13+$0x0] =	vst.add.f32.msk $0xffff, v2  }
0x13e: {  	[hbm4b:s9+s4] =	stream.linear.scatter [tilespmem:s11], [sflag:$0x6], $0x4000, $0x38;
	[tilespmem:$0x18000] =	vst v63  }
0x13f: {  	_ =	swait.ge [sflag:s31], $0x4000  }
0x140: {  	[sflag:s31] =	ssyncset.done $0x0  }
0x141: {  	s9 =	simm.s32 @!p0 $0x5;
	[sflag:s31] =	ssyncadd.s32 $0xFFFFC000  }
0x142: {  	_ =	swait.ge @!p0 [sflag:s9], $0x4000  }
0x143: {  	[sflag:s9] =	ssyncset.done @!p0 $0x0  }
0x144: {  	[sflag:s9] =	ssyncadd.s32 @!p0 $0xFFFFC000;
	s9 =	rddreg [dreg:$0x10]  }
0x145: {  	s11 =	simm.s32 @!p0 $0x0;
	s9 =	sadd.s32 @!p0 s5, s9  }
0x146: {  	[tilespmem:s11], [sflag:$0x1] =	stream.linear.gather @!p0 [hbm4b:s9+s11], $0x4000, $0x38;
	[tilespmem:$0x18000] =	vst v63  }
0x147: {  	s19 =	simm.s32 $0x0;
	s9 =	simm.s32 $0x0  }
0x148: {  	s24 =	simm.s32 $0x0;
	s11 =	sand.u32 $0x2000, s19;
	s23 =	sand.u32 $0x1C00, s9  }
0x149: {  	s25 =	sand.u32 $0x380, s24;
	s11 =	sor.u32 s23, s11  }
0x14a: {  	s13 =	sor.u32 s25, s11  }
0x14b: {  	v0 =	vld [tilespmem:s13+$0x14070]  }
0x14c: {  	v5 =	vld [tilespmem:s13+$0x14000]  }
0x14d: {  	v6 =	vld [tilespmem:s13+$0x14010]  }
0x14e: {  	v4 =	vld [tilespmem:s13+$0x14020]  }
0x14f: {  	v1 =	vld [tilespmem:s13+$0x14030]  }
0x150: {  	v3 =	vld [tilespmem:s13+$0x14040]  }
0x151: {  	s11 =	sor.u32 $0x8070, s13;
	v2 =	vld [tilespmem:s13+$0x14060]  }
0x152: {  	[tilespmem:s11+$0x0] =	vst.add.f32.msk $0xffff, v0  }
0x153: {  	s12 =	sor.u32 $0x8000, s13;
	s17 =	sor.u32 $0x8010, s13;
	v0 =	vld [tilespmem:s13+$0x14050]  }
0x154: {  	s15 =	sor.u32 $0x8020, s13;
	s16 =	sor.u32 $0x8030, s13;
	s14 =	sor.u32 $0x8040, s13;
	[tilespmem:s12+$0x0] =	vst.add.f32.msk $0xffff, v5  }
0x155: {  	s11 =	simm.s32 $0x0;
	s12 =	sor.u32 $0x8050, s13;
	s13 =	sor.u32 $0x8060, s13;
	[tilespmem:s17+$0x0] =	vst.add.f32.msk $0xffff, v6  }
.LBB2_15:
0x156: {  	s11 =	sadd.s32 $0x8, s11;
	[tilespmem:s15+$0x0] =	vst.add.f32.msk $0xffff, v4  }
0x157: {  	s9 =	sadd.s32 $0x400, s9;
	s15 =	sshll.u32 s11, $0x4;
	p1 =	slt.u32 s11, $0x3F8;
	[tilespmem:s16+$0x0] =	vst.add.f32.msk $0xffff, v1  }
0x158: {  	s16 =	sand.u32 $0x1C00, s9;
	s17 =	sshll.u32 s11, $0x1;
	s15 =	sand.u32 $0x2000, s15;
	[tilespmem:s14+$0x0] =	vst.add.f32.msk $0xffff, v3  }
0x159: {  	s14 =	sor.u32 s16, s15;
	s15 =	sand.u32 $0x380, s17;
	[tilespmem:s12+$0x0] =	vst.add.f32.msk $0xffff, v0  }
0x15a: {  	s17 =	sor.u32 s15, s14;
	[tilespmem:s13+$0x0] =	vst.add.f32.msk $0xffff, v2  }
0x15b: {  	s18 =	sor.u32 $0x8000, s17;
	s19 =	sor.u32 $0x8010, s17;
	s15 =	sor.u32 $0x8020, s17;
	v0 =	vld [tilespmem:s17+$0x14070]  }
0x15c: {  	s16 =	sor.u32 $0x8030, s17;
	s14 =	sor.u32 $0x8040, s17;
	s12 =	sor.u32 $0x8050, s17;
	v5 =	vld [tilespmem:s17+$0x14000]  }
0x15d: {  	s13 =	sor.u32 $0x8060, s17;
	v6 =	vld [tilespmem:s17+$0x14010]  }
0x15e: {  	v4 =	vld [tilespmem:s17+$0x14020]  }
0x15f: {  	s23 =	sor.u32 $0x8070, s17;
	v1 =	vld [tilespmem:s17+$0x14030]  }
0x160: {  	[tilespmem:s23+$0x0] =	vst.add.f32.msk $0xffff, v0  }
.Ltmp8:
0x161: {  	v3 =	vld [tilespmem:s17+$0x14040];
	(pc) =	sbr.rel @p1 .LBB2_15-.Ltmp8, $4  }
0x162: {  	v0 =	vld [tilespmem:s17+$0x14050]  }
0x163: {  	v2 =	vld [tilespmem:s17+$0x14060]  }
0x164: {  	[tilespmem:s18+$0x0] =	vst.add.f32.msk $0xffff, v5  }
0x165: {  	[tilespmem:s19+$0x0] =	vst.add.f32.msk $0xffff, v6  }
0x166: {  	[tilespmem:s15+$0x0] =	vst.add.f32.msk $0xffff, v4  }
0x167: {  	[tilespmem:s16+$0x0] =	vst.add.f32.msk $0xffff, v1  }
0x168: {  	[tilespmem:s14+$0x0] =	vst.add.f32.msk $0xffff, v3  }
0x169: {  	[tilespmem:s12+$0x0] =	vst.add.f32.msk $0xffff, v0  }
0x16a: {  	s9 =	sadd.s32 s2, s10;
	[tilespmem:s13+$0x0] =	vst.add.f32.msk $0xffff, v2  }
0x16b: {  	[hbm4b:s9+s4] =	stream.linear.scatter [tilespmem:s28], [sflag:$0x7], $0x4000, $0x38;
	[tilespmem:$0x18000] =	vst v63  }
0x16c: {  	_ =	swait.ge [sflag:s3], $0x4000  }
0x16d: {  	[sflag:s3] =	ssyncset.done $0x0  }
0x16e: {  	s9 =	simm.s32 @!p0 $0x6;
	[sflag:s3] =	ssyncadd.s32 $0xFFFFC000  }
0x16f: {  	_ =	swait.ge @!p0 [sflag:s9], $0x4000  }
0x170: {  	[sflag:s9] =	ssyncset.done @!p0 $0x0  }
0x171: {  	[sflag:s9] =	ssyncadd.s32 @!p0 $0xFFFFC000;
	s9 =	rddreg [dreg:$0x11]  }
0x172: {  	s10 =	simm.s32 @!p0 $0x0;
	s11 =	simm.s32 @!p0 $0x4000;
	s9 =	sadd.s32 @!p0 s5, s9  }
0x173: {  	[tilespmem:s11], [sflag:$0x2] =	stream.linear.gather @!p0 [hbm4b:s9+s10], $0x4000, $0x38;
	[tilespmem:$0x18000] =	vst v63  }
0x174: {  	s17 =	simm.s32 $0x0;
	s9 =	simm.s32 $0x0  }
0x175: {  	s19 =	simm.s32 $0x0;
	s10 =	sand.u32 $0x2000, s17;
	s18 =	sand.u32 $0x1C00, s9  }
0x176: {  	s23 =	sand.u32 $0x380, s19;
	s10 =	sor.u32 s18, s10  }
0x177: {  	s11 =	sor.u32 s23, s10  }
0x178: {  	v0 =	vld [tilespmem:s11+$0x14070]  }
0x179: {  	v5 =	vld [tilespmem:s11+$0x14000]  }
0x17a: {  	v6 =	vld [tilespmem:s11+$0x14010]  }
0x17b: {  	v4 =	vld [tilespmem:s11+$0x14020]  }
0x17c: {  	v2 =	vld [tilespmem:s11+$0x14030]  }
0x17d: {  	v3 =	vld [tilespmem:s11+$0x14040]  }
0x17e: {  	s10 =	sor.u32 $0xC070, s11;
	v1 =	vld [tilespmem:s11+$0x14060]  }
0x17f: {  	[tilespmem:s10+$0x0] =	vst.add.f32.msk $0xffff, v0  }
0x180: {  	s24 =	sor.u32 $0xC000, s11;
	s25 =	sor.u32 $0xC010, s11;
	v0 =	vld [tilespmem:s11+$0x14050]  }
0x181: {  	s14 =	sor.u32 $0xC020, s11;
	s15 =	sor.u32 $0xC030, s11;
	s13 =	sor.u32 $0xC040, s11;
	[tilespmem:s24+$0x0] =	vst.add.f32.msk $0xffff, v5  }
0x182: {  	s12 =	sor.u32 $0xC050, s11;
	s10 =	simm.s32 $0x0;
	s11 =	sor.u32 $0xC060, s11;
	[tilespmem:s25+$0x0] =	vst.add.f32.msk $0xffff, v6  }
.LBB2_17:
0x183: {  	s10 =	sadd.s32 $0x8, s10;
	[tilespmem:s14+$0x0] =	vst.add.f32.msk $0xffff, v4  }
0x184: {  	s9 =	sadd.s32 $0x400, s9;
	s14 =	sshll.u32 s10, $0x4;
	p1 =	slt.u32 s10, $0x3F8;
	[tilespmem:s15+$0x0] =	vst.add.f32.msk $0xffff, v2  }
0x185: {  	s15 =	sand.u32 $0x1C00, s9;
	s16 =	sshll.u32 s10, $0x1;
	s14 =	sand.u32 $0x2000, s14;
	[tilespmem:s13+$0x0] =	vst.add.f32.msk $0xffff, v3  }
0x186: {  	s13 =	sor.u32 s15, s14;
	s14 =	sand.u32 $0x380, s16;
	[tilespmem:s12+$0x0] =	vst.add.f32.msk $0xffff, v0  }
0x187: {  	s16 =	sor.u32 s14, s13;
	[tilespmem:s11+$0x0] =	vst.add.f32.msk $0xffff, v1  }
0x188: {  	s17 =	sor.u32 $0xC000, s16;
	s18 =	sor.u32 $0xC010, s16;
	s14 =	sor.u32 $0xC020, s16;
	v0 =	vld [tilespmem:s16+$0x14070]  }
0x189: {  	s15 =	sor.u32 $0xC030, s16;
	s13 =	sor.u32 $0xC040, s16;
	s12 =	sor.u32 $0xC050, s16;
	v5 =	vld [tilespmem:s16+$0x14000]  }
0x18a: {  	s11 =	sor.u32 $0xC060, s16;
	v6 =	vld [tilespmem:s16+$0x14010]  }
0x18b: {  	v4 =	vld [tilespmem:s16+$0x14020]  }
0x18c: {  	s19 =	sor.u32 $0xC070, s16;
	v2 =	vld [tilespmem:s16+$0x14030]  }
0x18d: {  	[tilespmem:s19+$0x0] =	vst.add.f32.msk $0xffff, v0  }
.Ltmp9:
0x18e: {  	v3 =	vld [tilespmem:s16+$0x14040];
	(pc) =	sbr.rel @p1 .LBB2_17-.Ltmp9, $4  }
0x18f: {  	v0 =	vld [tilespmem:s16+$0x14050]  }
0x190: {  	v1 =	vld [tilespmem:s16+$0x14060]  }
0x191: {  	[tilespmem:s17+$0x0] =	vst.add.f32.msk $0xffff, v5  }
0x192: {  	[tilespmem:s18+$0x0] =	vst.add.f32.msk $0xffff, v6  }
0x193: {  	[tilespmem:s14+$0x0] =	vst.add.f32.msk $0xffff, v4  }
0x194: {  	[tilespmem:s15+$0x0] =	vst.add.f32.msk $0xffff, v2  }
0x195: {  	[tilespmem:s13+$0x0] =	vst.add.f32.msk $0xffff, v3  }
.Ltmp10:
0x196: {  	[tilespmem:s12+$0x0] =	vst.add.f32.msk $0xffff, v0;
	(pc) =	sbr.rel @p0 .LBB2_20-.Ltmp10, $4  }
0x197: {  	[tilespmem:s11+$0x0] =	vst.add.f32.msk $0xffff, v1  }
0x198: {  	s5 =	sor.u32 $0x800, s5;
	s9 =	rddreg [dreg:$0x12]  }
0x199: {  	s9 =	sadd.s32 s5, s9  }
0x19a: {  	[hbm4b:s9+s4] =	stream.linear.scatter [tilespmem:s30], [sflag:$0x8], $0x4000, $0x38;
	[tilespmem:$0x18000] =	vst v63  }
.Ltmp11:
0x19b: {  	(pc) =	sbr.rel .LBB2_2-.Ltmp11, $3  }
0x19c: {  	_ =	sdelay $0x1  }
0x19d: {  	s5 =	sadd.s32 s21, s5;
	s9 =	simm.s32 $0x14000;
	s6 =	sadd.s32 $0x1, s6  }
0x19e: {  	[tilespmem:s9], [sflag:$0xA] =	stream.linear.gather [hbm4b:s5+s4], $0x4000, $0x38;
	[tilespmem:$0x18000] =	vst v63  }
.LBB2_21:
0x19f: {  	_ =	sfence.sel $0x180000  }
0x1a0: {  	[bflag:$0x0] =	sbarrier.arrive $0xFFFF  }
0x1a1: {  	_ =	strace $0x90000047  }
0x1a2: {  	s0 =	stileid.u32;
	[bflag:$0x2] =	sbarrier.arrive $0xFFFF  }
0x1a3: {  	p0 =	sne.s32 s0, $0x0;
	s0 =	rddreg [dreg:$0x3]  }
0x1a4: {  	s0 =	sadd.s32 @!p0 $0x100000, s0  }
0x1a5: {  	[sflag:s0] =	ssyncadd.tile.s32 @!p0 $0x1;
	_ =	shalt  }
.Lfunc_end2:
_tile_overlayer_lowered:
.L_overlay_start_2:
0x1a6: {  	(tag) =	ssettag $0x2  }
0x1a7: {  	s0 =	rddreg [dreg:$0x0];
	s2 =	stileid.u32  }
0x1a8: {  	s1 =	rddreg [dreg:$0x1];
	p0 =	sne.s32 s2, $0x0  }
0x1a9: {  	s3 =	rddreg [dreg:$0x2];
	[bflag:$0x3] =	sbarrier.arrive $0xFFFF;
	s2 =	simm.s32 @!p0 $0x1C0B  }
0x1aa: {  	[timem:s3], [sflag:s2] =	dma.local @!p0 [hbm:s0], s1  }
0x1ab: {  	s0 =	simm.s32 @!p0 $0xB  }
0x1ac: {  	_ =	swait.ge @!p0 [sflag:s0], s1  }
0x1ad: {  	s1 =	ssub.s32 @!p0 $0x0, s1;
	[sflag:s0] =	ssyncset.done @!p0 $0x0  }
0x1ae: {  	[sflag:s0] =	ssyncadd.s32 @!p0 s1  }
0x1af: {  	[bflag:$0x3] =	sbarrier.arrive $0xFFFF  }
0x1b0: {  	_ =	shalt  }

</sc_bundles>
